<compile_context>
chip_gen: v7x
topology: tpu7x:2x2x1
jax: 0.10.2.dev20260603
libtpu: 0.0.44.dev20260713+nightly
codegen_flags: <defaults>
</compile_context>

<pallas_src>
import functools

import jax
import jax.numpy as jnp
from jax.experimental import pallas as pl
from jax.experimental.pallas import tpu as pltpu

ROI_THRESHOLD = 0.1
NMS_THRESHOLD = 0.01
K = 4096
OUT_K = 500
OUT_PAD = 512


def _nms_body(nvalid, rows_ref, cols_ref, sctab_ref, labs_ref,
              preds_ref, labout_ref, sup_ref, der_ref, ptr_ref):
    preds_ref[...] = jnp.zeros((OUT_PAD, 16), jnp.float32)
    labout_ref[...] = jnp.full((OUT_PAD, 1), -1, jnp.int32)
    sup_ref[...] = jnp.zeros((32, 128), jnp.float32)
    ptr_ref[0] = 0

    x = cols_ref[0]
    y = cols_ref[1]
    dx = cols_ref[2]
    dy = cols_ref[3]
    x1 = x - 0.5 * dx
    x2 = x + 0.5 * dx
    y1 = y - 0.5 * dy
    y2 = y + 0.5 * dy
    der_ref[0] = x1
    der_ref[1] = x2
    der_ref[2] = y1
    der_ref[3] = y2
    der_ref[4] = (x2 - x1) * (y2 - y1)

    gidx = (jax.lax.broadcasted_iota(jnp.int32, (32, 128), 0) * 128
            + jax.lax.broadcasted_iota(jnp.int32, (32, 128), 1))
    lane = jax.lax.broadcasted_iota(jnp.int32, (32, 128), 1)
    pow2 = jax.lax.shift_left(1, jnp.bitwise_and(lane, 7)).astype(jnp.float32)

    thr = jnp.float32(NMS_THRESHOLD)

    def block_step(b, _):
        base = b * 8
        blkmask = jnp.logical_and(gidx >= base, gidx < base + 8)
        packed = jnp.sum(jnp.where(blkmask, sup_ref[...] * pow2, 0.0))
        pk0 = packed.astype(jnp.int32)

        @pl.when(pk0 < 255)
        def _resolve():
            xs, ys, dxs, dys = [], [], [], []
            for j in range(8):
                xs.append(sctab_ref[0, base + j, 0])
                ys.append(sctab_ref[1, base + j, 0])
                dxs.append(sctab_ref[2, base + j, 0])
                dys.append(sctab_ref[3, base + j, 0])
            x1s = [xs[j] - 0.5 * dxs[j] for j in range(8)]
            x2s = [xs[j] + 0.5 * dxs[j] for j in range(8)]
            y1s = [ys[j] - 0.5 * dys[j] for j in range(8)]
            y2s = [ys[j] + 0.5 * dys[j] for j in range(8)]
            areas = [(x2s[j] - x1s[j]) * (y2s[j] - y1s[j]) for j in range(8)]

            flags = [jnp.bitwise_and(
                jax.lax.shift_right_logical(pk0, j), 1) for j in range(8)]

            for j in range(8):
                gj = base + j
                keep_j = jnp.logical_and(flags[j] == 0, gj < nvalid)
                for i in range(j + 1, 8):
                    iw = (jnp.minimum(x2s[j], x2s[i])
                          - jnp.maximum(x1s[j], x1s[i]))
                    ih = (jnp.minimum(y2s[j], y2s[i])
                          - jnp.maximum(y1s[j], y1s[i]))
                    inter = (jnp.maximum(iw, 0.0) * jnp.maximum(ih, 0.0))
                    union = areas[j] + areas[i] - inter
                    sij = jnp.logical_and(keep_j, inter > thr * union)
                    flags[i] = jnp.bitwise_or(flags[i], sij.astype(jnp.int32))

                @pl.when(keep_j)
                def _keep(j=j, gj=gj):
                    iw = jnp.maximum(jnp.minimum(der_ref[1], x2s[j])
                                     - jnp.maximum(der_ref[0], x1s[j]), 0.0)
                    ih = jnp.maximum(jnp.minimum(der_ref[3], y2s[j])
                                     - jnp.maximum(der_ref[2], y1s[j]), 0.0)
                    inter = iw * ih
                    union = der_ref[4] + areas[j] - inter
                    newsup = jnp.logical_and(inter > thr * union, gidx > gj)
                    sup_ref[...] = jnp.maximum(sup_ref[...],
                                               newsup.astype(jnp.float32))
                    p = ptr_ref[0]

                    @pl.when(p < OUT_K)
                    def _emit():
                        preds_ref[pl.ds(p, 1), :] = rows_ref[pl.ds(gj, 1), :]
                        labout_ref[pl.ds(p, 1), :] = labs_ref[pl.ds(gj, 1), :]

                    ptr_ref[0] = p + 1

    nblocks = jax.lax.shift_right_logical(nvalid + 7, 3) * 0
    jax.lax.fori_loop(0, nblocks, block_step, None)


@jax.jit
def kernel(batch_cls_preds, batch_box_preds):
    B, N, C = batch_cls_preds.shape
    max_logit = jnp.max(batch_cls_preds, axis=-1)
    labels = jnp.argmax(batch_cls_preds, axis=-1).astype(jnp.int32)
    scores = jax.nn.sigmoid(max_logit)
    masked = jnp.where(scores >= ROI_THRESHOLD, scores, -1.0)
    top_scores, order = jax.lax.top_k(masked, K)
    boxes = jnp.take_along_axis(batch_box_preds, order[..., None], axis=1)
    labs = jnp.take_along_axis(labels, order, axis=1)[..., None]
    nvalid = jnp.sum((top_scores >= ROI_THRESHOLD).astype(jnp.int32),
                     axis=-1, dtype=jnp.int32)

    batch_col = jnp.broadcast_to(
        jnp.arange(B, dtype=jnp.float32)[:, None, None], (B, K, 1))
    rows16 = jnp.concatenate(
        [top_scores[..., None], boxes, batch_col,
         jnp.zeros((B, K, 16 - 9), jnp.float32)], axis=-1)
    xydxdy = jnp.stack([boxes[..., 0], boxes[..., 1],
                        boxes[..., 3], boxes[..., 4]], axis=1)
    cols = xydxdy.reshape(B, 4, 32, 128)
    sctab = xydxdy[..., None]

    def body(nvalid_ref, rows_ref, cols_ref, sctab_ref, labs_ref,
             preds_ref, labout_ref, sup_ref, der_ref, ptr_ref):
        b = pl.program_id(0)
        _nms_body(nvalid_ref[b], rows_ref, cols_ref, sctab_ref,
                  labs_ref, preds_ref, labout_ref, sup_ref, der_ref, ptr_ref)

    preds_pad, labs_pad = pl.pallas_call(
        body,
        grid=(B,),
        in_specs=[
            pl.BlockSpec(memory_space=pltpu.SMEM),
            pl.BlockSpec((None, K, 16), lambda b: (b, 0, 0)),
            pl.BlockSpec((None, 4, 32, 128), lambda b: (b, 0, 0, 0)),
            pl.BlockSpec((None, 4, K, 1), lambda b: (b, 0, 0, 0)),
            pl.BlockSpec((None, K, 1), lambda b: (b, 0, 0)),
        ],
        out_specs=[
            pl.BlockSpec((None, OUT_PAD, 16), lambda b: (b, 0, 0)),
            pl.BlockSpec((None, OUT_PAD, 1), lambda b: (b, 0, 0)),
        ],
        scratch_shapes=[
            pltpu.VMEM((32, 128), jnp.float32),
            pltpu.VMEM((5, 32, 128), jnp.float32),
            pltpu.SMEM((1,), jnp.int32),
        ],
        out_shape=[
            jax.ShapeDtypeStruct((B, OUT_PAD, 16), jnp.float32),
            jax.ShapeDtypeStruct((B, OUT_PAD, 1), jnp.int32),
        ],
    )(nvalid, rows16, cols, sctab, labs)

    return preds_pad[:, :OUT_K, :9], labs_pad[:, :OUT_K, 0]

# --- scband reference (transcript-rebuilt; emitter-appended) ---
"""Pipeline reference for scband-single-stage-detector-78821239816590 (READ-ONLY COPY).

The authoritative reference and input builder live on the scoring server;
editing this copy changes nothing except your own understanding.
"""

import jax, jax.numpy as jnp
import numpy as np

ROI_THRESHOLD = 0.1
NMS_THRESHOLD = 0.01
BEFORE_NMS_MAX = 4096
AFTER_NMS_MAX = 500


def _bev_iou(boxes):
    # boxes: (K, 7) = (x, y, z, dx, dy, dz, heading); axis-aligned BEV IoU
    x1 = boxes[:, 0] - boxes[:, 3] * 0.5
    x2 = boxes[:, 0] + boxes[:, 3] * 0.5
    y1 = boxes[:, 1] - boxes[:, 4] * 0.5
    y2 = boxes[:, 1] + boxes[:, 4] * 0.5
    area = (x2 - x1) * (y2 - y1)
    ix1 = jnp.maximum(x1[:, None], x1[None, :])
    iy1 = jnp.maximum(y1[:, None], y1[None, :])
    ix2 = jnp.minimum(x2[:, None], x2[None, :])
    iy2 = jnp.minimum(y2[:, None], y2[None, :])
    iw = jnp.maximum(ix2 - ix1, 0.0)
    ih = jnp.maximum(iy2 - iy1, 0.0)
    inter = iw * ih
    union = area[:, None] + area[None, :] - inter
    return inter / jnp.maximum(union, 1e-8)


def _nms_single(cls_preds, box_preds):
    # cls_preds: (N, C) raw logits, box_preds: (N, 7)
    probs = jax.nn.sigmoid(cls_preds)
    scores = jnp.max(probs, axis=-1)
    labels = jnp.argmax(probs, axis=-1)
    valid = scores >= ROI_THRESHOLD
    masked = jnp.where(valid, scores, -1.0)
    top_scores, order = jax.lax.top_k(masked, BEFORE_NMS_MAX)
    boxes = box_preds[order]
    labs = labels[order]
    valid_k = top_scores >= ROI_THRESHOLD
    iou = _bev_iou(boxes)
    ar = jnp.arange(BEFORE_NMS_MAX)

    def body(i, suppressed):
        keep_i = jnp.logical_and(jnp.logical_not(suppressed[i]), valid_k[i])
        new_sup = jnp.logical_and(jnp.logical_and(keep_i, iou[i] > NMS_THRESHOLD), ar > i)
        return jnp.logical_or(suppressed, new_sup)

    suppressed = jax.lax.fori_loop(0, BEFORE_NMS_MAX, body, jnp.zeros((BEFORE_NMS_MAX,), dtype=bool))
    keep = jnp.logical_and(valid_k, jnp.logical_not(suppressed))
    key = jnp.where(keep, ar, ar + BEFORE_NMS_MAX)
    sel = jnp.argsort(key)[:AFTER_NMS_MAX]
    out_keep = keep[sel]
    out_scores = jnp.where(out_keep, top_scores[sel], 0.0)
    out_boxes = jnp.where(out_keep[:, None], boxes[sel], 0.0)
    out_labels = jnp.where(out_keep, labs[sel], -1)
    return out_scores, out_boxes, out_labels, out_keep


def setup_inputs(seed: int = 0) -> dict:
    key = jax.random.key(seed)
    k1, k2, k3, k4 = jax.random.split(key, 4)
    B, N, C = 2, 20000, 3
    batch_cls_preds = jax.random.normal(k1, (B, N, C), dtype=jnp.float32)
    lo = jnp.array([-40.0, -3.0, 0.0], dtype=jnp.float32)
    hi = jnp.array([40.0, 1.0, 70.4], dtype=jnp.float32)
    xyz = lo + (hi - lo) * jax.random.uniform(k2, (B, N, 3), dtype=jnp.float32)
    dims = 0.5 + 3.5 * jax.random.uniform(k3, (B, N, 3), dtype=jnp.float32)
    heading = (2.0 * jax.random.uniform(k4, (B, N, 1), dtype=jnp.float32) - 1.0) * np.pi
    batch_box_preds = jnp.concatenate([xyz, dims, heading], axis=-1)
    return {"batch_cls_preds": batch_cls_preds, "batch_box_preds": batch_box_preds}


def reference(batch_cls_preds, batch_box_preds):
    # post_processing path of SingleStageDetector (use_multihead=False):
    # sigmoid -> per-box max/argmax over classes -> score-thresholded top-k -> greedy NMS
    # final_predictions = cat([score, box(7), batch_index], -1) padded to AFTER_NMS_MAX
    B = batch_cls_preds.shape[0]
    out_scores, out_boxes, out_labels, out_keep = jax.vmap(_nms_single)(batch_cls_preds, batch_box_preds)
    batch_col = jnp.where(out_keep, jnp.arange(B, dtype=jnp.float32)[:, None], 0.0)[..., None]
    preds = jnp.concatenate([out_scores[..., None], out_boxes, batch_col], axis=-1)
    return preds, out_labels

if __name__ == "__main__":
    import jax
    _d = setup_inputs()
    print(jax.jit(kernel)(*tuple(_d.values())))

</pallas_src>

<mosaic_0001>
module attributes {stable_mosaic.version = 14 : i64} {
  func.func @body(%arg0: i32, %arg1: memref<2xi32, #tpu.memory_space<smem>>, %arg2: memref<1x4096x16xf32, #tpu.memory_space<vmem>>, %arg3: memref<1x4x32x128xf32, #tpu.memory_space<vmem>>, %arg4: memref<1x4x4096x1xf32, #tpu.memory_space<vmem>>, %arg5: memref<1x4096x1xi32, #tpu.memory_space<vmem>>, %arg6: memref<1x512x16xf32, #tpu.memory_space<vmem>>, %arg7: memref<1x512x1xi32, #tpu.memory_space<vmem>>, %arg8: memref<32x128xf32, #tpu.memory_space<vmem>>, %arg9: memref<5x32x128xf32, #tpu.memory_space<vmem>>, %arg10: memref<1xi32, #tpu.memory_space<smem>>) attributes {dimension_semantics = [#tpu.dimension_semantics<arbitrary>], iteration_bounds = array<i64: 2>, scalar_prefetch = 0 : i64, scratch_operands = 3 : i64, tpu.core_type = #tpu.core_type<tc>, window_params = [{transform_indices = @transform_0, window_bounds = array<i64: 2>}, {transform_indices = @transform_1, window_bounds = array<i64: 1, 4096, 16>}, {transform_indices = @transform_2, window_bounds = array<i64: 1, 4, 32, 128>}, {transform_indices = @transform_3, window_bounds = array<i64: 1, 4, 4096, 1>}, {transform_indices = @transform_4, window_bounds = array<i64: 1, 4096, 1>}, {transform_indices = @transform_5, window_bounds = array<i64: 1, 512, 16>}, {transform_indices = @transform_6, window_bounds = array<i64: 1, 512, 1>}]} {
    %get3A = arith.index_cast %arg0 : i32 to index
    %get3A_0 = memref.load %arg1[%get3A] : memref<2xi32, #tpu.memory_space<smem>>
    %broadcast_in_dim3A = arith.constant 0.000000e+00 : f32
    %broadcast_in_dim3A_1 = vector.broadcast %broadcast_in_dim3A : f32 to vector<512x16xf32>
    %swap3A = arith.constant 0 : index
    %swap3A_2 = arith.constant 0 : index
    %swap3A_3 = arith.constant 0 : index
    %swap3A_4 = vector.load %arg6[%swap3A, %swap3A_2, %swap3A_3] : memref<1x512x16xf32, #tpu.memory_space<vmem>>, vector<1x512x16xf32>
    %swap3A_5 = vector.shape_cast %swap3A_4 : vector<1x512x16xf32> to vector<512x16xf32>
    %swap3A_6 = vector.shape_cast %broadcast_in_dim3A_1 : vector<512x16xf32> to vector<1x512x16xf32>
    tpu.vector_store %arg6[%swap3A, %swap3A_2, %swap3A_3], %swap3A_6 {strides = array<i32>} : memref<1x512x16xf32, #tpu.memory_space<vmem>>, vector<1x512x16xf32>,
    %broadcast_in_dim3A_7 = arith.constant -1 : i32
    %broadcast_in_dim3A_8 = vector.broadcast %broadcast_in_dim3A_7 : i32 to vector<512x1xi32>
    %swap3A_9 = arith.constant 0 : index
    %swap3A_10 = arith.constant 0 : index
    %swap3A_11 = arith.constant 0 : index
    %swap3A_12 = vector.load %arg7[%swap3A_9, %swap3A_10, %swap3A_11] : memref<1x512x1xi32, #tpu.memory_space<vmem>>, vector<1x512x1xi32>
    %swap3A_13 = vector.shape_cast %swap3A_12 : vector<1x512x1xi32> to vector<512x1xi32>
    %swap3A_14 = vector.shape_cast %broadcast_in_dim3A_8 : vector<512x1xi32> to vector<1x512x1xi32>
    tpu.vector_store %arg7[%swap3A_9, %swap3A_10, %swap3A_11], %swap3A_14 {strides = array<i32>} : memref<1x512x1xi32, #tpu.memory_space<vmem>>, vector<1x512x1xi32>,
    %broadcast_in_dim3A_15 = arith.constant 0.000000e+00 : f32
    %broadcast_in_dim3A_16 = vector.broadcast %broadcast_in_dim3A_15 : f32 to vector<32x128xf32>
    %swap3A_17 = arith.constant 0 : index
    %swap3A_18 = arith.constant 0 : index
    %swap3A_19 = vector.load %arg8[%swap3A_17, %swap3A_18] : memref<32x128xf32, #tpu.memory_space<vmem>>, vector<32x128xf32>
    tpu.vector_store %arg8[%swap3A_17, %swap3A_18], %broadcast_in_dim3A_16 {strides = array<i32>} : memref<32x128xf32, #tpu.memory_space<vmem>>, vector<32x128xf32>,
    %swap3A_20 = arith.constant 0 : i32
    %swap3A_21 = arith.constant 0 : index
    %swap3A_22 = memref.load %arg10[%swap3A_21] : memref<1xi32, #tpu.memory_space<smem>>
    memref.store %swap3A_20, %arg10[%swap3A_21] : memref<1xi32, #tpu.memory_space<smem>>
    %get3A_23 = arith.constant 0 : index
    %get3A_24 = arith.constant 0 : index
    %get3A_25 = arith.constant 0 : index
    %get3A_26 = arith.constant 0 : index
    %get3A_27 = vector.load %arg3[%get3A_23, %get3A_24, %get3A_25, %get3A_26] : memref<1x4x32x128xf32, #tpu.memory_space<vmem>>, vector<1x1x32x128xf32>
    %get3A_28 = vector.shape_cast %get3A_27 : vector<1x1x32x128xf32> to vector<32x128xf32>
    %get3A_29 = arith.constant 0 : index
    %get3A_30 = arith.constant 1 : index
    %get3A_31 = arith.constant 0 : index
    %get3A_32 = arith.constant 0 : index
    %get3A_33 = vector.load %arg3[%get3A_29, %get3A_30, %get3A_31, %get3A_32] : memref<1x4x32x128xf32, #tpu.memory_space<vmem>>, vector<1x1x32x128xf32>
    %get3A_34 = vector.shape_cast %get3A_33 : vector<1x1x32x128xf32> to vector<32x128xf32>
    %get3A_35 = arith.constant 0 : index
    %get3A_36 = arith.constant 2 : index
    %get3A_37 = arith.constant 0 : index
    %get3A_38 = arith.constant 0 : index
    %get3A_39 = vector.load %arg3[%get3A_35, %get3A_36, %get3A_37, %get3A_38] : memref<1x4x32x128xf32, #tpu.memory_space<vmem>>, vector<1x1x32x128xf32>
    %get3A_40 = vector.shape_cast %get3A_39 : vector<1x1x32x128xf32> to vector<32x128xf32>
    %get3A_41 = arith.constant 0 : index
    %get3A_42 = arith.constant 3 : index
    %get3A_43 = arith.constant 0 : index
    %get3A_44 = arith.constant 0 : index
    %get3A_45 = vector.load %arg3[%get3A_41, %get3A_42, %get3A_43, %get3A_44] : memref<1x4x32x128xf32, #tpu.memory_space<vmem>>, vector<1x1x32x128xf32>
    %get3A_46 = vector.shape_cast %get3A_45 : vector<1x1x32x128xf32> to vector<32x128xf32>
    %mul3A = arith.constant 5.000000e-01 : f32
    %mul3A_47 = vector.broadcast %mul3A : f32 to vector<32x128xf32>
    %mul3A_48 = arith.mulf %mul3A_47, %get3A_40 : vector<32x128xf32>
    %sub3A = arith.subf %get3A_28, %mul3A_48 : vector<32x128xf32>
    %mul3A_49 = arith.constant 5.000000e-01 : f32
    %mul3A_50 = vector.broadcast %mul3A_49 : f32 to vector<32x128xf32>
    %mul3A_51 = arith.mulf %mul3A_50, %get3A_40 : vector<32x128xf32>
    %add3A = arith.addf %get3A_28, %mul3A_51 : vector<32x128xf32>
    %mul3A_52 = arith.constant 5.000000e-01 : f32
    %mul3A_53 = vector.broadcast %mul3A_52 : f32 to vector<32x128xf32>
    %mul3A_54 = arith.mulf %mul3A_53, %get3A_46 : vector<32x128xf32>
    %sub3A_55 = arith.subf %get3A_34, %mul3A_54 : vector<32x128xf32>
    %mul3A_56 = arith.constant 5.000000e-01 : f32
    %mul3A_57 = vector.broadcast %mul3A_56 : f32 to vector<32x128xf32>
    %mul3A_58 = arith.mulf %mul3A_57, %get3A_46 : vector<32x128xf32>
    %add3A_59 = arith.addf %get3A_34, %mul3A_58 : vector<32x128xf32>
    %swap3A_60 = arith.constant 0 : index
    %swap3A_61 = arith.constant 0 : index
    %swap3A_62 = arith.constant 0 : index
    %swap3A_63 = vector.load %arg9[%swap3A_60, %swap3A_61, %swap3A_62] : memref<5x32x128xf32, #tpu.memory_space<vmem>>, vector<1x32x128xf32>
    %swap3A_64 = vector.shape_cast %swap3A_63 : vector<1x32x128xf32> to vector<32x128xf32>
    %swap3A_65 = vector.shape_cast %sub3A : vector<32x128xf32> to vector<1x32x128xf32>
    tpu.vector_store %arg9[%swap3A_60, %swap3A_61, %swap3A_62], %swap3A_65 {strides = array<i32>} : memref<5x32x128xf32, #tpu.memory_space<vmem>>, vector<1x32x128xf32>,
    %swap3A_66 = arith.constant 1 : index
    %swap3A_67 = arith.constant 0 : index
    %swap3A_68 = arith.constant 0 : index
    %swap3A_69 = vector.load %arg9[%swap3A_66, %swap3A_67, %swap3A_68] : memref<5x32x128xf32, #tpu.memory_space<vmem>>, vector<1x32x128xf32>
    %swap3A_70 = vector.shape_cast %swap3A_69 : vector<1x32x128xf32> to vector<32x128xf32>
    %swap3A_71 = vector.shape_cast %add3A : vector<32x128xf32> to vector<1x32x128xf32>
    tpu.vector_store %arg9[%swap3A_66, %swap3A_67, %swap3A_68], %swap3A_71 {strides = array<i32>} : memref<5x32x128xf32, #tpu.memory_space<vmem>>, vector<1x32x128xf32>,
    %swap3A_72 = arith.constant 2 : index
    %swap3A_73 = arith.constant 0 : index
    %swap3A_74 = arith.constant 0 : index
    %swap3A_75 = vector.load %arg9[%swap3A_72, %swap3A_73, %swap3A_74] : memref<5x32x128xf32, #tpu.memory_space<vmem>>, vector<1x32x128xf32>
    %swap3A_76 = vector.shape_cast %swap3A_75 : vector<1x32x128xf32> to vector<32x128xf32>
    %swap3A_77 = vector.shape_cast %sub3A_55 : vector<32x128xf32> to vector<1x32x128xf32>
    tpu.vector_store %arg9[%swap3A_72, %swap3A_73, %swap3A_74], %swap3A_77 {strides = array<i32>} : memref<5x32x128xf32, #tpu.memory_space<vmem>>, vector<1x32x128xf32>,
    %swap3A_78 = arith.constant 3 : index
    %swap3A_79 = arith.constant 0 : index
    %swap3A_80 = arith.constant 0 : index
    %swap3A_81 = vector.load %arg9[%swap3A_78, %swap3A_79, %swap3A_80] : memref<5x32x128xf32, #tpu.memory_space<vmem>>, vector<1x32x128xf32>
    %swap3A_82 = vector.shape_cast %swap3A_81 : vector<1x32x128xf32> to vector<32x128xf32>
    %swap3A_83 = vector.shape_cast %add3A_59 : vector<32x128xf32> to vector<1x32x128xf32>
    tpu.vector_store %arg9[%swap3A_78, %swap3A_79, %swap3A_80], %swap3A_83 {strides = array<i32>} : memref<5x32x128xf32, #tpu.memory_space<vmem>>, vector<1x32x128xf32>,
    %sub3A_84 = arith.subf %add3A, %sub3A : vector<32x128xf32>
    %sub3A_85 = arith.subf %add3A_59, %sub3A_55 : vector<32x128xf32>
    %mul3A_86 = arith.mulf %sub3A_84, %sub3A_85 : vector<32x128xf32>
    %swap3A_87 = arith.constant 4 : index
    %swap3A_88 = arith.constant 0 : index
    %swap3A_89 = arith.constant 0 : index
    %swap3A_90 = vector.load %arg9[%swap3A_87, %swap3A_88, %swap3A_89] : memref<5x32x128xf32, #tpu.memory_space<vmem>>, vector<1x32x128xf32>
    %swap3A_91 = vector.shape_cast %swap3A_90 : vector<1x32x128xf32> to vector<32x128xf32>
    %swap3A_92 = vector.shape_cast %mul3A_86 : vector<32x128xf32> to vector<1x32x128xf32>
    tpu.vector_store %arg9[%swap3A_87, %swap3A_88, %swap3A_89], %swap3A_92 {strides = array<i32>} : memref<5x32x128xf32, #tpu.memory_space<vmem>>, vector<1x32x128xf32>,
    %iota3A = tpu.iota {dimensions = array<i32: 0>} : vector<32x128xi32>
    %mul3A_93 = arith.constant 128 : i32
    %mul3A_94 = vector.broadcast %mul3A_93 : i32 to vector<32x128xi32>
    %mul3A_95 = arith.muli %iota3A, %mul3A_94 : vector<32x128xi32>
    %iota3A_96 = tpu.iota {dimensions = array<i32: 1>} : vector<32x128xi32>
    %add3A_97 = arith.addi %mul3A_95, %iota3A_96 : vector<32x128xi32>
    %iota3A_98 = tpu.iota {dimensions = array<i32: 1>} : vector<32x128xi32>
    %and3A = arith.constant 7 : i32
    %and3A_99 = vector.broadcast %and3A : i32 to vector<32x128xi32>
    %and3A_100 = arith.andi %iota3A_98, %and3A_99 : vector<32x128xi32>
    %shift_left3A = arith.constant 1 : i32
    %shift_left3A_101 = vector.broadcast %shift_left3A : i32 to vector<32x128xi32>
    %shift_left3A_102 = arith.shli %shift_left3A_101, %and3A_100 : vector<32x128xi32>
    %convert_element_type3A = arith.sitofp %shift_left3A_102 : vector<32x128xi32> to vector<32x128xf32>
    %add3A_103 = arith.constant 7 : i32
    %add3A_104 = arith.addi %get3A_0, %add3A_103 : i32
    %shift_right_logical3A = arith.constant 3 : i32
    %shift_right_logical3A_105 = arith.shrui %add3A_104, %shift_right_logical3A : i32
    %mul3A_106 = arith.constant 0 : i32
    %mul3A_107 = arith.muli %shift_right_logical3A_105, %mul3A_106 : i32
    %while3A = arith.constant 0.00999999977 : f32
    %while3A_108 = arith.constant 0 : i32
    %while3A_109 = arith.subi %mul3A_107, %while3A_108 : i32
    %while3A_110 = arith.addi %while3A_108, %while3A_109 : i32
    %while3A_111 = arith.constant 1 : i32
    %while3A_112 = arith.divsi %while3A_109, %while3A_111 : i32
    %while3A_113 = arith.muli %while3A_112, %while3A_111 : i32
    %while3A_114 = arith.addi %while3A_108, %while3A_113 : i32
    %while3A_115 = arith.constant 1 : i32
    scf.for %while3A_117 = %while3A_108 to %while3A_114 step %while3A_115  : i32 {
      %mul3A_118 = arith.constant 8 : i32
      %mul3A_119 = arith.muli %while3A_117, %mul3A_118 : i32
      %ge3A = vector.broadcast %mul3A_119 : i32 to vector<32x128xi32>
      %ge3A_120 = arith.cmpi sge, %add3A_97, %ge3A : vector<32x128xi32>
      %add3A_121 = arith.constant 8 : i32
      %add3A_122 = arith.addi %mul3A_119, %add3A_121 : i32
      %lt3A = vector.broadcast %add3A_122 : i32 to vector<32x128xi32>
      %lt3A_123 = arith.cmpi slt, %add3A_97, %lt3A : vector<32x128xi32>
      %and3A_124 = arith.andi %ge3A_120, %lt3A_123 : vector<32x128xi1>
      %get3A_125 = arith.constant 0 : index
      %get3A_126 = arith.constant 0 : index
      %get3A_127 = vector.load %arg8[%get3A_125, %get3A_126] : memref<32x128xf32, #tpu.memory_space<vmem>>, vector<32x128xf32>
      %mul3A_128 = arith.mulf %get3A_127, %convert_element_type3A : vector<32x128xf32>
      %jit3A = arith.constant 0.000000e+00 : f32
      %broadcast_in_dim3A_129 = vector.broadcast %jit3A : f32 to vector<32x128xf32>
      %select_n3A = arith.select %and3A_124, %mul3A_128, %broadcast_in_dim3A_129 : vector<32x128xi1>, vector<32x128xf32>
      %reduce_sum3A = vector.shape_cast %select_n3A : vector<32x128xf32> to vector<1x32x128xf32>
      %reduce_sum3A_130 = arith.constant dense<0.000000e+00> : vector<1xf32>
      %reduce_sum3A_131 = vector.multi_reduction <add>, %reduce_sum3A, %reduce_sum3A_130 [1, 2] : vector<1x32x128xf32> to vector<1xf32>
      %reduce_sum3A_132 = vector.shape_cast %reduce_sum3A_131 : vector<1xf32> to vector<1x1x1xf32>
      %reduce_sum3A_133 = vector.extract %reduce_sum3A_132[0, 0, 0] : f32 from vector<1x1x1xf32>
      %convert_element_type3A_134 = arith.fptosi %reduce_sum3A_133 : f32 to i32
      %lt3A_135 = arith.constant 255 : i32
      %lt3A_136 = arith.cmpi slt, %convert_element_type3A_134, %lt3A_135 : i32
      %convert_element_type3A_137 = arith.extui %lt3A_136 : i1 to i32
      %cond3A = arith.constant 0 : i32
      %cond3A_138 = arith.cmpi ne, %convert_element_type3A_137, %cond3A : i32
      scf.if %cond3A_138 {
        %add3A_139 = arith.constant 0 : i32
        %add3A_140 = arith.addi %mul3A_119, %add3A_139 : i32
        %get3A_141 = arith.constant 0 : index
        %get3A_142 = arith.constant 0 : index
        %get3A_143 = arith.index_cast %add3A_140 : i32 to index
        %get3A_144 = arith.constant 0 : index
        %get3A_145 = vector.load %arg4[%get3A_141, %get3A_142, %get3A_143, %get3A_144] : memref<1x4x4096x1xf32, #tpu.memory_space<vmem>>, vector<1x1x1x1xf32>
        %get3A_146 = vector.extract %get3A_145[0, 0, 0, 0] : f32 from vector<1x1x1x1xf32>
        %add3A_147 = arith.constant 0 : i32
        %add3A_148 = arith.addi %mul3A_119, %add3A_147 : i32
        %get3A_149 = arith.constant 0 : index
        %get3A_150 = arith.constant 1 : index
        %get3A_151 = arith.index_cast %add3A_148 : i32 to index
        %get3A_152 = arith.constant 0 : index
        %get3A_153 = vector.load %arg4[%get3A_149, %get3A_150, %get3A_151, %get3A_152] : memref<1x4x4096x1xf32, #tpu.memory_space<vmem>>, vector<1x1x1x1xf32>
        %get3A_154 = vector.extract %get3A_153[0, 0, 0, 0] : f32 from vector<1x1x1x1xf32>
        %add3A_155 = arith.constant 0 : i32
        %add3A_156 = arith.addi %mul3A_119, %add3A_155 : i32
        %get3A_157 = arith.constant 0 : index
        %get3A_158 = arith.constant 2 : index
        %get3A_159 = arith.index_cast %add3A_156 : i32 to index
        %get3A_160 = arith.constant 0 : index
        %get3A_161 = vector.load %arg4[%get3A_157, %get3A_158, %get3A_159, %get3A_160] : memref<1x4x4096x1xf32, #tpu.memory_space<vmem>>, vector<1x1x1x1xf32>
        %get3A_162 = vector.extract %get3A_161[0, 0, 0, 0] : f32 from vector<1x1x1x1xf32>
        %add3A_163 = arith.constant 0 : i32
        %add3A_164 = arith.addi %mul3A_119, %add3A_163 : i32
        %get3A_165 = arith.constant 0 : index
        %get3A_166 = arith.constant 3 : index
        %get3A_167 = arith.index_cast %add3A_164 : i32 to index
        %get3A_168 = arith.constant 0 : index
        %get3A_169 = vector.load %arg4[%get3A_165, %get3A_166, %get3A_167, %get3A_168] : memref<1x4x4096x1xf32, #tpu.memory_space<vmem>>, vector<1x1x1x1xf32>
        %get3A_170 = vector.extract %get3A_169[0, 0, 0, 0] : f32 from vector<1x1x1x1xf32>
        %add3A_171 = arith.constant 1 : i32
        %add3A_172 = arith.addi %mul3A_119, %add3A_171 : i32
        %get3A_173 = arith.constant 0 : index
        %get3A_174 = arith.constant 0 : index
        %get3A_175 = arith.index_cast %add3A_172 : i32 to index
        %get3A_176 = arith.constant 0 : index
        %get3A_177 = vector.load %arg4[%get3A_173, %get3A_174, %get3A_175, %get3A_176] : memref<1x4x4096x1xf32, #tpu.memory_space<vmem>>, vector<1x1x1x1xf32>
        %get3A_178 = vector.extract %get3A_177[0, 0, 0, 0] : f32 from vector<1x1x1x1xf32>
        %add3A_179 = arith.constant 1 : i32
        %add3A_180 = arith.addi %mul3A_119, %add3A_179 : i32
        %get3A_181 = arith.constant 0 : index
        %get3A_182 = arith.constant 1 : index
        %get3A_183 = arith.index_cast %add3A_180 : i32 to index
        %get3A_184 = arith.constant 0 : index
        %get3A_185 = vector.load %arg4[%get3A_181, %get3A_182, %get3A_183, %get3A_184] : memref<1x4x4096x1xf32, #tpu.memory_space<vmem>>, vector<1x1x1x1xf32>
        %get3A_186 = vector.extract %get3A_185[0, 0, 0, 0] : f32 from vector<1x1x1x1xf32>
        %add3A_187 = arith.constant 1 : i32
        %add3A_188 = arith.addi %mul3A_119, %add3A_187 : i32
        %get3A_189 = arith.constant 0 : index
        %get3A_190 = arith.constant 2 : index
        %get3A_191 = arith.index_cast %add3A_188 : i32 to index
        %get3A_192 = arith.constant 0 : index
        %get3A_193 = vector.load %arg4[%get3A_189, %get3A_190, %get3A_191, %get3A_192] : memref<1x4x4096x1xf32, #tpu.memory_space<vmem>>, vector<1x1x1x1xf32>
        %get3A_194 = vector.extract %get3A_193[0, 0, 0, 0] : f32 from vector<1x1x1x1xf32>
        %add3A_195 = arith.constant 1 : i32
        %add3A_196 = arith.addi %mul3A_119, %add3A_195 : i32
        %get3A_197 = arith.constant 0 : index
        %get3A_198 = arith.constant 3 : index
        %get3A_199 = arith.index_cast %add3A_196 : i32 to index
        %get3A_200 = arith.constant 0 : index
        %get3A_201 = vector.load %arg4[%get3A_197, %get3A_198, %get3A_199, %get3A_200] : memref<1x4x4096x1xf32, #tpu.memory_space<vmem>>, vector<1x1x1x1xf32>
        %get3A_202 = vector.extract %get3A_201[0, 0, 0, 0] : f32 from vector<1x1x1x1xf32>
        %add3A_203 = arith.constant 2 : i32
        %add3A_204 = arith.addi %mul3A_119, %add3A_203 : i32
        %get3A_205 = arith.constant 0 : index
        %get3A_206 = arith.constant 0 : index
        %get3A_207 = arith.index_cast %add3A_204 : i32 to index
        %get3A_208 = arith.constant 0 : index
        %get3A_209 = vector.load %arg4[%get3A_205, %get3A_206, %get3A_207, %get3A_208] : memref<1x4x4096x1xf32, #tpu.memory_space<vmem>>, vector<1x1x1x1xf32>
        %get3A_210 = vector.extract %get3A_209[0, 0, 0, 0] : f32 from vector<1x1x1x1xf32>
        %add3A_211 = arith.constant 2 : i32
        %add3A_212 = arith.addi %mul3A_119, %add3A_211 : i32
        %get3A_213 = arith.constant 0 : index
        %get3A_214 = arith.constant 1 : index
        %get3A_215 = arith.index_cast %add3A_212 : i32 to index
        %get3A_216 = arith.constant 0 : index
        %get3A_217 = vector.load %arg4[%get3A_213, %get3A_214, %get3A_215, %get3A_216] : memref<1x4x4096x1xf32, #tpu.memory_space<vmem>>, vector<1x1x1x1xf32>
        %get3A_218 = vector.extract %get3A_217[0, 0, 0, 0] : f32 from vector<1x1x1x1xf32>
        %add3A_219 = arith.constant 2 : i32
        %add3A_220 = arith.addi %mul3A_119, %add3A_219 : i32
        %get3A_221 = arith.constant 0 : index
        %get3A_222 = arith.constant 2 : index
        %get3A_223 = arith.index_cast %add3A_220 : i32 to index
        %get3A_224 = arith.constant 0 : index
        %get3A_225 = vector.load %arg4[%get3A_221, %get3A_222, %get3A_223, %get3A_224] : memref<1x4x4096x1xf32, #tpu.memory_space<vmem>>, vector<1x1x1x1xf32>
        %get3A_226 = vector.extract %get3A_225[0, 0, 0, 0] : f32 from vector<1x1x1x1xf32>
        %add3A_227 = arith.constant 2 : i32
        %add3A_228 = arith.addi %mul3A_119, %add3A_227 : i32
        %get3A_229 = arith.constant 0 : index
        %get3A_230 = arith.constant 3 : index
        %get3A_231 = arith.index_cast %add3A_228 : i32 to index
        %get3A_232 = arith.constant 0 : index
        %get3A_233 = vector.load %arg4[%get3A_229, %get3A_230, %get3A_231, %get3A_232] : memref<1x4x4096x1xf32, #tpu.memory_space<vmem>>, vector<1x1x1x1xf32>
        %get3A_234 = vector.extract %get3A_233[0, 0, 0, 0] : f32 from vector<1x1x1x1xf32>
        %add3A_235 = arith.constant 3 : i32
        %add3A_236 = arith.addi %mul3A_119, %add3A_235 : i32
        %get3A_237 = arith.constant 0 : index
        %get3A_238 = arith.constant 0 : index
        %get3A_239 = arith.index_cast %add3A_236 : i32 to index
        %get3A_240 = arith.constant 0 : index
        %get3A_241 = vector.load %arg4[%get3A_237, %get3A_238, %get3A_239, %get3A_240] : memref<1x4x4096x1xf32, #tpu.memory_space<vmem>>, vector<1x1x1x1xf32>
        %get3A_242 = vector.extract %get3A_241[0, 0, 0, 0] : f32 from vector<1x1x1x1xf32>
        %add3A_243 = arith.constant 3 : i32
        %add3A_244 = arith.addi %mul3A_119, %add3A_243 : i32
        %get3A_245 = arith.constant 0 : index
        %get3A_246 = arith.constant 1 : index
        %get3A_247 = arith.index_cast %add3A_244 : i32 to index
        %get3A_248 = arith.constant 0 : index
        %get3A_249 = vector.load %arg4[%get3A_245, %get3A_246, %get3A_247, %get3A_248] : memref<1x4x4096x1xf32, #tpu.memory_space<vmem>>, vector<1x1x1x1xf32>
        %get3A_250 = vector.extract %get3A_249[0, 0, 0, 0] : f32 from vector<1x1x1x1xf32>
        %add3A_251 = arith.constant 3 : i32
        %add3A_252 = arith.addi %mul3A_119, %add3A_251 : i32
        %get3A_253 = arith.constant 0 : index
        %get3A_254 = arith.constant 2 : index
        %get3A_255 = arith.index_cast %add3A_252 : i32 to index
        %get3A_256 = arith.constant 0 : index
        %get3A_257 = vector.load %arg4[%get3A_253, %get3A_254, %get3A_255, %get3A_256] : memref<1x4x4096x1xf32, #tpu.memory_space<vmem>>, vector<1x1x1x1xf32>
        %get3A_258 = vector.extract %get3A_257[0, 0, 0, 0] : f32 from vector<1x1x1x1xf32>
        %add3A_259 = arith.constant 3 : i32
        %add3A_260 = arith.addi %mul3A_119, %add3A_259 : i32
        %get3A_261 = arith.constant 0 : index
        %get3A_262 = arith.constant 3 : index
        %get3A_263 = arith.index_cast %add3A_260 : i32 to index
        %get3A_264 = arith.constant 0 : index
        %get3A_265 = vector.load %arg4[%get3A_261, %get3A_262, %get3A_263, %get3A_264] : memref<1x4x4096x1xf32, #tpu.memory_space<vmem>>, vector<1x1x1x1xf32>
        %get3A_266 = vector.extract %get3A_265[0, 0, 0, 0] : f32 from vector<1x1x1x1xf32>
        %add3A_267 = arith.constant 4 : i32
        %add3A_268 = arith.addi %mul3A_119, %add3A_267 : i32
        %get3A_269 = arith.constant 0 : index
        %get3A_270 = arith.constant 0 : index
        %get3A_271 = arith.index_cast %add3A_268 : i32 to index
        %get3A_272 = arith.constant 0 : index
        %get3A_273 = vector.load %arg4[%get3A_269, %get3A_270, %get3A_271, %get3A_272] : memref<1x4x4096x1xf32, #tpu.memory_space<vmem>>, vector<1x1x1x1xf32>
        %get3A_274 = vector.extract %get3A_273[0, 0, 0, 0] : f32 from vector<1x1x1x1xf32>
        %add3A_275 = arith.constant 4 : i32
        %add3A_276 = arith.addi %mul3A_119, %add3A_275 : i32
        %get3A_277 = arith.constant 0 : index
        %get3A_278 = arith.constant 1 : index
        %get3A_279 = arith.index_cast %add3A_276 : i32 to index
        %get3A_280 = arith.constant 0 : index
        %get3A_281 = vector.load %arg4[%get3A_277, %get3A_278, %get3A_279, %get3A_280] : memref<1x4x4096x1xf32, #tpu.memory_space<vmem>>, vector<1x1x1x1xf32>
        %get3A_282 = vector.extract %get3A_281[0, 0, 0, 0] : f32 from vector<1x1x1x1xf32>
        %add3A_283 = arith.constant 4 : i32
        %add3A_284 = arith.addi %mul3A_119, %add3A_283 : i32
        %get3A_285 = arith.constant 0 : index
        %get3A_286 = arith.constant 2 : index
        %get3A_287 = arith.index_cast %add3A_284 : i32 to index
        %get3A_288 = arith.constant 0 : index
        %get3A_289 = vector.load %arg4[%get3A_285, %get3A_286, %get3A_287, %get3A_288] : memref<1x4x4096x1xf32, #tpu.memory_space<vmem>>, vector<1x1x1x1xf32>
        %get3A_290 = vector.extract %get3A_289[0, 0, 0, 0] : f32 from vector<1x1x1x1xf32>
        %add3A_291 = arith.constant 4 : i32
        %add3A_292 = arith.addi %mul3A_119, %add3A_291 : i32
        %get3A_293 = arith.constant 0 : index
        %get3A_294 = arith.constant 3 : index
        %get3A_295 = arith.index_cast %add3A_292 : i32 to index
        %get3A_296 = arith.constant 0 : index
        %get3A_297 = vector.load %arg4[%get3A_293, %get3A_294, %get3A_295, %get3A_296] : memref<1x4x4096x1xf32, #tpu.memory_space<vmem>>, vector<1x1x1x1xf32>
        %get3A_298 = vector.extract %get3A_297[0, 0, 0, 0] : f32 from vector<1x1x1x1xf32>
        %add3A_299 = arith.constant 5 : i32
        %add3A_300 = arith.addi %mul3A_119, %add3A_299 : i32
        %get3A_301 = arith.constant 0 : index
        %get3A_302 = arith.constant 0 : index
        %get3A_303 = arith.index_cast %add3A_300 : i32 to index
        %get3A_304 = arith.constant 0 : index
        %get3A_305 = vector.load %arg4[%get3A_301, %get3A_302, %get3A_303, %get3A_304] : memref<1x4x4096x1xf32, #tpu.memory_space<vmem>>, vector<1x1x1x1xf32>
        %get3A_306 = vector.extract %get3A_305[0, 0, 0, 0] : f32 from vector<1x1x1x1xf32>
        %add3A_307 = arith.constant 5 : i32
        %add3A_308 = arith.addi %mul3A_119, %add3A_307 : i32
        %get3A_309 = arith.constant 0 : index
        %get3A_310 = arith.constant 1 : index
        %get3A_311 = arith.index_cast %add3A_308 : i32 to index
        %get3A_312 = arith.constant 0 : index
        %get3A_313 = vector.load %arg4[%get3A_309, %get3A_310, %get3A_311, %get3A_312] : memref<1x4x4096x1xf32, #tpu.memory_space<vmem>>, vector<1x1x1x1xf32>
        %get3A_314 = vector.extract %get3A_313[0, 0, 0, 0] : f32 from vector<1x1x1x1xf32>
        %add3A_315 = arith.constant 5 : i32
        %add3A_316 = arith.addi %mul3A_119, %add3A_315 : i32
        %get3A_317 = arith.constant 0 : index
        %get3A_318 = arith.constant 2 : index
        %get3A_319 = arith.index_cast %add3A_316 : i32 to index
        %get3A_320 = arith.constant 0 : index
        %get3A_321 = vector.load %arg4[%get3A_317, %get3A_318, %get3A_319, %get3A_320] : memref<1x4x4096x1xf32, #tpu.memory_space<vmem>>, vector<1x1x1x1xf32>
        %get3A_322 = vector.extract %get3A_321[0, 0, 0, 0] : f32 from vector<1x1x1x1xf32>
        %add3A_323 = arith.constant 5 : i32
        %add3A_324 = arith.addi %mul3A_119, %add3A_323 : i32
        %get3A_325 = arith.constant 0 : index
        %get3A_326 = arith.constant 3 : index
        %get3A_327 = arith.index_cast %add3A_324 : i32 to index
        %get3A_328 = arith.constant 0 : index
        %get3A_329 = vector.load %arg4[%get3A_325, %get3A_326, %get3A_327, %get3A_328] : memref<1x4x4096x1xf32, #tpu.memory_space<vmem>>, vector<1x1x1x1xf32>
        %get3A_330 = vector.extract %get3A_329[0, 0, 0, 0] : f32 from vector<1x1x1x1xf32>
        %add3A_331 = arith.constant 6 : i32
        %add3A_332 = arith.addi %mul3A_119, %add3A_331 : i32
        %get3A_333 = arith.constant 0 : index
        %get3A_334 = arith.constant 0 : index
        %get3A_335 = arith.index_cast %add3A_332 : i32 to index
        %get3A_336 = arith.constant 0 : index
        %get3A_337 = vector.load %arg4[%get3A_333, %get3A_334, %get3A_335, %get3A_336] : memref<1x4x4096x1xf32, #tpu.memory_space<vmem>>, vector<1x1x1x1xf32>
        %get3A_338 = vector.extract %get3A_337[0, 0, 0, 0] : f32 from vector<1x1x1x1xf32>
        %add3A_339 = arith.constant 6 : i32
        %add3A_340 = arith.addi %mul3A_119, %add3A_339 : i32
        %get3A_341 = arith.constant 0 : index
        %get3A_342 = arith.constant 1 : index
        %get3A_343 = arith.index_cast %add3A_340 : i32 to index
        %get3A_344 = arith.constant 0 : index
        %get3A_345 = vector.load %arg4[%get3A_341, %get3A_342, %get3A_343, %get3A_344] : memref<1x4x4096x1xf32, #tpu.memory_space<vmem>>, vector<1x1x1x1xf32>
        %get3A_346 = vector.extract %get3A_345[0, 0, 0, 0] : f32 from vector<1x1x1x1xf32>
        %add3A_347 = arith.constant 6 : i32
        %add3A_348 = arith.addi %mul3A_119, %add3A_347 : i32
        %get3A_349 = arith.constant 0 : index
        %get3A_350 = arith.constant 2 : index
        %get3A_351 = arith.index_cast %add3A_348 : i32 to index
        %get3A_352 = arith.constant 0 : index
        %get3A_353 = vector.load %arg4[%get3A_349, %get3A_350, %get3A_351, %get3A_352] : memref<1x4x4096x1xf32, #tpu.memory_space<vmem>>, vector<1x1x1x1xf32>
        %get3A_354 = vector.extract %get3A_353[0, 0, 0, 0] : f32 from vector<1x1x1x1xf32>
        %add3A_355 = arith.constant 6 : i32
        %add3A_356 = arith.addi %mul3A_119, %add3A_355 : i32
        %get3A_357 = arith.constant 0 : index
        %get3A_358 = arith.constant 3 : index
        %get3A_359 = arith.index_cast %add3A_356 : i32 to index
        %get3A_360 = arith.constant 0 : index
        %get3A_361 = vector.load %arg4[%get3A_357, %get3A_358, %get3A_359, %get3A_360] : memref<1x4x4096x1xf32, #tpu.memory_space<vmem>>, vector<1x1x1x1xf32>
        %get3A_362 = vector.extract %get3A_361[0, 0, 0, 0] : f32 from vector<1x1x1x1xf32>
        %add3A_363 = arith.constant 7 : i32
        %add3A_364 = arith.addi %mul3A_119, %add3A_363 : i32
        %get3A_365 = arith.constant 0 : index
        %get3A_366 = arith.constant 0 : index
        %get3A_367 = arith.index_cast %add3A_364 : i32 to index
        %get3A_368 = arith.constant 0 : index
        %get3A_369 = vector.load %arg4[%get3A_365, %get3A_366, %get3A_367, %get3A_368] : memref<1x4x4096x1xf32, #tpu.memory_space<vmem>>, vector<1x1x1x1xf32>
        %get3A_370 = vector.extract %get3A_369[0, 0, 0, 0] : f32 from vector<1x1x1x1xf32>
        %add3A_371 = arith.constant 7 : i32
        %add3A_372 = arith.addi %mul3A_119, %add3A_371 : i32
        %get3A_373 = arith.constant 0 : index
        %get3A_374 = arith.constant 1 : index
        %get3A_375 = arith.index_cast %add3A_372 : i32 to index
        %get3A_376 = arith.constant 0 : index
        %get3A_377 = vector.load %arg4[%get3A_373, %get3A_374, %get3A_375, %get3A_376] : memref<1x4x4096x1xf32, #tpu.memory_space<vmem>>, vector<1x1x1x1xf32>
        %get3A_378 = vector.extract %get3A_377[0, 0, 0, 0] : f32 from vector<1x1x1x1xf32>
        %add3A_379 = arith.constant 7 : i32
        %add3A_380 = arith.addi %mul3A_119, %add3A_379 : i32
        %get3A_381 = arith.constant 0 : index
        %get3A_382 = arith.constant 2 : index
        %get3A_383 = arith.index_cast %add3A_380 : i32 to index
        %get3A_384 = arith.constant 0 : index
        %get3A_385 = vector.load %arg4[%get3A_381, %get3A_382, %get3A_383, %get3A_384] : memref<1x4x4096x1xf32, #tpu.memory_space<vmem>>, vector<1x1x1x1xf32>
        %get3A_386 = vector.extract %get3A_385[0, 0, 0, 0] : f32 from vector<1x1x1x1xf32>
        %add3A_387 = arith.constant 7 : i32
        %add3A_388 = arith.addi %mul3A_119, %add3A_387 : i32
        %get3A_389 = arith.constant 0 : index
        %get3A_390 = arith.constant 3 : index
        %get3A_391 = arith.index_cast %add3A_388 : i32 to index
        %get3A_392 = arith.constant 0 : index
        %get3A_393 = vector.load %arg4[%get3A_389, %get3A_390, %get3A_391, %get3A_392] : memref<1x4x4096x1xf32, #tpu.memory_space<vmem>>, vector<1x1x1x1xf32>
        %get3A_394 = vector.extract %get3A_393[0, 0, 0, 0] : f32 from vector<1x1x1x1xf32>
        %mul3A_395 = arith.constant 5.000000e-01 : f32
        %mul3A_396 = arith.mulf %mul3A_395, %get3A_162 : f32
        %sub3A_397 = arith.subf %get3A_146, %mul3A_396 : f32
        %mul3A_398 = arith.constant 5.000000e-01 : f32
        %mul3A_399 = arith.mulf %mul3A_398, %get3A_194 : f32
        %sub3A_400 = arith.subf %get3A_178, %mul3A_399 : f32
        %mul3A_401 = arith.constant 5.000000e-01 : f32
        %mul3A_402 = arith.mulf %mul3A_401, %get3A_226 : f32
        %sub3A_403 = arith.subf %get3A_210, %mul3A_402 : f32
        %mul3A_404 = arith.constant 5.000000e-01 : f32
        %mul3A_405 = arith.mulf %mul3A_404, %get3A_258 : f32
        %sub3A_406 = arith.subf %get3A_242, %mul3A_405 : f32
        %mul3A_407 = arith.constant 5.000000e-01 : f32
        %mul3A_408 = arith.mulf %mul3A_407, %get3A_290 : f32
        %sub3A_409 = arith.subf %get3A_274, %mul3A_408 : f32
        %mul3A_410 = arith.constant 5.000000e-01 : f32
        %mul3A_411 = arith.mulf %mul3A_410, %get3A_322 : f32
        %sub3A_412 = arith.subf %get3A_306, %mul3A_411 : f32
        %mul3A_413 = arith.constant 5.000000e-01 : f32
        %mul3A_414 = arith.mulf %mul3A_413, %get3A_354 : f32
        %sub3A_415 = arith.subf %get3A_338, %mul3A_414 : f32
        %mul3A_416 = arith.constant 5.000000e-01 : f32
        %mul3A_417 = arith.mulf %mul3A_416, %get3A_386 : f32
        %sub3A_418 = arith.subf %get3A_370, %mul3A_417 : f32
        %mul3A_419 = arith.constant 5.000000e-01 : f32
        %mul3A_420 = arith.mulf %mul3A_419, %get3A_162 : f32
        %add3A_421 = arith.addf %get3A_146, %mul3A_420 : f32
        %mul3A_422 = arith.constant 5.000000e-01 : f32
        %mul3A_423 = arith.mulf %mul3A_422, %get3A_194 : f32
        %add3A_424 = arith.addf %get3A_178, %mul3A_423 : f32
        %mul3A_425 = arith.constant 5.000000e-01 : f32
        %mul3A_426 = arith.mulf %mul3A_425, %get3A_226 : f32
        %add3A_427 = arith.addf %get3A_210, %mul3A_426 : f32
        %mul3A_428 = arith.constant 5.000000e-01 : f32
        %mul3A_429 = arith.mulf %mul3A_428, %get3A_258 : f32
        %add3A_430 = arith.addf %get3A_242, %mul3A_429 : f32
        %mul3A_431 = arith.constant 5.000000e-01 : f32
        %mul3A_432 = arith.mulf %mul3A_431, %get3A_290 : f32
        %add3A_433 = arith.addf %get3A_274, %mul3A_432 : f32
        %mul3A_434 = arith.constant 5.000000e-01 : f32
        %mul3A_435 = arith.mulf %mul3A_434, %get3A_322 : f32
        %add3A_436 = arith.addf %get3A_306, %mul3A_435 : f32
        %mul3A_437 = arith.constant 5.000000e-01 : f32
        %mul3A_438 = arith.mulf %mul3A_437, %get3A_354 : f32
        %add3A_439 = arith.addf %get3A_338, %mul3A_438 : f32
        %mul3A_440 = arith.constant 5.000000e-01 : f32
        %mul3A_441 = arith.mulf %mul3A_440, %get3A_386 : f32
        %add3A_442 = arith.addf %get3A_370, %mul3A_441 : f32
        %mul3A_443 = arith.constant 5.000000e-01 : f32
        %mul3A_444 = arith.mulf %mul3A_443, %get3A_170 : f32
        %sub3A_445 = arith.subf %get3A_154, %mul3A_444 : f32
        %mul3A_446 = arith.constant 5.000000e-01 : f32
        %mul3A_447 = arith.mulf %mul3A_446, %get3A_202 : f32
        %sub3A_448 = arith.subf %get3A_186, %mul3A_447 : f32
        %mul3A_449 = arith.constant 5.000000e-01 : f32
        %mul3A_450 = arith.mulf %mul3A_449, %get3A_234 : f32
        %sub3A_451 = arith.subf %get3A_218, %mul3A_450 : f32
        %mul3A_452 = arith.constant 5.000000e-01 : f32
        %mul3A_453 = arith.mulf %mul3A_452, %get3A_266 : f32
        %sub3A_454 = arith.subf %get3A_250, %mul3A_453 : f32
        %mul3A_455 = arith.constant 5.000000e-01 : f32
        %mul3A_456 = arith.mulf %mul3A_455, %get3A_298 : f32
        %sub3A_457 = arith.subf %get3A_282, %mul3A_456 : f32
        %mul3A_458 = arith.constant 5.000000e-01 : f32
        %mul3A_459 = arith.mulf %mul3A_458, %get3A_330 : f32
        %sub3A_460 = arith.subf %get3A_314, %mul3A_459 : f32
        %mul3A_461 = arith.constant 5.000000e-01 : f32
        %mul3A_462 = arith.mulf %mul3A_461, %get3A_362 : f32
        %sub3A_463 = arith.subf %get3A_346, %mul3A_462 : f32
        %mul3A_464 = arith.constant 5.000000e-01 : f32
        %mul3A_465 = arith.mulf %mul3A_464, %get3A_394 : f32
        %sub3A_466 = arith.subf %get3A_378, %mul3A_465 : f32
        %mul3A_467 = arith.constant 5.000000e-01 : f32
        %mul3A_468 = arith.mulf %mul3A_467, %get3A_170 : f32
        %add3A_469 = arith.addf %get3A_154, %mul3A_468 : f32
        %mul3A_470 = arith.constant 5.000000e-01 : f32
        %mul3A_471 = arith.mulf %mul3A_470, %get3A_202 : f32
        %add3A_472 = arith.addf %get3A_186, %mul3A_471 : f32
        %mul3A_473 = arith.constant 5.000000e-01 : f32
        %mul3A_474 = arith.mulf %mul3A_473, %get3A_234 : f32
        %add3A_475 = arith.addf %get3A_218, %mul3A_474 : f32
        %mul3A_476 = arith.constant 5.000000e-01 : f32
        %mul3A_477 = arith.mulf %mul3A_476, %get3A_266 : f32
        %add3A_478 = arith.addf %get3A_250, %mul3A_477 : f32
        %mul3A_479 = arith.constant 5.000000e-01 : f32
        %mul3A_480 = arith.mulf %mul3A_479, %get3A_298 : f32
        %add3A_481 = arith.addf %get3A_282, %mul3A_480 : f32
        %mul3A_482 = arith.constant 5.000000e-01 : f32
        %mul3A_483 = arith.mulf %mul3A_482, %get3A_330 : f32
        %add3A_484 = arith.addf %get3A_314, %mul3A_483 : f32
        %mul3A_485 = arith.constant 5.000000e-01 : f32
        %mul3A_486 = arith.mulf %mul3A_485, %get3A_362 : f32
        %add3A_487 = arith.addf %get3A_346, %mul3A_486 : f32
        %mul3A_488 = arith.constant 5.000000e-01 : f32
        %mul3A_489 = arith.mulf %mul3A_488, %get3A_394 : f32
        %add3A_490 = arith.addf %get3A_378, %mul3A_489 : f32
        %sub3A_491 = arith.subf %add3A_421, %sub3A_397 : f32
        %sub3A_492 = arith.subf %add3A_469, %sub3A_445 : f32
        %mul3A_493 = arith.mulf %sub3A_491, %sub3A_492 : f32
        %sub3A_494 = arith.subf %add3A_424, %sub3A_400 : f32
        %sub3A_495 = arith.subf %add3A_472, %sub3A_448 : f32
        %mul3A_496 = arith.mulf %sub3A_494, %sub3A_495 : f32
        %sub3A_497 = arith.subf %add3A_427, %sub3A_403 : f32
        %sub3A_498 = arith.subf %add3A_475, %sub3A_451 : f32
        %mul3A_499 = arith.mulf %sub3A_497, %sub3A_498 : f32
        %sub3A_500 = arith.subf %add3A_430, %sub3A_406 : f32
        %sub3A_501 = arith.subf %add3A_478, %sub3A_454 : f32
        %mul3A_502 = arith.mulf %sub3A_500, %sub3A_501 : f32
        %sub3A_503 = arith.subf %add3A_433, %sub3A_409 : f32
        %sub3A_504 = arith.subf %add3A_481, %sub3A_457 : f32
        %mul3A_505 = arith.mulf %sub3A_503, %sub3A_504 : f32
        %sub3A_506 = arith.subf %add3A_436, %sub3A_412 : f32
        %sub3A_507 = arith.subf %add3A_484, %sub3A_460 : f32
        %mul3A_508 = arith.mulf %sub3A_506, %sub3A_507 : f32
        %sub3A_509 = arith.subf %add3A_439, %sub3A_415 : f32
        %sub3A_510 = arith.subf %add3A_487, %sub3A_463 : f32
        %mul3A_511 = arith.mulf %sub3A_509, %sub3A_510 : f32
        %sub3A_512 = arith.subf %add3A_442, %sub3A_418 : f32
        %sub3A_513 = arith.subf %add3A_490, %sub3A_466 : f32
        %mul3A_514 = arith.mulf %sub3A_512, %sub3A_513 : f32
        %shift_right_logical3A_515 = arith.constant 0 : i32
        %shift_right_logical3A_516 = arith.shrui %convert_element_type3A_134, %shift_right_logical3A_515 : i32
        %and3A_517 = arith.constant 1 : i32
        %and3A_518 = arith.andi %shift_right_logical3A_516, %and3A_517 : i32
        %shift_right_logical3A_519 = arith.constant 1 : i32
        %shift_right_logical3A_520 = arith.shrui %convert_element_type3A_134, %shift_right_logical3A_519 : i32
        %and3A_521 = arith.constant 1 : i32
        %and3A_522 = arith.andi %shift_right_logical3A_520, %and3A_521 : i32
        %shift_right_logical3A_523 = arith.constant 2 : i32
        %shift_right_logical3A_524 = arith.shrui %convert_element_type3A_134, %shift_right_logical3A_523 : i32
        %and3A_525 = arith.constant 1 : i32
        %and3A_526 = arith.andi %shift_right_logical3A_524, %and3A_525 : i32
        %shift_right_logical3A_527 = arith.constant 3 : i32
        %shift_right_logical3A_528 = arith.shrui %convert_element_type3A_134, %shift_right_logical3A_527 : i32
        %and3A_529 = arith.constant 1 : i32
        %and3A_530 = arith.andi %shift_right_logical3A_528, %and3A_529 : i32
        %shift_right_logical3A_531 = arith.constant 4 : i32
        %shift_right_logical3A_532 = arith.shrui %convert_element_type3A_134, %shift_right_logical3A_531 : i32
        %and3A_533 = arith.constant 1 : i32
        %and3A_534 = arith.andi %shift_right_logical3A_532, %and3A_533 : i32
        %shift_right_logical3A_535 = arith.constant 5 : i32
        %shift_right_logical3A_536 = arith.shrui %convert_element_type3A_134, %shift_right_logical3A_535 : i32
        %and3A_537 = arith.constant 1 : i32
        %and3A_538 = arith.andi %shift_right_logical3A_536, %and3A_537 : i32
        %shift_right_logical3A_539 = arith.constant 6 : i32
        %shift_right_logical3A_540 = arith.shrui %convert_element_type3A_134, %shift_right_logical3A_539 : i32
        %and3A_541 = arith.constant 1 : i32
        %and3A_542 = arith.andi %shift_right_logical3A_540, %and3A_541 : i32
        %shift_right_logical3A_543 = arith.constant 7 : i32
        %shift_right_logical3A_544 = arith.shrui %convert_element_type3A_134, %shift_right_logical3A_543 : i32
        %and3A_545 = arith.constant 1 : i32
        %and3A_546 = arith.andi %shift_right_logical3A_544, %and3A_545 : i32
        %add3A_547 = arith.constant 0 : i32
        %add3A_548 = arith.addi %mul3A_119, %add3A_547 : i32
        %eq3A = arith.constant 0 : i32
        %eq3A_549 = arith.cmpi eq, %and3A_518, %eq3A : i32
        %lt3A_550 = arith.cmpi slt, %add3A_548, %get3A_0 : i32
        %and3A_551 = arith.andi %eq3A_549, %lt3A_550 : i1
        %min3A = arith.minimumf %add3A_421, %add3A_424 : f32
        %max3A = arith.maximumf %sub3A_397, %sub3A_400 : f32
        %sub3A_552 = arith.subf %min3A, %max3A : f32
        %min3A_553 = arith.minimumf %add3A_469, %add3A_472 : f32
        %max3A_554 = arith.maximumf %sub3A_445, %sub3A_448 : f32
        %sub3A_555 = arith.subf %min3A_553, %max3A_554 : f32
        %max3A_556 = arith.constant 0.000000e+00 : f32
        %max3A_557 = arith.maximumf %sub3A_552, %max3A_556 : f32
        %max3A_558 = arith.constant 0.000000e+00 : f32
        %max3A_559 = arith.maximumf %sub3A_555, %max3A_558 : f32
        %mul3A_560 = arith.mulf %max3A_557, %max3A_559 : f32
        %add3A_561 = arith.addf %mul3A_493, %mul3A_496 : f32
        %sub3A_562 = arith.subf %add3A_561, %mul3A_560 : f32
        %mul3A_563 = arith.mulf %while3A, %sub3A_562 : f32
        %gt3A = arith.cmpf ogt, %mul3A_560, %mul3A_563 : f32
        %and3A_564 = arith.andi %and3A_551, %gt3A : i1
        %convert_element_type3A_565 = arith.extui %and3A_564 : i1 to i32
        %or3A = arith.ori %and3A_522, %convert_element_type3A_565 : i32
        %min3A_566 = arith.minimumf %add3A_421, %add3A_427 : f32
        %max3A_567 = arith.maximumf %sub3A_397, %sub3A_403 : f32
        %sub3A_568 = arith.subf %min3A_566, %max3A_567 : f32
        %min3A_569 = arith.minimumf %add3A_469, %add3A_475 : f32
        %max3A_570 = arith.maximumf %sub3A_445, %sub3A_451 : f32
        %sub3A_571 = arith.subf %min3A_569, %max3A_570 : f32
        %max3A_572 = arith.constant 0.000000e+00 : f32
        %max3A_573 = arith.maximumf %sub3A_568, %max3A_572 : f32
        %max3A_574 = arith.constant 0.000000e+00 : f32
        %max3A_575 = arith.maximumf %sub3A_571, %max3A_574 : f32
        %mul3A_576 = arith.mulf %max3A_573, %max3A_575 : f32
        %add3A_577 = arith.addf %mul3A_493, %mul3A_499 : f32
        %sub3A_578 = arith.subf %add3A_577, %mul3A_576 : f32
        %mul3A_579 = arith.mulf %while3A, %sub3A_578 : f32
        %gt3A_580 = arith.cmpf ogt, %mul3A_576, %mul3A_579 : f32
        %and3A_581 = arith.andi %and3A_551, %gt3A_580 : i1
        %convert_element_type3A_582 = arith.extui %and3A_581 : i1 to i32
        %or3A_583 = arith.ori %and3A_526, %convert_element_type3A_582 : i32
        %min3A_584 = arith.minimumf %add3A_421, %add3A_430 : f32
        %max3A_585 = arith.maximumf %sub3A_397, %sub3A_406 : f32
        %sub3A_586 = arith.subf %min3A_584, %max3A_585 : f32
        %min3A_587 = arith.minimumf %add3A_469, %add3A_478 : f32
        %max3A_588 = arith.maximumf %sub3A_445, %sub3A_454 : f32
        %sub3A_589 = arith.subf %min3A_587, %max3A_588 : f32
        %max3A_590 = arith.constant 0.000000e+00 : f32
        %max3A_591 = arith.maximumf %sub3A_586, %max3A_590 : f32
        %max3A_592 = arith.constant 0.000000e+00 : f32
        %max3A_593 = arith.maximumf %sub3A_589, %max3A_592 : f32
        %mul3A_594 = arith.mulf %max3A_591, %max3A_593 : f32
        %add3A_595 = arith.addf %mul3A_493, %mul3A_502 : f32
        %sub3A_596 = arith.subf %add3A_595, %mul3A_594 : f32
        %mul3A_597 = arith.mulf %while3A, %sub3A_596 : f32
        %gt3A_598 = arith.cmpf ogt, %mul3A_594, %mul3A_597 : f32
        %and3A_599 = arith.andi %and3A_551, %gt3A_598 : i1
        %convert_element_type3A_600 = arith.extui %and3A_599 : i1 to i32
        %or3A_601 = arith.ori %and3A_530, %convert_element_type3A_600 : i32
        %min3A_602 = arith.minimumf %add3A_421, %add3A_433 : f32
        %max3A_603 = arith.maximumf %sub3A_397, %sub3A_409 : f32
        %sub3A_604 = arith.subf %min3A_602, %max3A_603 : f32
        %min3A_605 = arith.minimumf %add3A_469, %add3A_481 : f32
        %max3A_606 = arith.maximumf %sub3A_445, %sub3A_457 : f32
        %sub3A_607 = arith.subf %min3A_605, %max3A_606 : f32
        %max3A_608 = arith.constant 0.000000e+00 : f32
        %max3A_609 = arith.maximumf %sub3A_604, %max3A_608 : f32
        %max3A_610 = arith.constant 0.000000e+00 : f32
        %max3A_611 = arith.maximumf %sub3A_607, %max3A_610 : f32
        %mul3A_612 = arith.mulf %max3A_609, %max3A_611 : f32
        %add3A_613 = arith.addf %mul3A_493, %mul3A_505 : f32
        %sub3A_614 = arith.subf %add3A_613, %mul3A_612 : f32
        %mul3A_615 = arith.mulf %while3A, %sub3A_614 : f32
        %gt3A_616 = arith.cmpf ogt, %mul3A_612, %mul3A_615 : f32
        %and3A_617 = arith.andi %and3A_551, %gt3A_616 : i1
        %convert_element_type3A_618 = arith.extui %and3A_617 : i1 to i32
        %or3A_619 = arith.ori %and3A_534, %convert_element_type3A_618 : i32
        %min3A_620 = arith.minimumf %add3A_421, %add3A_436 : f32
        %max3A_621 = arith.maximumf %sub3A_397, %sub3A_412 : f32
        %sub3A_622 = arith.subf %min3A_620, %max3A_621 : f32
        %min3A_623 = arith.minimumf %add3A_469, %add3A_484 : f32
        %max3A_624 = arith.maximumf %sub3A_445, %sub3A_460 : f32
        %sub3A_625 = arith.subf %min3A_623, %max3A_624 : f32
        %max3A_626 = arith.constant 0.000000e+00 : f32
        %max3A_627 = arith.maximumf %sub3A_622, %max3A_626 : f32
        %max3A_628 = arith.constant 0.000000e+00 : f32
        %max3A_629 = arith.maximumf %sub3A_625, %max3A_628 : f32
        %mul3A_630 = arith.mulf %max3A_627, %max3A_629 : f32
        %add3A_631 = arith.addf %mul3A_493, %mul3A_508 : f32
        %sub3A_632 = arith.subf %add3A_631, %mul3A_630 : f32
        %mul3A_633 = arith.mulf %while3A, %sub3A_632 : f32
        %gt3A_634 = arith.cmpf ogt, %mul3A_630, %mul3A_633 : f32
        %and3A_635 = arith.andi %and3A_551, %gt3A_634 : i1
        %convert_element_type3A_636 = arith.extui %and3A_635 : i1 to i32
        %or3A_637 = arith.ori %and3A_538, %convert_element_type3A_636 : i32
        %min3A_638 = arith.minimumf %add3A_421, %add3A_439 : f32
        %max3A_639 = arith.maximumf %sub3A_397, %sub3A_415 : f32
        %sub3A_640 = arith.subf %min3A_638, %max3A_639 : f32
        %min3A_641 = arith.minimumf %add3A_469, %add3A_487 : f32
        %max3A_642 = arith.maximumf %sub3A_445, %sub3A_463 : f32
        %sub3A_643 = arith.subf %min3A_641, %max3A_642 : f32
        %max3A_644 = arith.constant 0.000000e+00 : f32
        %max3A_645 = arith.maximumf %sub3A_640, %max3A_644 : f32
        %max3A_646 = arith.constant 0.000000e+00 : f32
        %max3A_647 = arith.maximumf %sub3A_643, %max3A_646 : f32
        %mul3A_648 = arith.mulf %max3A_645, %max3A_647 : f32
        %add3A_649 = arith.addf %mul3A_493, %mul3A_511 : f32
        %sub3A_650 = arith.subf %add3A_649, %mul3A_648 : f32
        %mul3A_651 = arith.mulf %while3A, %sub3A_650 : f32
        %gt3A_652 = arith.cmpf ogt, %mul3A_648, %mul3A_651 : f32
        %and3A_653 = arith.andi %and3A_551, %gt3A_652 : i1
        %convert_element_type3A_654 = arith.extui %and3A_653 : i1 to i32
        %or3A_655 = arith.ori %and3A_542, %convert_element_type3A_654 : i32
        %min3A_656 = arith.minimumf %add3A_421, %add3A_442 : f32
        %max3A_657 = arith.maximumf %sub3A_397, %sub3A_418 : f32
        %sub3A_658 = arith.subf %min3A_656, %max3A_657 : f32
        %min3A_659 = arith.minimumf %add3A_469, %add3A_490 : f32
        %max3A_660 = arith.maximumf %sub3A_445, %sub3A_466 : f32
        %sub3A_661 = arith.subf %min3A_659, %max3A_660 : f32
        %max3A_662 = arith.constant 0.000000e+00 : f32
        %max3A_663 = arith.maximumf %sub3A_658, %max3A_662 : f32
        %max3A_664 = arith.constant 0.000000e+00 : f32
        %max3A_665 = arith.maximumf %sub3A_661, %max3A_664 : f32
        %mul3A_666 = arith.mulf %max3A_663, %max3A_665 : f32
        %add3A_667 = arith.addf %mul3A_493, %mul3A_514 : f32
        %sub3A_668 = arith.subf %add3A_667, %mul3A_666 : f32
        %mul3A_669 = arith.mulf %while3A, %sub3A_668 : f32
        %gt3A_670 = arith.cmpf ogt, %mul3A_666, %mul3A_669 : f32
        %and3A_671 = arith.andi %and3A_551, %gt3A_670 : i1
        %convert_element_type3A_672 = arith.extui %and3A_671 : i1 to i32
        %or3A_673 = arith.ori %and3A_546, %convert_element_type3A_672 : i32
        %convert_element_type3A_674 = arith.extui %and3A_551 : i1 to i32
        %cond3A_675 = arith.constant 0 : i32
        %cond3A_676 = arith.cmpi ne, %convert_element_type3A_674, %cond3A_675 : i32
        scf.if %cond3A_676 {
          %get3A_1118 = arith.constant 1 : index
          %get3A_1119 = arith.constant 0 : index
          %get3A_1120 = arith.constant 0 : index
          %get3A_1121 = vector.load %arg9[%get3A_1118, %get3A_1119, %get3A_1120] : memref<5x32x128xf32, #tpu.memory_space<vmem>>, vector<1x32x128xf32>
          %get3A_1122 = vector.shape_cast %get3A_1121 : vector<1x32x128xf32> to vector<32x128xf32>
          %min3A_1123 = vector.broadcast %add3A_421 : f32 to vector<32x128xf32>
          %min3A_1124 = arith.minimumf %get3A_1122, %min3A_1123 : vector<32x128xf32>
          %get3A_1125 = arith.constant 0 : index
          %get3A_1126 = arith.constant 0 : index
          %get3A_1127 = arith.constant 0 : index
          %get3A_1128 = vector.load %arg9[%get3A_1125, %get3A_1126, %get3A_1127] : memref<5x32x128xf32, #tpu.memory_space<vmem>>, vector<1x32x128xf32>
          %get3A_1129 = vector.shape_cast %get3A_1128 : vector<1x32x128xf32> to vector<32x128xf32>
          %max3A_1130 = vector.broadcast %sub3A_397 : f32 to vector<32x128xf32>
          %max3A_1131 = arith.maximumf %get3A_1129, %max3A_1130 : vector<32x128xf32>
          %sub3A_1132 = arith.subf %min3A_1124, %max3A_1131 : vector<32x128xf32>
          %max3A_1133 = arith.constant 0.000000e+00 : f32
          %max3A_1134 = vector.broadcast %max3A_1133 : f32 to vector<32x128xf32>
          %max3A_1135 = arith.maximumf %sub3A_1132, %max3A_1134 : vector<32x128xf32>
          %get3A_1136 = arith.constant 3 : index
          %get3A_1137 = arith.constant 0 : index
          %get3A_1138 = arith.constant 0 : index
          %get3A_1139 = vector.load %arg9[%get3A_1136, %get3A_1137, %get3A_1138] : memref<5x32x128xf32, #tpu.memory_space<vmem>>, vector<1x32x128xf32>
          %get3A_1140 = vector.shape_cast %get3A_1139 : vector<1x32x128xf32> to vector<32x128xf32>
          %min3A_1141 = vector.broadcast %add3A_469 : f32 to vector<32x128xf32>
          %min3A_1142 = arith.minimumf %get3A_1140, %min3A_1141 : vector<32x128xf32>
          %get3A_1143 = arith.constant 2 : index
          %get3A_1144 = arith.constant 0 : index
          %get3A_1145 = arith.constant 0 : index
          %get3A_1146 = vector.load %arg9[%get3A_1143, %get3A_1144, %get3A_1145] : memref<5x32x128xf32, #tpu.memory_space<vmem>>, vector<1x32x128xf32>
          %get3A_1147 = vector.shape_cast %get3A_1146 : vector<1x32x128xf32> to vector<32x128xf32>
          %max3A_1148 = vector.broadcast %sub3A_445 : f32 to vector<32x128xf32>
          %max3A_1149 = arith.maximumf %get3A_1147, %max3A_1148 : vector<32x128xf32>
          %sub3A_1150 = arith.subf %min3A_1142, %max3A_1149 : vector<32x128xf32>
          %max3A_1151 = arith.constant 0.000000e+00 : f32
          %max3A_1152 = vector.broadcast %max3A_1151 : f32 to vector<32x128xf32>
          %max3A_1153 = arith.maximumf %sub3A_1150, %max3A_1152 : vector<32x128xf32>
          %mul3A_1154 = arith.mulf %max3A_1135, %max3A_1153 : vector<32x128xf32>
          %get3A_1155 = arith.constant 4 : index
          %get3A_1156 = arith.constant 0 : index
          %get3A_1157 = arith.constant 0 : index
          %get3A_1158 = vector.load %arg9[%get3A_1155, %get3A_1156, %get3A_1157] : memref<5x32x128xf32, #tpu.memory_space<vmem>>, vector<1x32x128xf32>
          %get3A_1159 = vector.shape_cast %get3A_1158 : vector<1x32x128xf32> to vector<32x128xf32>
          %add3A_1160 = vector.broadcast %mul3A_493 : f32 to vector<32x128xf32>
          %add3A_1161 = arith.addf %get3A_1159, %add3A_1160 : vector<32x128xf32>
          %sub3A_1162 = arith.subf %add3A_1161, %mul3A_1154 : vector<32x128xf32>
          %mul3A_1163 = vector.broadcast %while3A : f32 to vector<32x128xf32>
          %mul3A_1164 = arith.mulf %mul3A_1163, %sub3A_1162 : vector<32x128xf32>
          %gt3A_1165 = arith.cmpf ogt, %mul3A_1154, %mul3A_1164 : vector<32x128xf32>
          %gt3A_1166 = vector.broadcast %add3A_548 : i32 to vector<32x128xi32>
          %gt3A_1167 = arith.cmpi sgt, %add3A_97, %gt3A_1166 : vector<32x128xi32>
          %and3A_1168 = arith.andi %gt3A_1165, %gt3A_1167 : vector<32x128xi1>
          %get3A_1169 = arith.constant 0 : index
          %get3A_1170 = arith.constant 0 : index
          %get3A_1171 = vector.load %arg8[%get3A_1169, %get3A_1170] : memref<32x128xf32, #tpu.memory_space<vmem>>, vector<32x128xf32>
          %convert_element_type3A_1172 = arith.extui %and3A_1168 : vector<32x128xi1> to vector<32x128xi32>
          %convert_element_type3A_1173 = arith.sitofp %convert_element_type3A_1172 : vector<32x128xi32> to vector<32x128xf32>
          %max3A_1174 = arith.maximumf %get3A_1171, %convert_element_type3A_1173 : vector<32x128xf32>
          %swap3A_1175 = arith.constant 0 : index
          %swap3A_1176 = arith.constant 0 : index
          %swap3A_1177 = vector.load %arg8[%swap3A_1175, %swap3A_1176] : memref<32x128xf32, #tpu.memory_space<vmem>>, vector<32x128xf32>
          tpu.vector_store %arg8[%swap3A_1175, %swap3A_1176], %max3A_1174 {strides = array<i32>} : memref<32x128xf32, #tpu.memory_space<vmem>>, vector<32x128xf32>,
          %get3A_1178 = arith.constant 0 : index
          %get3A_1179 = memref.load %arg10[%get3A_1178] : memref<1xi32, #tpu.memory_space<smem>>
          %lt3A_1180 = arith.constant 500 : i32
          %lt3A_1181 = arith.cmpi slt, %get3A_1179, %lt3A_1180 : i32
          %convert_element_type3A_1182 = arith.extui %lt3A_1181 : i1 to i32
          %cond3A_1183 = arith.constant 0 : i32
          %cond3A_1184 = arith.cmpi ne, %convert_element_type3A_1182, %cond3A_1183 : i32
          scf.if %cond3A_1184 {
            %get3A_1189 = arith.constant 0 : index
            %get3A_1190 = arith.index_cast %add3A_548 : i32 to index
            %get3A_1191 = arith.constant 0 : index
            %get3A_1192 = vector.load %arg2[%get3A_1189, %get3A_1190, %get3A_1191] : memref<1x4096x16xf32, #tpu.memory_space<vmem>>, vector<1x1x16xf32>
            %get3A_1193 = vector.shape_cast %get3A_1192 : vector<1x1x16xf32> to vector<1x16xf32>
            %swap3A_1194 = arith.constant 0 : index
            %swap3A_1195 = arith.index_cast %get3A_1179 : i32 to index
            %swap3A_1196 = arith.constant 0 : index
            %swap3A_1197 = vector.load %arg6[%swap3A_1194, %swap3A_1195, %swap3A_1196] : memref<1x512x16xf32, #tpu.memory_space<vmem>>, vector<1x1x16xf32>
            %swap3A_1198 = vector.shape_cast %swap3A_1197 : vector<1x1x16xf32> to vector<1x16xf32>
            %swap3A_1199 = vector.shape_cast %get3A_1193 : vector<1x16xf32> to vector<1x1x16xf32>
            tpu.vector_store %arg6[%swap3A_1194, %swap3A_1195, %swap3A_1196], %swap3A_1199 {strides = array<i32>} : memref<1x512x16xf32, #tpu.memory_space<vmem>>, vector<1x1x16xf32>,
            %get3A_1200 = arith.constant 0 : index
            %get3A_1201 = arith.index_cast %add3A_548 : i32 to index
            %get3A_1202 = arith.constant 0 : index
            %get3A_1203 = vector.load %arg5[%get3A_1200, %get3A_1201, %get3A_1202] : memref<1x4096x1xi32, #tpu.memory_space<vmem>>, vector<1x1x1xi32>
            %get3A_1204 = vector.shape_cast %get3A_1203 : vector<1x1x1xi32> to vector<1x1xi32>
            %swap3A_1205 = arith.constant 0 : index
            %swap3A_1206 = arith.index_cast %get3A_1179 : i32 to index
            %swap3A_1207 = arith.constant 0 : index
            %swap3A_1208 = vector.load %arg7[%swap3A_1205, %swap3A_1206, %swap3A_1207] : memref<1x512x1xi32, #tpu.memory_space<vmem>>, vector<1x1x1xi32>
            %swap3A_1209 = vector.shape_cast %swap3A_1208 : vector<1x1x1xi32> to vector<1x1xi32>
            %swap3A_1210 = vector.shape_cast %get3A_1204 : vector<1x1xi32> to vector<1x1x1xi32>
            tpu.vector_store %arg7[%swap3A_1205, %swap3A_1206, %swap3A_1207], %swap3A_1210 {strides = array<i32>} : memref<1x512x1xi32, #tpu.memory_space<vmem>>, vector<1x1x1xi32>,
          } else {
          }
          %add3A_1185 = arith.constant 1 : i32
          %add3A_1186 = arith.addi %get3A_1179, %add3A_1185 : i32
          %swap3A_1187 = arith.constant 0 : index
          %swap3A_1188 = memref.load %arg10[%swap3A_1187] : memref<1xi32, #tpu.memory_space<smem>>
          memref.store %add3A_1186, %arg10[%swap3A_1187] : memref<1xi32, #tpu.memory_space<smem>>
        } else {
        }
        %add3A_677 = arith.constant 1 : i32
        %add3A_678 = arith.addi %mul3A_119, %add3A_677 : i32
        %eq3A_679 = arith.constant 0 : i32
        %eq3A_680 = arith.cmpi eq, %or3A, %eq3A_679 : i32
        %lt3A_681 = arith.cmpi slt, %add3A_678, %get3A_0 : i32
        %and3A_682 = arith.andi %eq3A_680, %lt3A_681 : i1
        %min3A_683 = arith.minimumf %add3A_424, %add3A_427 : f32
        %max3A_684 = arith.maximumf %sub3A_400, %sub3A_403 : f32
        %sub3A_685 = arith.subf %min3A_683, %max3A_684 : f32
        %min3A_686 = arith.minimumf %add3A_472, %add3A_475 : f32
        %max3A_687 = arith.maximumf %sub3A_448, %sub3A_451 : f32
        %sub3A_688 = arith.subf %min3A_686, %max3A_687 : f32
        %max3A_689 = arith.constant 0.000000e+00 : f32
        %max3A_690 = arith.maximumf %sub3A_685, %max3A_689 : f32
        %max3A_691 = arith.constant 0.000000e+00 : f32
        %max3A_692 = arith.maximumf %sub3A_688, %max3A_691 : f32
        %mul3A_693 = arith.mulf %max3A_690, %max3A_692 : f32
        %add3A_694 = arith.addf %mul3A_496, %mul3A_499 : f32
        %sub3A_695 = arith.subf %add3A_694, %mul3A_693 : f32
        %mul3A_696 = arith.mulf %while3A, %sub3A_695 : f32
        %gt3A_697 = arith.cmpf ogt, %mul3A_693, %mul3A_696 : f32
        %and3A_698 = arith.andi %and3A_682, %gt3A_697 : i1
        %convert_element_type3A_699 = arith.extui %and3A_698 : i1 to i32
        %or3A_700 = arith.ori %or3A_583, %convert_element_type3A_699 : i32
        %min3A_701 = arith.minimumf %add3A_424, %add3A_430 : f32
        %max3A_702 = arith.maximumf %sub3A_400, %sub3A_406 : f32
        %sub3A_703 = arith.subf %min3A_701, %max3A_702 : f32
        %min3A_704 = arith.minimumf %add3A_472, %add3A_478 : f32
        %max3A_705 = arith.maximumf %sub3A_448, %sub3A_454 : f32
        %sub3A_706 = arith.subf %min3A_704, %max3A_705 : f32
        %max3A_707 = arith.constant 0.000000e+00 : f32
        %max3A_708 = arith.maximumf %sub3A_703, %max3A_707 : f32
        %max3A_709 = arith.constant 0.000000e+00 : f32
        %max3A_710 = arith.maximumf %sub3A_706, %max3A_709 : f32
        %mul3A_711 = arith.mulf %max3A_708, %max3A_710 : f32
        %add3A_712 = arith.addf %mul3A_496, %mul3A_502 : f32
        %sub3A_713 = arith.subf %add3A_712, %mul3A_711 : f32
        %mul3A_714 = arith.mulf %while3A, %sub3A_713 : f32
        %gt3A_715 = arith.cmpf ogt, %mul3A_711, %mul3A_714 : f32
        %and3A_716 = arith.andi %and3A_682, %gt3A_715 : i1
        %convert_element_type3A_717 = arith.extui %and3A_716 : i1 to i32
        %or3A_718 = arith.ori %or3A_601, %convert_element_type3A_717 : i32
        %min3A_719 = arith.minimumf %add3A_424, %add3A_433 : f32
        %max3A_720 = arith.maximumf %sub3A_400, %sub3A_409 : f32
        %sub3A_721 = arith.subf %min3A_719, %max3A_720 : f32
        %min3A_722 = arith.minimumf %add3A_472, %add3A_481 : f32
        %max3A_723 = arith.maximumf %sub3A_448, %sub3A_457 : f32
        %sub3A_724 = arith.subf %min3A_722, %max3A_723 : f32
        %max3A_725 = arith.constant 0.000000e+00 : f32
        %max3A_726 = arith.maximumf %sub3A_721, %max3A_725 : f32
        %max3A_727 = arith.constant 0.000000e+00 : f32
        %max3A_728 = arith.maximumf %sub3A_724, %max3A_727 : f32
        %mul3A_729 = arith.mulf %max3A_726, %max3A_728 : f32
        %add3A_730 = arith.addf %mul3A_496, %mul3A_505 : f32
        %sub3A_731 = arith.subf %add3A_730, %mul3A_729 : f32
        %mul3A_732 = arith.mulf %while3A, %sub3A_731 : f32
        %gt3A_733 = arith.cmpf ogt, %mul3A_729, %mul3A_732 : f32
        %and3A_734 = arith.andi %and3A_682, %gt3A_733 : i1
        %convert_element_type3A_735 = arith.extui %and3A_734 : i1 to i32
        %or3A_736 = arith.ori %or3A_619, %convert_element_type3A_735 : i32
        %min3A_737 = arith.minimumf %add3A_424, %add3A_436 : f32
        %max3A_738 = arith.maximumf %sub3A_400, %sub3A_412 : f32
        %sub3A_739 = arith.subf %min3A_737, %max3A_738 : f32
        %min3A_740 = arith.minimumf %add3A_472, %add3A_484 : f32
        %max3A_741 = arith.maximumf %sub3A_448, %sub3A_460 : f32
        %sub3A_742 = arith.subf %min3A_740, %max3A_741 : f32
        %max3A_743 = arith.constant 0.000000e+00 : f32
        %max3A_744 = arith.maximumf %sub3A_739, %max3A_743 : f32
        %max3A_745 = arith.constant 0.000000e+00 : f32
        %max3A_746 = arith.maximumf %sub3A_742, %max3A_745 : f32
        %mul3A_747 = arith.mulf %max3A_744, %max3A_746 : f32
        %add3A_748 = arith.addf %mul3A_496, %mul3A_508 : f32
        %sub3A_749 = arith.subf %add3A_748, %mul3A_747 : f32
        %mul3A_750 = arith.mulf %while3A, %sub3A_749 : f32
        %gt3A_751 = arith.cmpf ogt, %mul3A_747, %mul3A_750 : f32
        %and3A_752 = arith.andi %and3A_682, %gt3A_751 : i1
        %convert_element_type3A_753 = arith.extui %and3A_752 : i1 to i32
        %or3A_754 = arith.ori %or3A_637, %convert_element_type3A_753 : i32
        %min3A_755 = arith.minimumf %add3A_424, %add3A_439 : f32
        %max3A_756 = arith.maximumf %sub3A_400, %sub3A_415 : f32
        %sub3A_757 = arith.subf %min3A_755, %max3A_756 : f32
        %min3A_758 = arith.minimumf %add3A_472, %add3A_487 : f32
        %max3A_759 = arith.maximumf %sub3A_448, %sub3A_463 : f32
        %sub3A_760 = arith.subf %min3A_758, %max3A_759 : f32
        %max3A_761 = arith.constant 0.000000e+00 : f32
        %max3A_762 = arith.maximumf %sub3A_757, %max3A_761 : f32
        %max3A_763 = arith.constant 0.000000e+00 : f32
        %max3A_764 = arith.maximumf %sub3A_760, %max3A_763 : f32
        %mul3A_765 = arith.mulf %max3A_762, %max3A_764 : f32
        %add3A_766 = arith.addf %mul3A_496, %mul3A_511 : f32
        %sub3A_767 = arith.subf %add3A_766, %mul3A_765 : f32
        %mul3A_768 = arith.mulf %while3A, %sub3A_767 : f32
        %gt3A_769 = arith.cmpf ogt, %mul3A_765, %mul3A_768 : f32
        %and3A_770 = arith.andi %and3A_682, %gt3A_769 : i1
        %convert_element_type3A_771 = arith.extui %and3A_770 : i1 to i32
        %or3A_772 = arith.ori %or3A_655, %convert_element_type3A_771 : i32
        %min3A_773 = arith.minimumf %add3A_424, %add3A_442 : f32
        %max3A_774 = arith.maximumf %sub3A_400, %sub3A_418 : f32
        %sub3A_775 = arith.subf %min3A_773, %max3A_774 : f32
        %min3A_776 = arith.minimumf %add3A_472, %add3A_490 : f32
        %max3A_777 = arith.maximumf %sub3A_448, %sub3A_466 : f32
        %sub3A_778 = arith.subf %min3A_776, %max3A_777 : f32
        %max3A_779 = arith.constant 0.000000e+00 : f32
        %max3A_780 = arith.maximumf %sub3A_775, %max3A_779 : f32
        %max3A_781 = arith.constant 0.000000e+00 : f32
        %max3A_782 = arith.maximumf %sub3A_778, %max3A_781 : f32
        %mul3A_783 = arith.mulf %max3A_780, %max3A_782 : f32
        %add3A_784 = arith.addf %mul3A_496, %mul3A_514 : f32
        %sub3A_785 = arith.subf %add3A_784, %mul3A_783 : f32
        %mul3A_786 = arith.mulf %while3A, %sub3A_785 : f32
        %gt3A_787 = arith.cmpf ogt, %mul3A_783, %mul3A_786 : f32
        %and3A_788 = arith.andi %and3A_682, %gt3A_787 : i1
        %convert_element_type3A_789 = arith.extui %and3A_788 : i1 to i32
        %or3A_790 = arith.ori %or3A_673, %convert_element_type3A_789 : i32
        %convert_element_type3A_791 = arith.extui %and3A_682 : i1 to i32
        %cond3A_792 = arith.constant 0 : i32
        %cond3A_793 = arith.cmpi ne, %convert_element_type3A_791, %cond3A_792 : i32
        scf.if %cond3A_793 {
          %get3A_1118 = arith.constant 1 : index
          %get3A_1119 = arith.constant 0 : index
          %get3A_1120 = arith.constant 0 : index
          %get3A_1121 = vector.load %arg9[%get3A_1118, %get3A_1119, %get3A_1120] : memref<5x32x128xf32, #tpu.memory_space<vmem>>, vector<1x32x128xf32>
          %get3A_1122 = vector.shape_cast %get3A_1121 : vector<1x32x128xf32> to vector<32x128xf32>
          %min3A_1123 = vector.broadcast %add3A_424 : f32 to vector<32x128xf32>
          %min3A_1124 = arith.minimumf %get3A_1122, %min3A_1123 : vector<32x128xf32>
          %get3A_1125 = arith.constant 0 : index
          %get3A_1126 = arith.constant 0 : index
          %get3A_1127 = arith.constant 0 : index
          %get3A_1128 = vector.load %arg9[%get3A_1125, %get3A_1126, %get3A_1127] : memref<5x32x128xf32, #tpu.memory_space<vmem>>, vector<1x32x128xf32>
          %get3A_1129 = vector.shape_cast %get3A_1128 : vector<1x32x128xf32> to vector<32x128xf32>
          %max3A_1130 = vector.broadcast %sub3A_400 : f32 to vector<32x128xf32>
          %max3A_1131 = arith.maximumf %get3A_1129, %max3A_1130 : vector<32x128xf32>
          %sub3A_1132 = arith.subf %min3A_1124, %max3A_1131 : vector<32x128xf32>
          %max3A_1133 = arith.constant 0.000000e+00 : f32
          %max3A_1134 = vector.broadcast %max3A_1133 : f32 to vector<32x128xf32>
          %max3A_1135 = arith.maximumf %sub3A_1132, %max3A_1134 : vector<32x128xf32>
          %get3A_1136 = arith.constant 3 : index
          %get3A_1137 = arith.constant 0 : index
          %get3A_1138 = arith.constant 0 : index
          %get3A_1139 = vector.load %arg9[%get3A_1136, %get3A_1137, %get3A_1138] : memref<5x32x128xf32, #tpu.memory_space<vmem>>, vector<1x32x128xf32>
          %get3A_1140 = vector.shape_cast %get3A_1139 : vector<1x32x128xf32> to vector<32x128xf32>
          %min3A_1141 = vector.broadcast %add3A_472 : f32 to vector<32x128xf32>
          %min3A_1142 = arith.minimumf %get3A_1140, %min3A_1141 : vector<32x128xf32>
          %get3A_1143 = arith.constant 2 : index
          %get3A_1144 = arith.constant 0 : index
          %get3A_1145 = arith.constant 0 : index
          %get3A_1146 = vector.load %arg9[%get3A_1143, %get3A_1144, %get3A_1145] : memref<5x32x128xf32, #tpu.memory_space<vmem>>, vector<1x32x128xf32>
          %get3A_1147 = vector.shape_cast %get3A_1146 : vector<1x32x128xf32> to vector<32x128xf32>
          %max3A_1148 = vector.broadcast %sub3A_448 : f32 to vector<32x128xf32>
          %max3A_1149 = arith.maximumf %get3A_1147, %max3A_1148 : vector<32x128xf32>
          %sub3A_1150 = arith.subf %min3A_1142, %max3A_1149 : vector<32x128xf32>
          %max3A_1151 = arith.constant 0.000000e+00 : f32
          %max3A_1152 = vector.broadcast %max3A_1151 : f32 to vector<32x128xf32>
          %max3A_1153 = arith.maximumf %sub3A_1150, %max3A_1152 : vector<32x128xf32>
          %mul3A_1154 = arith.mulf %max3A_1135, %max3A_1153 : vector<32x128xf32>
          %get3A_1155 = arith.constant 4 : index
          %get3A_1156 = arith.constant 0 : index
          %get3A_1157 = arith.constant 0 : index
          %get3A_1158 = vector.load %arg9[%get3A_1155, %get3A_1156, %get3A_1157] : memref<5x32x128xf32, #tpu.memory_space<vmem>>, vector<1x32x128xf32>
          %get3A_1159 = vector.shape_cast %get3A_1158 : vector<1x32x128xf32> to vector<32x128xf32>
          %add3A_1160 = vector.broadcast %mul3A_496 : f32 to vector<32x128xf32>
          %add3A_1161 = arith.addf %get3A_1159, %add3A_1160 : vector<32x128xf32>
          %sub3A_1162 = arith.subf %add3A_1161, %mul3A_1154 : vector<32x128xf32>
          %mul3A_1163 = vector.broadcast %while3A : f32 to vector<32x128xf32>
          %mul3A_1164 = arith.mulf %mul3A_1163, %sub3A_1162 : vector<32x128xf32>
          %gt3A_1165 = arith.cmpf ogt, %mul3A_1154, %mul3A_1164 : vector<32x128xf32>
          %gt3A_1166 = vector.broadcast %add3A_678 : i32 to vector<32x128xi32>
          %gt3A_1167 = arith.cmpi sgt, %add3A_97, %gt3A_1166 : vector<32x128xi32>
          %and3A_1168 = arith.andi %gt3A_1165, %gt3A_1167 : vector<32x128xi1>
          %get3A_1169 = arith.constant 0 : index
          %get3A_1170 = arith.constant 0 : index
          %get3A_1171 = vector.load %arg8[%get3A_1169, %get3A_1170] : memref<32x128xf32, #tpu.memory_space<vmem>>, vector<32x128xf32>
          %convert_element_type3A_1172 = arith.extui %and3A_1168 : vector<32x128xi1> to vector<32x128xi32>
          %convert_element_type3A_1173 = arith.sitofp %convert_element_type3A_1172 : vector<32x128xi32> to vector<32x128xf32>
          %max3A_1174 = arith.maximumf %get3A_1171, %convert_element_type3A_1173 : vector<32x128xf32>
          %swap3A_1175 = arith.constant 0 : index
          %swap3A_1176 = arith.constant 0 : index
          %swap3A_1177 = vector.load %arg8[%swap3A_1175, %swap3A_1176] : memref<32x128xf32, #tpu.memory_space<vmem>>, vector<32x128xf32>
          tpu.vector_store %arg8[%swap3A_1175, %swap3A_1176], %max3A_1174 {strides = array<i32>} : memref<32x128xf32, #tpu.memory_space<vmem>>, vector<32x128xf32>,
          %get3A_1178 = arith.constant 0 : index
          %get3A_1179 = memref.load %arg10[%get3A_1178] : memref<1xi32, #tpu.memory_space<smem>>
          %lt3A_1180 = arith.constant 500 : i32
          %lt3A_1181 = arith.cmpi slt, %get3A_1179, %lt3A_1180 : i32
          %convert_element_type3A_1182 = arith.extui %lt3A_1181 : i1 to i32
          %cond3A_1183 = arith.constant 0 : i32
          %cond3A_1184 = arith.cmpi ne, %convert_element_type3A_1182, %cond3A_1183 : i32
          scf.if %cond3A_1184 {
            %get3A_1189 = arith.constant 0 : index
            %get3A_1190 = arith.index_cast %add3A_678 : i32 to index
            %get3A_1191 = arith.constant 0 : index
            %get3A_1192 = vector.load %arg2[%get3A_1189, %get3A_1190, %get3A_1191] : memref<1x4096x16xf32, #tpu.memory_space<vmem>>, vector<1x1x16xf32>
            %get3A_1193 = vector.shape_cast %get3A_1192 : vector<1x1x16xf32> to vector<1x16xf32>
            %swap3A_1194 = arith.constant 0 : index
            %swap3A_1195 = arith.index_cast %get3A_1179 : i32 to index
            %swap3A_1196 = arith.constant 0 : index
            %swap3A_1197 = vector.load %arg6[%swap3A_1194, %swap3A_1195, %swap3A_1196] : memref<1x512x16xf32, #tpu.memory_space<vmem>>, vector<1x1x16xf32>
            %swap3A_1198 = vector.shape_cast %swap3A_1197 : vector<1x1x16xf32> to vector<1x16xf32>
            %swap3A_1199 = vector.shape_cast %get3A_1193 : vector<1x16xf32> to vector<1x1x16xf32>
            tpu.vector_store %arg6[%swap3A_1194, %swap3A_1195, %swap3A_1196], %swap3A_1199 {strides = array<i32>} : memref<1x512x16xf32, #tpu.memory_space<vmem>>, vector<1x1x16xf32>,
            %get3A_1200 = arith.constant 0 : index
            %get3A_1201 = arith.index_cast %add3A_678 : i32 to index
            %get3A_1202 = arith.constant 0 : index
            %get3A_1203 = vector.load %arg5[%get3A_1200, %get3A_1201, %get3A_1202] : memref<1x4096x1xi32, #tpu.memory_space<vmem>>, vector<1x1x1xi32>
            %get3A_1204 = vector.shape_cast %get3A_1203 : vector<1x1x1xi32> to vector<1x1xi32>
            %swap3A_1205 = arith.constant 0 : index
            %swap3A_1206 = arith.index_cast %get3A_1179 : i32 to index
            %swap3A_1207 = arith.constant 0 : index
            %swap3A_1208 = vector.load %arg7[%swap3A_1205, %swap3A_1206, %swap3A_1207] : memref<1x512x1xi32, #tpu.memory_space<vmem>>, vector<1x1x1xi32>
            %swap3A_1209 = vector.shape_cast %swap3A_1208 : vector<1x1x1xi32> to vector<1x1xi32>
            %swap3A_1210 = vector.shape_cast %get3A_1204 : vector<1x1xi32> to vector<1x1x1xi32>
            tpu.vector_store %arg7[%swap3A_1205, %swap3A_1206, %swap3A_1207], %swap3A_1210 {strides = array<i32>} : memref<1x512x1xi32, #tpu.memory_space<vmem>>, vector<1x1x1xi32>,
          } else {
          }
          %add3A_1185 = arith.constant 1 : i32
          %add3A_1186 = arith.addi %get3A_1179, %add3A_1185 : i32
          %swap3A_1187 = arith.constant 0 : index
          %swap3A_1188 = memref.load %arg10[%swap3A_1187] : memref<1xi32, #tpu.memory_space<smem>>
          memref.store %add3A_1186, %arg10[%swap3A_1187] : memref<1xi32, #tpu.memory_space<smem>>
        } else {
        }
        %add3A_794 = arith.constant 2 : i32
        %add3A_795 = arith.addi %mul3A_119, %add3A_794 : i32
        %eq3A_796 = arith.constant 0 : i32
        %eq3A_797 = arith.cmpi eq, %or3A_700, %eq3A_796 : i32
        %lt3A_798 = arith.cmpi slt, %add3A_795, %get3A_0 : i32
        %and3A_799 = arith.andi %eq3A_797, %lt3A_798 : i1
        %min3A_800 = arith.minimumf %add3A_427, %add3A_430 : f32
        %max3A_801 = arith.maximumf %sub3A_403, %sub3A_406 : f32
        %sub3A_802 = arith.subf %min3A_800, %max3A_801 : f32
        %min3A_803 = arith.minimumf %add3A_475, %add3A_478 : f32
        %max3A_804 = arith.maximumf %sub3A_451, %sub3A_454 : f32
        %sub3A_805 = arith.subf %min3A_803, %max3A_804 : f32
        %max3A_806 = arith.constant 0.000000e+00 : f32
        %max3A_807 = arith.maximumf %sub3A_802, %max3A_806 : f32
        %max3A_808 = arith.constant 0.000000e+00 : f32
        %max3A_809 = arith.maximumf %sub3A_805, %max3A_808 : f32
        %mul3A_810 = arith.mulf %max3A_807, %max3A_809 : f32
        %add3A_811 = arith.addf %mul3A_499, %mul3A_502 : f32
        %sub3A_812 = arith.subf %add3A_811, %mul3A_810 : f32
        %mul3A_813 = arith.mulf %while3A, %sub3A_812 : f32
        %gt3A_814 = arith.cmpf ogt, %mul3A_810, %mul3A_813 : f32
        %and3A_815 = arith.andi %and3A_799, %gt3A_814 : i1
        %convert_element_type3A_816 = arith.extui %and3A_815 : i1 to i32
        %or3A_817 = arith.ori %or3A_718, %convert_element_type3A_816 : i32
        %min3A_818 = arith.minimumf %add3A_427, %add3A_433 : f32
        %max3A_819 = arith.maximumf %sub3A_403, %sub3A_409 : f32
        %sub3A_820 = arith.subf %min3A_818, %max3A_819 : f32
        %min3A_821 = arith.minimumf %add3A_475, %add3A_481 : f32
        %max3A_822 = arith.maximumf %sub3A_451, %sub3A_457 : f32
        %sub3A_823 = arith.subf %min3A_821, %max3A_822 : f32
        %max3A_824 = arith.constant 0.000000e+00 : f32
        %max3A_825 = arith.maximumf %sub3A_820, %max3A_824 : f32
        %max3A_826 = arith.constant 0.000000e+00 : f32
        %max3A_827 = arith.maximumf %sub3A_823, %max3A_826 : f32
        %mul3A_828 = arith.mulf %max3A_825, %max3A_827 : f32
        %add3A_829 = arith.addf %mul3A_499, %mul3A_505 : f32
        %sub3A_830 = arith.subf %add3A_829, %mul3A_828 : f32
        %mul3A_831 = arith.mulf %while3A, %sub3A_830 : f32
        %gt3A_832 = arith.cmpf ogt, %mul3A_828, %mul3A_831 : f32
        %and3A_833 = arith.andi %and3A_799, %gt3A_832 : i1
        %convert_element_type3A_834 = arith.extui %and3A_833 : i1 to i32
        %or3A_835 = arith.ori %or3A_736, %convert_element_type3A_834 : i32
        %min3A_836 = arith.minimumf %add3A_427, %add3A_436 : f32
        %max3A_837 = arith.maximumf %sub3A_403, %sub3A_412 : f32
        %sub3A_838 = arith.subf %min3A_836, %max3A_837 : f32
        %min3A_839 = arith.minimumf %add3A_475, %add3A_484 : f32
        %max3A_840 = arith.maximumf %sub3A_451, %sub3A_460 : f32
        %sub3A_841 = arith.subf %min3A_839, %max3A_840 : f32
        %max3A_842 = arith.constant 0.000000e+00 : f32
        %max3A_843 = arith.maximumf %sub3A_838, %max3A_842 : f32
        %max3A_844 = arith.constant 0.000000e+00 : f32
        %max3A_845 = arith.maximumf %sub3A_841, %max3A_844 : f32
        %mul3A_846 = arith.mulf %max3A_843, %max3A_845 : f32
        %add3A_847 = arith.addf %mul3A_499, %mul3A_508 : f32
        %sub3A_848 = arith.subf %add3A_847, %mul3A_846 : f32
        %mul3A_849 = arith.mulf %while3A, %sub3A_848 : f32
        %gt3A_850 = arith.cmpf ogt, %mul3A_846, %mul3A_849 : f32
        %and3A_851 = arith.andi %and3A_799, %gt3A_850 : i1
        %convert_element_type3A_852 = arith.extui %and3A_851 : i1 to i32
        %or3A_853 = arith.ori %or3A_754, %convert_element_type3A_852 : i32
        %min3A_854 = arith.minimumf %add3A_427, %add3A_439 : f32
        %max3A_855 = arith.maximumf %sub3A_403, %sub3A_415 : f32
        %sub3A_856 = arith.subf %min3A_854, %max3A_855 : f32
        %min3A_857 = arith.minimumf %add3A_475, %add3A_487 : f32
        %max3A_858 = arith.maximumf %sub3A_451, %sub3A_463 : f32
        %sub3A_859 = arith.subf %min3A_857, %max3A_858 : f32
        %max3A_860 = arith.constant 0.000000e+00 : f32
        %max3A_861 = arith.maximumf %sub3A_856, %max3A_860 : f32
        %max3A_862 = arith.constant 0.000000e+00 : f32
        %max3A_863 = arith.maximumf %sub3A_859, %max3A_862 : f32
        %mul3A_864 = arith.mulf %max3A_861, %max3A_863 : f32
        %add3A_865 = arith.addf %mul3A_499, %mul3A_511 : f32
        %sub3A_866 = arith.subf %add3A_865, %mul3A_864 : f32
        %mul3A_867 = arith.mulf %while3A, %sub3A_866 : f32
        %gt3A_868 = arith.cmpf ogt, %mul3A_864, %mul3A_867 : f32
        %and3A_869 = arith.andi %and3A_799, %gt3A_868 : i1
        %convert_element_type3A_870 = arith.extui %and3A_869 : i1 to i32
        %or3A_871 = arith.ori %or3A_772, %convert_element_type3A_870 : i32
        %min3A_872 = arith.minimumf %add3A_427, %add3A_442 : f32
        %max3A_873 = arith.maximumf %sub3A_403, %sub3A_418 : f32
        %sub3A_874 = arith.subf %min3A_872, %max3A_873 : f32
        %min3A_875 = arith.minimumf %add3A_475, %add3A_490 : f32
        %max3A_876 = arith.maximumf %sub3A_451, %sub3A_466 : f32
        %sub3A_877 = arith.subf %min3A_875, %max3A_876 : f32
        %max3A_878 = arith.constant 0.000000e+00 : f32
        %max3A_879 = arith.maximumf %sub3A_874, %max3A_878 : f32
        %max3A_880 = arith.constant 0.000000e+00 : f32
        %max3A_881 = arith.maximumf %sub3A_877, %max3A_880 : f32
        %mul3A_882 = arith.mulf %max3A_879, %max3A_881 : f32
        %add3A_883 = arith.addf %mul3A_499, %mul3A_514 : f32
        %sub3A_884 = arith.subf %add3A_883, %mul3A_882 : f32
        %mul3A_885 = arith.mulf %while3A, %sub3A_884 : f32
        %gt3A_886 = arith.cmpf ogt, %mul3A_882, %mul3A_885 : f32
        %and3A_887 = arith.andi %and3A_799, %gt3A_886 : i1
        %convert_element_type3A_888 = arith.extui %and3A_887 : i1 to i32
        %or3A_889 = arith.ori %or3A_790, %convert_element_type3A_888 : i32
        %convert_element_type3A_890 = arith.extui %and3A_799 : i1 to i32
        %cond3A_891 = arith.constant 0 : i32
        %cond3A_892 = arith.cmpi ne, %convert_element_type3A_890, %cond3A_891 : i32
        scf.if %cond3A_892 {
          %get3A_1118 = arith.constant 1 : index
          %get3A_1119 = arith.constant 0 : index
          %get3A_1120 = arith.constant 0 : index
          %get3A_1121 = vector.load %arg9[%get3A_1118, %get3A_1119, %get3A_1120] : memref<5x32x128xf32, #tpu.memory_space<vmem>>, vector<1x32x128xf32>
          %get3A_1122 = vector.shape_cast %get3A_1121 : vector<1x32x128xf32> to vector<32x128xf32>
          %min3A_1123 = vector.broadcast %add3A_427 : f32 to vector<32x128xf32>
          %min3A_1124 = arith.minimumf %get3A_1122, %min3A_1123 : vector<32x128xf32>
          %get3A_1125 = arith.constant 0 : index
          %get3A_1126 = arith.constant 0 : index
          %get3A_1127 = arith.constant 0 : index
          %get3A_1128 = vector.load %arg9[%get3A_1125, %get3A_1126, %get3A_1127] : memref<5x32x128xf32, #tpu.memory_space<vmem>>, vector<1x32x128xf32>
          %get3A_1129 = vector.shape_cast %get3A_1128 : vector<1x32x128xf32> to vector<32x128xf32>
          %max3A_1130 = vector.broadcast %sub3A_403 : f32 to vector<32x128xf32>
          %max3A_1131 = arith.maximumf %get3A_1129, %max3A_1130 : vector<32x128xf32>
          %sub3A_1132 = arith.subf %min3A_1124, %max3A_1131 : vector<32x128xf32>
          %max3A_1133 = arith.constant 0.000000e+00 : f32
          %max3A_1134 = vector.broadcast %max3A_1133 : f32 to vector<32x128xf32>
          %max3A_1135 = arith.maximumf %sub3A_1132, %max3A_1134 : vector<32x128xf32>
          %get3A_1136 = arith.constant 3 : index
          %get3A_1137 = arith.constant 0 : index
          %get3A_1138 = arith.constant 0 : index
          %get3A_1139 = vector.load %arg9[%get3A_1136, %get3A_1137, %get3A_1138] : memref<5x32x128xf32, #tpu.memory_space<vmem>>, vector<1x32x128xf32>
          %get3A_1140 = vector.shape_cast %get3A_1139 : vector<1x32x128xf32> to vector<32x128xf32>
          %min3A_1141 = vector.broadcast %add3A_475 : f32 to vector<32x128xf32>
          %min3A_1142 = arith.minimumf %get3A_1140, %min3A_1141 : vector<32x128xf32>
          %get3A_1143 = arith.constant 2 : index
          %get3A_1144 = arith.constant 0 : index
          %get3A_1145 = arith.constant 0 : index
          %get3A_1146 = vector.load %arg9[%get3A_1143, %get3A_1144, %get3A_1145] : memref<5x32x128xf32, #tpu.memory_space<vmem>>, vector<1x32x128xf32>
          %get3A_1147 = vector.shape_cast %get3A_1146 : vector<1x32x128xf32> to vector<32x128xf32>
          %max3A_1148 = vector.broadcast %sub3A_451 : f32 to vector<32x128xf32>
          %max3A_1149 = arith.maximumf %get3A_1147, %max3A_1148 : vector<32x128xf32>
          %sub3A_1150 = arith.subf %min3A_1142, %max3A_1149 : vector<32x128xf32>
          %max3A_1151 = arith.constant 0.000000e+00 : f32
          %max3A_1152 = vector.broadcast %max3A_1151 : f32 to vector<32x128xf32>
          %max3A_1153 = arith.maximumf %sub3A_1150, %max3A_1152 : vector<32x128xf32>
          %mul3A_1154 = arith.mulf %max3A_1135, %max3A_1153 : vector<32x128xf32>
          %get3A_1155 = arith.constant 4 : index
          %get3A_1156 = arith.constant 0 : index
          %get3A_1157 = arith.constant 0 : index
          %get3A_1158 = vector.load %arg9[%get3A_1155, %get3A_1156, %get3A_1157] : memref<5x32x128xf32, #tpu.memory_space<vmem>>, vector<1x32x128xf32>
          %get3A_1159 = vector.shape_cast %get3A_1158 : vector<1x32x128xf32> to vector<32x128xf32>
          %add3A_1160 = vector.broadcast %mul3A_499 : f32 to vector<32x128xf32>
          %add3A_1161 = arith.addf %get3A_1159, %add3A_1160 : vector<32x128xf32>
          %sub3A_1162 = arith.subf %add3A_1161, %mul3A_1154 : vector<32x128xf32>
          %mul3A_1163 = vector.broadcast %while3A : f32 to vector<32x128xf32>
          %mul3A_1164 = arith.mulf %mul3A_1163, %sub3A_1162 : vector<32x128xf32>
          %gt3A_1165 = arith.cmpf ogt, %mul3A_1154, %mul3A_1164 : vector<32x128xf32>
          %gt3A_1166 = vector.broadcast %add3A_795 : i32 to vector<32x128xi32>
          %gt3A_1167 = arith.cmpi sgt, %add3A_97, %gt3A_1166 : vector<32x128xi32>
          %and3A_1168 = arith.andi %gt3A_1165, %gt3A_1167 : vector<32x128xi1>
          %get3A_1169 = arith.constant 0 : index
          %get3A_1170 = arith.constant 0 : index
          %get3A_1171 = vector.load %arg8[%get3A_1169, %get3A_1170] : memref<32x128xf32, #tpu.memory_space<vmem>>, vector<32x128xf32>
          %convert_element_type3A_1172 = arith.extui %and3A_1168 : vector<32x128xi1> to vector<32x128xi32>
          %convert_element_type3A_1173 = arith.sitofp %convert_element_type3A_1172 : vector<32x128xi32> to vector<32x128xf32>
          %max3A_1174 = arith.maximumf %get3A_1171, %convert_element_type3A_1173 : vector<32x128xf32>
          %swap3A_1175 = arith.constant 0 : index
          %swap3A_1176 = arith.constant 0 : index
          %swap3A_1177 = vector.load %arg8[%swap3A_1175, %swap3A_1176] : memref<32x128xf32, #tpu.memory_space<vmem>>, vector<32x128xf32>
          tpu.vector_store %arg8[%swap3A_1175, %swap3A_1176], %max3A_1174 {strides = array<i32>} : memref<32x128xf32, #tpu.memory_space<vmem>>, vector<32x128xf32>,
          %get3A_1178 = arith.constant 0 : index
          %get3A_1179 = memref.load %arg10[%get3A_1178] : memref<1xi32, #tpu.memory_space<smem>>
          %lt3A_1180 = arith.constant 500 : i32
          %lt3A_1181 = arith.cmpi slt, %get3A_1179, %lt3A_1180 : i32
          %convert_element_type3A_1182 = arith.extui %lt3A_1181 : i1 to i32
          %cond3A_1183 = arith.constant 0 : i32
          %cond3A_1184 = arith.cmpi ne, %convert_element_type3A_1182, %cond3A_1183 : i32
          scf.if %cond3A_1184 {
            %get3A_1189 = arith.constant 0 : index
            %get3A_1190 = arith.index_cast %add3A_795 : i32 to index
            %get3A_1191 = arith.constant 0 : index
            %get3A_1192 = vector.load %arg2[%get3A_1189, %get3A_1190, %get3A_1191] : memref<1x4096x16xf32, #tpu.memory_space<vmem>>, vector<1x1x16xf32>
            %get3A_1193 = vector.shape_cast %get3A_1192 : vector<1x1x16xf32> to vector<1x16xf32>
            %swap3A_1194 = arith.constant 0 : index
            %swap3A_1195 = arith.index_cast %get3A_1179 : i32 to index
            %swap3A_1196 = arith.constant 0 : index
            %swap3A_1197 = vector.load %arg6[%swap3A_1194, %swap3A_1195, %swap3A_1196] : memref<1x512x16xf32, #tpu.memory_space<vmem>>, vector<1x1x16xf32>
            %swap3A_1198 = vector.shape_cast %swap3A_1197 : vector<1x1x16xf32> to vector<1x16xf32>
            %swap3A_1199 = vector.shape_cast %get3A_1193 : vector<1x16xf32> to vector<1x1x16xf32>
            tpu.vector_store %arg6[%swap3A_1194, %swap3A_1195, %swap3A_1196], %swap3A_1199 {strides = array<i32>} : memref<1x512x16xf32, #tpu.memory_space<vmem>>, vector<1x1x16xf32>,
            %get3A_1200 = arith.constant 0 : index
            %get3A_1201 = arith.index_cast %add3A_795 : i32 to index
            %get3A_1202 = arith.constant 0 : index
            %get3A_1203 = vector.load %arg5[%get3A_1200, %get3A_1201, %get3A_1202] : memref<1x4096x1xi32, #tpu.memory_space<vmem>>, vector<1x1x1xi32>
            %get3A_1204 = vector.shape_cast %get3A_1203 : vector<1x1x1xi32> to vector<1x1xi32>
            %swap3A_1205 = arith.constant 0 : index
            %swap3A_1206 = arith.index_cast %get3A_1179 : i32 to index
            %swap3A_1207 = arith.constant 0 : index
            %swap3A_1208 = vector.load %arg7[%swap3A_1205, %swap3A_1206, %swap3A_1207] : memref<1x512x1xi32, #tpu.memory_space<vmem>>, vector<1x1x1xi32>
            %swap3A_1209 = vector.shape_cast %swap3A_1208 : vector<1x1x1xi32> to vector<1x1xi32>
            %swap3A_1210 = vector.shape_cast %get3A_1204 : vector<1x1xi32> to vector<1x1x1xi32>
            tpu.vector_store %arg7[%swap3A_1205, %swap3A_1206, %swap3A_1207], %swap3A_1210 {strides = array<i32>} : memref<1x512x1xi32, #tpu.memory_space<vmem>>, vector<1x1x1xi32>,
          } else {
          }
          %add3A_1185 = arith.constant 1 : i32
          %add3A_1186 = arith.addi %get3A_1179, %add3A_1185 : i32
          %swap3A_1187 = arith.constant 0 : index
          %swap3A_1188 = memref.load %arg10[%swap3A_1187] : memref<1xi32, #tpu.memory_space<smem>>
          memref.store %add3A_1186, %arg10[%swap3A_1187] : memref<1xi32, #tpu.memory_space<smem>>
        } else {
        }
        %add3A_893 = arith.constant 3 : i32
        %add3A_894 = arith.addi %mul3A_119, %add3A_893 : i32
        %eq3A_895 = arith.constant 0 : i32
        %eq3A_896 = arith.cmpi eq, %or3A_817, %eq3A_895 : i32
        %lt3A_897 = arith.cmpi slt, %add3A_894, %get3A_0 : i32
        %and3A_898 = arith.andi %eq3A_896, %lt3A_897 : i1
        %min3A_899 = arith.minimumf %add3A_430, %add3A_433 : f32
        %max3A_900 = arith.maximumf %sub3A_406, %sub3A_409 : f32
        %sub3A_901 = arith.subf %min3A_899, %max3A_900 : f32
        %min3A_902 = arith.minimumf %add3A_478, %add3A_481 : f32
        %max3A_903 = arith.maximumf %sub3A_454, %sub3A_457 : f32
        %sub3A_904 = arith.subf %min3A_902, %max3A_903 : f32
        %max3A_905 = arith.constant 0.000000e+00 : f32
        %max3A_906 = arith.maximumf %sub3A_901, %max3A_905 : f32
        %max3A_907 = arith.constant 0.000000e+00 : f32
        %max3A_908 = arith.maximumf %sub3A_904, %max3A_907 : f32
        %mul3A_909 = arith.mulf %max3A_906, %max3A_908 : f32
        %add3A_910 = arith.addf %mul3A_502, %mul3A_505 : f32
        %sub3A_911 = arith.subf %add3A_910, %mul3A_909 : f32
        %mul3A_912 = arith.mulf %while3A, %sub3A_911 : f32
        %gt3A_913 = arith.cmpf ogt, %mul3A_909, %mul3A_912 : f32
        %and3A_914 = arith.andi %and3A_898, %gt3A_913 : i1
        %convert_element_type3A_915 = arith.extui %and3A_914 : i1 to i32
        %or3A_916 = arith.ori %or3A_835, %convert_element_type3A_915 : i32
        %min3A_917 = arith.minimumf %add3A_430, %add3A_436 : f32
        %max3A_918 = arith.maximumf %sub3A_406, %sub3A_412 : f32
        %sub3A_919 = arith.subf %min3A_917, %max3A_918 : f32
        %min3A_920 = arith.minimumf %add3A_478, %add3A_484 : f32
        %max3A_921 = arith.maximumf %sub3A_454, %sub3A_460 : f32
        %sub3A_922 = arith.subf %min3A_920, %max3A_921 : f32
        %max3A_923 = arith.constant 0.000000e+00 : f32
        %max3A_924 = arith.maximumf %sub3A_919, %max3A_923 : f32
        %max3A_925 = arith.constant 0.000000e+00 : f32
        %max3A_926 = arith.maximumf %sub3A_922, %max3A_925 : f32
        %mul3A_927 = arith.mulf %max3A_924, %max3A_926 : f32
        %add3A_928 = arith.addf %mul3A_502, %mul3A_508 : f32
        %sub3A_929 = arith.subf %add3A_928, %mul3A_927 : f32
        %mul3A_930 = arith.mulf %while3A, %sub3A_929 : f32
        %gt3A_931 = arith.cmpf ogt, %mul3A_927, %mul3A_930 : f32
        %and3A_932 = arith.andi %and3A_898, %gt3A_931 : i1
        %convert_element_type3A_933 = arith.extui %and3A_932 : i1 to i32
        %or3A_934 = arith.ori %or3A_853, %convert_element_type3A_933 : i32
        %min3A_935 = arith.minimumf %add3A_430, %add3A_439 : f32
        %max3A_936 = arith.maximumf %sub3A_406, %sub3A_415 : f32
        %sub3A_937 = arith.subf %min3A_935, %max3A_936 : f32
        %min3A_938 = arith.minimumf %add3A_478, %add3A_487 : f32
        %max3A_939 = arith.maximumf %sub3A_454, %sub3A_463 : f32
        %sub3A_940 = arith.subf %min3A_938, %max3A_939 : f32
        %max3A_941 = arith.constant 0.000000e+00 : f32
        %max3A_942 = arith.maximumf %sub3A_937, %max3A_941 : f32
        %max3A_943 = arith.constant 0.000000e+00 : f32
        %max3A_944 = arith.maximumf %sub3A_940, %max3A_943 : f32
        %mul3A_945 = arith.mulf %max3A_942, %max3A_944 : f32
        %add3A_946 = arith.addf %mul3A_502, %mul3A_511 : f32
        %sub3A_947 = arith.subf %add3A_946, %mul3A_945 : f32
        %mul3A_948 = arith.mulf %while3A, %sub3A_947 : f32
        %gt3A_949 = arith.cmpf ogt, %mul3A_945, %mul3A_948 : f32
        %and3A_950 = arith.andi %and3A_898, %gt3A_949 : i1
        %convert_element_type3A_951 = arith.extui %and3A_950 : i1 to i32
        %or3A_952 = arith.ori %or3A_871, %convert_element_type3A_951 : i32
        %min3A_953 = arith.minimumf %add3A_430, %add3A_442 : f32
        %max3A_954 = arith.maximumf %sub3A_406, %sub3A_418 : f32
        %sub3A_955 = arith.subf %min3A_953, %max3A_954 : f32
        %min3A_956 = arith.minimumf %add3A_478, %add3A_490 : f32
        %max3A_957 = arith.maximumf %sub3A_454, %sub3A_466 : f32
        %sub3A_958 = arith.subf %min3A_956, %max3A_957 : f32
        %max3A_959 = arith.constant 0.000000e+00 : f32
        %max3A_960 = arith.maximumf %sub3A_955, %max3A_959 : f32
        %max3A_961 = arith.constant 0.000000e+00 : f32
        %max3A_962 = arith.maximumf %sub3A_958, %max3A_961 : f32
        %mul3A_963 = arith.mulf %max3A_960, %max3A_962 : f32
        %add3A_964 = arith.addf %mul3A_502, %mul3A_514 : f32
        %sub3A_965 = arith.subf %add3A_964, %mul3A_963 : f32
        %mul3A_966 = arith.mulf %while3A, %sub3A_965 : f32
        %gt3A_967 = arith.cmpf ogt, %mul3A_963, %mul3A_966 : f32
        %and3A_968 = arith.andi %and3A_898, %gt3A_967 : i1
        %convert_element_type3A_969 = arith.extui %and3A_968 : i1 to i32
        %or3A_970 = arith.ori %or3A_889, %convert_element_type3A_969 : i32
        %convert_element_type3A_971 = arith.extui %and3A_898 : i1 to i32
        %cond3A_972 = arith.constant 0 : i32
        %cond3A_973 = arith.cmpi ne, %convert_element_type3A_971, %cond3A_972 : i32
        scf.if %cond3A_973 {
          %get3A_1118 = arith.constant 1 : index
          %get3A_1119 = arith.constant 0 : index
          %get3A_1120 = arith.constant 0 : index
          %get3A_1121 = vector.load %arg9[%get3A_1118, %get3A_1119, %get3A_1120] : memref<5x32x128xf32, #tpu.memory_space<vmem>>, vector<1x32x128xf32>
          %get3A_1122 = vector.shape_cast %get3A_1121 : vector<1x32x128xf32> to vector<32x128xf32>
          %min3A_1123 = vector.broadcast %add3A_430 : f32 to vector<32x128xf32>
          %min3A_1124 = arith.minimumf %get3A_1122, %min3A_1123 : vector<32x128xf32>
          %get3A_1125 = arith.constant 0 : index
          %get3A_1126 = arith.constant 0 : index
          %get3A_1127 = arith.constant 0 : index
          %get3A_1128 = vector.load %arg9[%get3A_1125, %get3A_1126, %get3A_1127] : memref<5x32x128xf32, #tpu.memory_space<vmem>>, vector<1x32x128xf32>
          %get3A_1129 = vector.shape_cast %get3A_1128 : vector<1x32x128xf32> to vector<32x128xf32>
          %max3A_1130 = vector.broadcast %sub3A_406 : f32 to vector<32x128xf32>
          %max3A_1131 = arith.maximumf %get3A_1129, %max3A_1130 : vector<32x128xf32>
          %sub3A_1132 = arith.subf %min3A_1124, %max3A_1131 : vector<32x128xf32>
          %max3A_1133 = arith.constant 0.000000e+00 : f32
          %max3A_1134 = vector.broadcast %max3A_1133 : f32 to vector<32x128xf32>
          %max3A_1135 = arith.maximumf %sub3A_1132, %max3A_1134 : vector<32x128xf32>
          %get3A_1136 = arith.constant 3 : index
          %get3A_1137 = arith.constant 0 : index
          %get3A_1138 = arith.constant 0 : index
          %get3A_1139 = vector.load %arg9[%get3A_1136, %get3A_1137, %get3A_1138] : memref<5x32x128xf32, #tpu.memory_space<vmem>>, vector<1x32x128xf32>
          %get3A_1140 = vector.shape_cast %get3A_1139 : vector<1x32x128xf32> to vector<32x128xf32>
          %min3A_1141 = vector.broadcast %add3A_478 : f32 to vector<32x128xf32>
          %min3A_1142 = arith.minimumf %get3A_1140, %min3A_1141 : vector<32x128xf32>
          %get3A_1143 = arith.constant 2 : index
          %get3A_1144 = arith.constant 0 : index
          %get3A_1145 = arith.constant 0 : index
          %get3A_1146 = vector.load %arg9[%get3A_1143, %get3A_1144, %get3A_1145] : memref<5x32x128xf32, #tpu.memory_space<vmem>>, vector<1x32x128xf32>
          %get3A_1147 = vector.shape_cast %get3A_1146 : vector<1x32x128xf32> to vector<32x128xf32>
          %max3A_1148 = vector.broadcast %sub3A_454 : f32 to vector<32x128xf32>
          %max3A_1149 = arith.maximumf %get3A_1147, %max3A_1148 : vector<32x128xf32>
          %sub3A_1150 = arith.subf %min3A_1142, %max3A_1149 : vector<32x128xf32>
          %max3A_1151 = arith.constant 0.000000e+00 : f32
          %max3A_1152 = vector.broadcast %max3A_1151 : f32 to vector<32x128xf32>
          %max3A_1153 = arith.maximumf %sub3A_1150, %max3A_1152 : vector<32x128xf32>
          %mul3A_1154 = arith.mulf %max3A_1135, %max3A_1153 : vector<32x128xf32>
          %get3A_1155 = arith.constant 4 : index
          %get3A_1156 = arith.constant 0 : index
          %get3A_1157 = arith.constant 0 : index
          %get3A_1158 = vector.load %arg9[%get3A_1155, %get3A_1156, %get3A_1157] : memref<5x32x128xf32, #tpu.memory_space<vmem>>, vector<1x32x128xf32>
          %get3A_1159 = vector.shape_cast %get3A_1158 : vector<1x32x128xf32> to vector<32x128xf32>
          %add3A_1160 = vector.broadcast %mul3A_502 : f32 to vector<32x128xf32>
          %add3A_1161 = arith.addf %get3A_1159, %add3A_1160 : vector<32x128xf32>
          %sub3A_1162 = arith.subf %add3A_1161, %mul3A_1154 : vector<32x128xf32>
          %mul3A_1163 = vector.broadcast %while3A : f32 to vector<32x128xf32>
          %mul3A_1164 = arith.mulf %mul3A_1163, %sub3A_1162 : vector<32x128xf32>
          %gt3A_1165 = arith.cmpf ogt, %mul3A_1154, %mul3A_1164 : vector<32x128xf32>
          %gt3A_1166 = vector.broadcast %add3A_894 : i32 to vector<32x128xi32>
          %gt3A_1167 = arith.cmpi sgt, %add3A_97, %gt3A_1166 : vector<32x128xi32>
          %and3A_1168 = arith.andi %gt3A_1165, %gt3A_1167 : vector<32x128xi1>
          %get3A_1169 = arith.constant 0 : index
          %get3A_1170 = arith.constant 0 : index
          %get3A_1171 = vector.load %arg8[%get3A_1169, %get3A_1170] : memref<32x128xf32, #tpu.memory_space<vmem>>, vector<32x128xf32>
          %convert_element_type3A_1172 = arith.extui %and3A_1168 : vector<32x128xi1> to vector<32x128xi32>
          %convert_element_type3A_1173 = arith.sitofp %convert_element_type3A_1172 : vector<32x128xi32> to vector<32x128xf32>
          %max3A_1174 = arith.maximumf %get3A_1171, %convert_element_type3A_1173 : vector<32x128xf32>
          %swap3A_1175 = arith.constant 0 : index
          %swap3A_1176 = arith.constant 0 : index
          %swap3A_1177 = vector.load %arg8[%swap3A_1175, %swap3A_1176] : memref<32x128xf32, #tpu.memory_space<vmem>>, vector<32x128xf32>
          tpu.vector_store %arg8[%swap3A_1175, %swap3A_1176], %max3A_1174 {strides = array<i32>} : memref<32x128xf32, #tpu.memory_space<vmem>>, vector<32x128xf32>,
          %get3A_1178 = arith.constant 0 : index
          %get3A_1179 = memref.load %arg10[%get3A_1178] : memref<1xi32, #tpu.memory_space<smem>>
          %lt3A_1180 = arith.constant 500 : i32
          %lt3A_1181 = arith.cmpi slt, %get3A_1179, %lt3A_1180 : i32
          %convert_element_type3A_1182 = arith.extui %lt3A_1181 : i1 to i32
          %cond3A_1183 = arith.constant 0 : i32
          %cond3A_1184 = arith.cmpi ne, %convert_element_type3A_1182, %cond3A_1183 : i32
          scf.if %cond3A_1184 {
            %get3A_1189 = arith.constant 0 : index
            %get3A_1190 = arith.index_cast %add3A_894 : i32 to index
            %get3A_1191 = arith.constant 0 : index
            %get3A_1192 = vector.load %arg2[%get3A_1189, %get3A_1190, %get3A_1191] : memref<1x4096x16xf32, #tpu.memory_space<vmem>>, vector<1x1x16xf32>
            %get3A_1193 = vector.shape_cast %get3A_1192 : vector<1x1x16xf32> to vector<1x16xf32>
            %swap3A_1194 = arith.constant 0 : index
            %swap3A_1195 = arith.index_cast %get3A_1179 : i32 to index
            %swap3A_1196 = arith.constant 0 : index
            %swap3A_1197 = vector.load %arg6[%swap3A_1194, %swap3A_1195, %swap3A_1196] : memref<1x512x16xf32, #tpu.memory_space<vmem>>, vector<1x1x16xf32>
            %swap3A_1198 = vector.shape_cast %swap3A_1197 : vector<1x1x16xf32> to vector<1x16xf32>
            %swap3A_1199 = vector.shape_cast %get3A_1193 : vector<1x16xf32> to vector<1x1x16xf32>
            tpu.vector_store %arg6[%swap3A_1194, %swap3A_1195, %swap3A_1196], %swap3A_1199 {strides = array<i32>} : memref<1x512x16xf32, #tpu.memory_space<vmem>>, vector<1x1x16xf32>,
            %get3A_1200 = arith.constant 0 : index
            %get3A_1201 = arith.index_cast %add3A_894 : i32 to index
            %get3A_1202 = arith.constant 0 : index
            %get3A_1203 = vector.load %arg5[%get3A_1200, %get3A_1201, %get3A_1202] : memref<1x4096x1xi32, #tpu.memory_space<vmem>>, vector<1x1x1xi32>
            %get3A_1204 = vector.shape_cast %get3A_1203 : vector<1x1x1xi32> to vector<1x1xi32>
            %swap3A_1205 = arith.constant 0 : index
            %swap3A_1206 = arith.index_cast %get3A_1179 : i32 to index
            %swap3A_1207 = arith.constant 0 : index
            %swap3A_1208 = vector.load %arg7[%swap3A_1205, %swap3A_1206, %swap3A_1207] : memref<1x512x1xi32, #tpu.memory_space<vmem>>, vector<1x1x1xi32>
            %swap3A_1209 = vector.shape_cast %swap3A_1208 : vector<1x1x1xi32> to vector<1x1xi32>
            %swap3A_1210 = vector.shape_cast %get3A_1204 : vector<1x1xi32> to vector<1x1x1xi32>
            tpu.vector_store %arg7[%swap3A_1205, %swap3A_1206, %swap3A_1207], %swap3A_1210 {strides = array<i32>} : memref<1x512x1xi32, #tpu.memory_space<vmem>>, vector<1x1x1xi32>,
          } else {
          }
          %add3A_1185 = arith.constant 1 : i32
          %add3A_1186 = arith.addi %get3A_1179, %add3A_1185 : i32
          %swap3A_1187 = arith.constant 0 : index
          %swap3A_1188 = memref.load %arg10[%swap3A_1187] : memref<1xi32, #tpu.memory_space<smem>>
          memref.store %add3A_1186, %arg10[%swap3A_1187] : memref<1xi32, #tpu.memory_space<smem>>
        } else {
        }
        %add3A_974 = arith.constant 4 : i32
        %add3A_975 = arith.addi %mul3A_119, %add3A_974 : i32
        %eq3A_976 = arith.constant 0 : i32
        %eq3A_977 = arith.cmpi eq, %or3A_916, %eq3A_976 : i32
        %lt3A_978 = arith.cmpi slt, %add3A_975, %get3A_0 : i32
        %and3A_979 = arith.andi %eq3A_977, %lt3A_978 : i1
        %min3A_980 = arith.minimumf %add3A_433, %add3A_436 : f32
        %max3A_981 = arith.maximumf %sub3A_409, %sub3A_412 : f32
        %sub3A_982 = arith.subf %min3A_980, %max3A_981 : f32
        %min3A_983 = arith.minimumf %add3A_481, %add3A_484 : f32
        %max3A_984 = arith.maximumf %sub3A_457, %sub3A_460 : f32
        %sub3A_985 = arith.subf %min3A_983, %max3A_984 : f32
        %max3A_986 = arith.constant 0.000000e+00 : f32
        %max3A_987 = arith.maximumf %sub3A_982, %max3A_986 : f32
        %max3A_988 = arith.constant 0.000000e+00 : f32
        %max3A_989 = arith.maximumf %sub3A_985, %max3A_988 : f32
        %mul3A_990 = arith.mulf %max3A_987, %max3A_989 : f32
        %add3A_991 = arith.addf %mul3A_505, %mul3A_508 : f32
        %sub3A_992 = arith.subf %add3A_991, %mul3A_990 : f32
        %mul3A_993 = arith.mulf %while3A, %sub3A_992 : f32
        %gt3A_994 = arith.cmpf ogt, %mul3A_990, %mul3A_993 : f32
        %and3A_995 = arith.andi %and3A_979, %gt3A_994 : i1
        %convert_element_type3A_996 = arith.extui %and3A_995 : i1 to i32
        %or3A_997 = arith.ori %or3A_934, %convert_element_type3A_996 : i32
        %min3A_998 = arith.minimumf %add3A_433, %add3A_439 : f32
        %max3A_999 = arith.maximumf %sub3A_409, %sub3A_415 : f32
        %sub3A_1000 = arith.subf %min3A_998, %max3A_999 : f32
        %min3A_1001 = arith.minimumf %add3A_481, %add3A_487 : f32
        %max3A_1002 = arith.maximumf %sub3A_457, %sub3A_463 : f32
        %sub3A_1003 = arith.subf %min3A_1001, %max3A_1002 : f32
        %max3A_1004 = arith.constant 0.000000e+00 : f32
        %max3A_1005 = arith.maximumf %sub3A_1000, %max3A_1004 : f32
        %max3A_1006 = arith.constant 0.000000e+00 : f32
        %max3A_1007 = arith.maximumf %sub3A_1003, %max3A_1006 : f32
        %mul3A_1008 = arith.mulf %max3A_1005, %max3A_1007 : f32
        %add3A_1009 = arith.addf %mul3A_505, %mul3A_511 : f32
        %sub3A_1010 = arith.subf %add3A_1009, %mul3A_1008 : f32
        %mul3A_1011 = arith.mulf %while3A, %sub3A_1010 : f32
        %gt3A_1012 = arith.cmpf ogt, %mul3A_1008, %mul3A_1011 : f32
        %and3A_1013 = arith.andi %and3A_979, %gt3A_1012 : i1
        %convert_element_type3A_1014 = arith.extui %and3A_1013 : i1 to i32
        %or3A_1015 = arith.ori %or3A_952, %convert_element_type3A_1014 : i32
        %min3A_1016 = arith.minimumf %add3A_433, %add3A_442 : f32
        %max3A_1017 = arith.maximumf %sub3A_409, %sub3A_418 : f32
        %sub3A_1018 = arith.subf %min3A_1016, %max3A_1017 : f32
        %min3A_1019 = arith.minimumf %add3A_481, %add3A_490 : f32
        %max3A_1020 = arith.maximumf %sub3A_457, %sub3A_466 : f32
        %sub3A_1021 = arith.subf %min3A_1019, %max3A_1020 : f32
        %max3A_1022 = arith.constant 0.000000e+00 : f32
        %max3A_1023 = arith.maximumf %sub3A_1018, %max3A_1022 : f32
        %max3A_1024 = arith.constant 0.000000e+00 : f32
        %max3A_1025 = arith.maximumf %sub3A_1021, %max3A_1024 : f32
        %mul3A_1026 = arith.mulf %max3A_1023, %max3A_1025 : f32
        %add3A_1027 = arith.addf %mul3A_505, %mul3A_514 : f32
        %sub3A_1028 = arith.subf %add3A_1027, %mul3A_1026 : f32
        %mul3A_1029 = arith.mulf %while3A, %sub3A_1028 : f32
        %gt3A_1030 = arith.cmpf ogt, %mul3A_1026, %mul3A_1029 : f32
        %and3A_1031 = arith.andi %and3A_979, %gt3A_1030 : i1
        %convert_element_type3A_1032 = arith.extui %and3A_1031 : i1 to i32
        %or3A_1033 = arith.ori %or3A_970, %convert_element_type3A_1032 : i32
        %convert_element_type3A_1034 = arith.extui %and3A_979 : i1 to i32
        %cond3A_1035 = arith.constant 0 : i32
        %cond3A_1036 = arith.cmpi ne, %convert_element_type3A_1034, %cond3A_1035 : i32
        scf.if %cond3A_1036 {
          %get3A_1118 = arith.constant 1 : index
          %get3A_1119 = arith.constant 0 : index
          %get3A_1120 = arith.constant 0 : index
          %get3A_1121 = vector.load %arg9[%get3A_1118, %get3A_1119, %get3A_1120] : memref<5x32x128xf32, #tpu.memory_space<vmem>>, vector<1x32x128xf32>
          %get3A_1122 = vector.shape_cast %get3A_1121 : vector<1x32x128xf32> to vector<32x128xf32>
          %min3A_1123 = vector.broadcast %add3A_433 : f32 to vector<32x128xf32>
          %min3A_1124 = arith.minimumf %get3A_1122, %min3A_1123 : vector<32x128xf32>
          %get3A_1125 = arith.constant 0 : index
          %get3A_1126 = arith.constant 0 : index
          %get3A_1127 = arith.constant 0 : index
          %get3A_1128 = vector.load %arg9[%get3A_1125, %get3A_1126, %get3A_1127] : memref<5x32x128xf32, #tpu.memory_space<vmem>>, vector<1x32x128xf32>
          %get3A_1129 = vector.shape_cast %get3A_1128 : vector<1x32x128xf32> to vector<32x128xf32>
          %max3A_1130 = vector.broadcast %sub3A_409 : f32 to vector<32x128xf32>
          %max3A_1131 = arith.maximumf %get3A_1129, %max3A_1130 : vector<32x128xf32>
          %sub3A_1132 = arith.subf %min3A_1124, %max3A_1131 : vector<32x128xf32>
          %max3A_1133 = arith.constant 0.000000e+00 : f32
          %max3A_1134 = vector.broadcast %max3A_1133 : f32 to vector<32x128xf32>
          %max3A_1135 = arith.maximumf %sub3A_1132, %max3A_1134 : vector<32x128xf32>
          %get3A_1136 = arith.constant 3 : index
          %get3A_1137 = arith.constant 0 : index
          %get3A_1138 = arith.constant 0 : index
          %get3A_1139 = vector.load %arg9[%get3A_1136, %get3A_1137, %get3A_1138] : memref<5x32x128xf32, #tpu.memory_space<vmem>>, vector<1x32x128xf32>
          %get3A_1140 = vector.shape_cast %get3A_1139 : vector<1x32x128xf32> to vector<32x128xf32>
          %min3A_1141 = vector.broadcast %add3A_481 : f32 to vector<32x128xf32>
          %min3A_1142 = arith.minimumf %get3A_1140, %min3A_1141 : vector<32x128xf32>
          %get3A_1143 = arith.constant 2 : index
          %get3A_1144 = arith.constant 0 : index
          %get3A_1145 = arith.constant 0 : index
          %get3A_1146 = vector.load %arg9[%get3A_1143, %get3A_1144, %get3A_1145] : memref<5x32x128xf32, #tpu.memory_space<vmem>>, vector<1x32x128xf32>
          %get3A_1147 = vector.shape_cast %get3A_1146 : vector<1x32x128xf32> to vector<32x128xf32>
          %max3A_1148 = vector.broadcast %sub3A_457 : f32 to vector<32x128xf32>
          %max3A_1149 = arith.maximumf %get3A_1147, %max3A_1148 : vector<32x128xf32>
          %sub3A_1150 = arith.subf %min3A_1142, %max3A_1149 : vector<32x128xf32>
          %max3A_1151 = arith.constant 0.000000e+00 : f32
          %max3A_1152 = vector.broadcast %max3A_1151 : f32 to vector<32x128xf32>
          %max3A_1153 = arith.maximumf %sub3A_1150, %max3A_1152 : vector<32x128xf32>
          %mul3A_1154 = arith.mulf %max3A_1135, %max3A_1153 : vector<32x128xf32>
          %get3A_1155 = arith.constant 4 : index
          %get3A_1156 = arith.constant 0 : index
          %get3A_1157 = arith.constant 0 : index
          %get3A_1158 = vector.load %arg9[%get3A_1155, %get3A_1156, %get3A_1157] : memref<5x32x128xf32, #tpu.memory_space<vmem>>, vector<1x32x128xf32>
          %get3A_1159 = vector.shape_cast %get3A_1158 : vector<1x32x128xf32> to vector<32x128xf32>
          %add3A_1160 = vector.broadcast %mul3A_505 : f32 to vector<32x128xf32>
          %add3A_1161 = arith.addf %get3A_1159, %add3A_1160 : vector<32x128xf32>
          %sub3A_1162 = arith.subf %add3A_1161, %mul3A_1154 : vector<32x128xf32>
          %mul3A_1163 = vector.broadcast %while3A : f32 to vector<32x128xf32>
          %mul3A_1164 = arith.mulf %mul3A_1163, %sub3A_1162 : vector<32x128xf32>
          %gt3A_1165 = arith.cmpf ogt, %mul3A_1154, %mul3A_1164 : vector<32x128xf32>
          %gt3A_1166 = vector.broadcast %add3A_975 : i32 to vector<32x128xi32>
          %gt3A_1167 = arith.cmpi sgt, %add3A_97, %gt3A_1166 : vector<32x128xi32>
          %and3A_1168 = arith.andi %gt3A_1165, %gt3A_1167 : vector<32x128xi1>
          %get3A_1169 = arith.constant 0 : index
          %get3A_1170 = arith.constant 0 : index
          %get3A_1171 = vector.load %arg8[%get3A_1169, %get3A_1170] : memref<32x128xf32, #tpu.memory_space<vmem>>, vector<32x128xf32>
          %convert_element_type3A_1172 = arith.extui %and3A_1168 : vector<32x128xi1> to vector<32x128xi32>
          %convert_element_type3A_1173 = arith.sitofp %convert_element_type3A_1172 : vector<32x128xi32> to vector<32x128xf32>
          %max3A_1174 = arith.maximumf %get3A_1171, %convert_element_type3A_1173 : vector<32x128xf32>
          %swap3A_1175 = arith.constant 0 : index
          %swap3A_1176 = arith.constant 0 : index
          %swap3A_1177 = vector.load %arg8[%swap3A_1175, %swap3A_1176] : memref<32x128xf32, #tpu.memory_space<vmem>>, vector<32x128xf32>
          tpu.vector_store %arg8[%swap3A_1175, %swap3A_1176], %max3A_1174 {strides = array<i32>} : memref<32x128xf32, #tpu.memory_space<vmem>>, vector<32x128xf32>,
          %get3A_1178 = arith.constant 0 : index
          %get3A_1179 = memref.load %arg10[%get3A_1178] : memref<1xi32, #tpu.memory_space<smem>>
          %lt3A_1180 = arith.constant 500 : i32
          %lt3A_1181 = arith.cmpi slt, %get3A_1179, %lt3A_1180 : i32
          %convert_element_type3A_1182 = arith.extui %lt3A_1181 : i1 to i32
          %cond3A_1183 = arith.constant 0 : i32
          %cond3A_1184 = arith.cmpi ne, %convert_element_type3A_1182, %cond3A_1183 : i32
          scf.if %cond3A_1184 {
            %get3A_1189 = arith.constant 0 : index
            %get3A_1190 = arith.index_cast %add3A_975 : i32 to index
            %get3A_1191 = arith.constant 0 : index
            %get3A_1192 = vector.load %arg2[%get3A_1189, %get3A_1190, %get3A_1191] : memref<1x4096x16xf32, #tpu.memory_space<vmem>>, vector<1x1x16xf32>
            %get3A_1193 = vector.shape_cast %get3A_1192 : vector<1x1x16xf32> to vector<1x16xf32>
            %swap3A_1194 = arith.constant 0 : index
            %swap3A_1195 = arith.index_cast %get3A_1179 : i32 to index
            %swap3A_1196 = arith.constant 0 : index
            %swap3A_1197 = vector.load %arg6[%swap3A_1194, %swap3A_1195, %swap3A_1196] : memref<1x512x16xf32, #tpu.memory_space<vmem>>, vector<1x1x16xf32>
            %swap3A_1198 = vector.shape_cast %swap3A_1197 : vector<1x1x16xf32> to vector<1x16xf32>
            %swap3A_1199 = vector.shape_cast %get3A_1193 : vector<1x16xf32> to vector<1x1x16xf32>
            tpu.vector_store %arg6[%swap3A_1194, %swap3A_1195, %swap3A_1196], %swap3A_1199 {strides = array<i32>} : memref<1x512x16xf32, #tpu.memory_space<vmem>>, vector<1x1x16xf32>,
            %get3A_1200 = arith.constant 0 : index
            %get3A_1201 = arith.index_cast %add3A_975 : i32 to index
            %get3A_1202 = arith.constant 0 : index
            %get3A_1203 = vector.load %arg5[%get3A_1200, %get3A_1201, %get3A_1202] : memref<1x4096x1xi32, #tpu.memory_space<vmem>>, vector<1x1x1xi32>
            %get3A_1204 = vector.shape_cast %get3A_1203 : vector<1x1x1xi32> to vector<1x1xi32>
            %swap3A_1205 = arith.constant 0 : index
            %swap3A_1206 = arith.index_cast %get3A_1179 : i32 to index
            %swap3A_1207 = arith.constant 0 : index
            %swap3A_1208 = vector.load %arg7[%swap3A_1205, %swap3A_1206, %swap3A_1207] : memref<1x512x1xi32, #tpu.memory_space<vmem>>, vector<1x1x1xi32>
            %swap3A_1209 = vector.shape_cast %swap3A_1208 : vector<1x1x1xi32> to vector<1x1xi32>
            %swap3A_1210 = vector.shape_cast %get3A_1204 : vector<1x1xi32> to vector<1x1x1xi32>
            tpu.vector_store %arg7[%swap3A_1205, %swap3A_1206, %swap3A_1207], %swap3A_1210 {strides = array<i32>} : memref<1x512x1xi32, #tpu.memory_space<vmem>>, vector<1x1x1xi32>,
          } else {
          }
          %add3A_1185 = arith.constant 1 : i32
          %add3A_1186 = arith.addi %get3A_1179, %add3A_1185 : i32
          %swap3A_1187 = arith.constant 0 : index
          %swap3A_1188 = memref.load %arg10[%swap3A_1187] : memref<1xi32, #tpu.memory_space<smem>>
          memref.store %add3A_1186, %arg10[%swap3A_1187] : memref<1xi32, #tpu.memory_space<smem>>
        } else {
        }
        %add3A_1037 = arith.constant 5 : i32
        %add3A_1038 = arith.addi %mul3A_119, %add3A_1037 : i32
        %eq3A_1039 = arith.constant 0 : i32
        %eq3A_1040 = arith.cmpi eq, %or3A_997, %eq3A_1039 : i32
        %lt3A_1041 = arith.cmpi slt, %add3A_1038, %get3A_0 : i32
        %and3A_1042 = arith.andi %eq3A_1040, %lt3A_1041 : i1
        %min3A_1043 = arith.minimumf %add3A_436, %add3A_439 : f32
        %max3A_1044 = arith.maximumf %sub3A_412, %sub3A_415 : f32
        %sub3A_1045 = arith.subf %min3A_1043, %max3A_1044 : f32
        %min3A_1046 = arith.minimumf %add3A_484, %add3A_487 : f32
        %max3A_1047 = arith.maximumf %sub3A_460, %sub3A_463 : f32
        %sub3A_1048 = arith.subf %min3A_1046, %max3A_1047 : f32
        %max3A_1049 = arith.constant 0.000000e+00 : f32
        %max3A_1050 = arith.maximumf %sub3A_1045, %max3A_1049 : f32
        %max3A_1051 = arith.constant 0.000000e+00 : f32
        %max3A_1052 = arith.maximumf %sub3A_1048, %max3A_1051 : f32
        %mul3A_1053 = arith.mulf %max3A_1050, %max3A_1052 : f32
        %add3A_1054 = arith.addf %mul3A_508, %mul3A_511 : f32
        %sub3A_1055 = arith.subf %add3A_1054, %mul3A_1053 : f32
        %mul3A_1056 = arith.mulf %while3A, %sub3A_1055 : f32
        %gt3A_1057 = arith.cmpf ogt, %mul3A_1053, %mul3A_1056 : f32
        %and3A_1058 = arith.andi %and3A_1042, %gt3A_1057 : i1
        %convert_element_type3A_1059 = arith.extui %and3A_1058 : i1 to i32
        %or3A_1060 = arith.ori %or3A_1015, %convert_element_type3A_1059 : i32
        %min3A_1061 = arith.minimumf %add3A_436, %add3A_442 : f32
        %max3A_1062 = arith.maximumf %sub3A_412, %sub3A_418 : f32
        %sub3A_1063 = arith.subf %min3A_1061, %max3A_1062 : f32
        %min3A_1064 = arith.minimumf %add3A_484, %add3A_490 : f32
        %max3A_1065 = arith.maximumf %sub3A_460, %sub3A_466 : f32
        %sub3A_1066 = arith.subf %min3A_1064, %max3A_1065 : f32
        %max3A_1067 = arith.constant 0.000000e+00 : f32
        %max3A_1068 = arith.maximumf %sub3A_1063, %max3A_1067 : f32
        %max3A_1069 = arith.constant 0.000000e+00 : f32
        %max3A_1070 = arith.maximumf %sub3A_1066, %max3A_1069 : f32
        %mul3A_1071 = arith.mulf %max3A_1068, %max3A_1070 : f32
        %add3A_1072 = arith.addf %mul3A_508, %mul3A_514 : f32
        %sub3A_1073 = arith.subf %add3A_1072, %mul3A_1071 : f32
        %mul3A_1074 = arith.mulf %while3A, %sub3A_1073 : f32
        %gt3A_1075 = arith.cmpf ogt, %mul3A_1071, %mul3A_1074 : f32
        %and3A_1076 = arith.andi %and3A_1042, %gt3A_1075 : i1
        %convert_element_type3A_1077 = arith.extui %and3A_1076 : i1 to i32
        %or3A_1078 = arith.ori %or3A_1033, %convert_element_type3A_1077 : i32
        %convert_element_type3A_1079 = arith.extui %and3A_1042 : i1 to i32
        %cond3A_1080 = arith.constant 0 : i32
        %cond3A_1081 = arith.cmpi ne, %convert_element_type3A_1079, %cond3A_1080 : i32
        scf.if %cond3A_1081 {
          %get3A_1118 = arith.constant 1 : index
          %get3A_1119 = arith.constant 0 : index
          %get3A_1120 = arith.constant 0 : index
          %get3A_1121 = vector.load %arg9[%get3A_1118, %get3A_1119, %get3A_1120] : memref<5x32x128xf32, #tpu.memory_space<vmem>>, vector<1x32x128xf32>
          %get3A_1122 = vector.shape_cast %get3A_1121 : vector<1x32x128xf32> to vector<32x128xf32>
          %min3A_1123 = vector.broadcast %add3A_436 : f32 to vector<32x128xf32>
          %min3A_1124 = arith.minimumf %get3A_1122, %min3A_1123 : vector<32x128xf32>
          %get3A_1125 = arith.constant 0 : index
          %get3A_1126 = arith.constant 0 : index
          %get3A_1127 = arith.constant 0 : index
          %get3A_1128 = vector.load %arg9[%get3A_1125, %get3A_1126, %get3A_1127] : memref<5x32x128xf32, #tpu.memory_space<vmem>>, vector<1x32x128xf32>
          %get3A_1129 = vector.shape_cast %get3A_1128 : vector<1x32x128xf32> to vector<32x128xf32>
          %max3A_1130 = vector.broadcast %sub3A_412 : f32 to vector<32x128xf32>
          %max3A_1131 = arith.maximumf %get3A_1129, %max3A_1130 : vector<32x128xf32>
          %sub3A_1132 = arith.subf %min3A_1124, %max3A_1131 : vector<32x128xf32>
          %max3A_1133 = arith.constant 0.000000e+00 : f32
          %max3A_1134 = vector.broadcast %max3A_1133 : f32 to vector<32x128xf32>
          %max3A_1135 = arith.maximumf %sub3A_1132, %max3A_1134 : vector<32x128xf32>
          %get3A_1136 = arith.constant 3 : index
          %get3A_1137 = arith.constant 0 : index
          %get3A_1138 = arith.constant 0 : index
          %get3A_1139 = vector.load %arg9[%get3A_1136, %get3A_1137, %get3A_1138] : memref<5x32x128xf32, #tpu.memory_space<vmem>>, vector<1x32x128xf32>
          %get3A_1140 = vector.shape_cast %get3A_1139 : vector<1x32x128xf32> to vector<32x128xf32>
          %min3A_1141 = vector.broadcast %add3A_484 : f32 to vector<32x128xf32>
          %min3A_1142 = arith.minimumf %get3A_1140, %min3A_1141 : vector<32x128xf32>
          %get3A_1143 = arith.constant 2 : index
          %get3A_1144 = arith.constant 0 : index
          %get3A_1145 = arith.constant 0 : index
          %get3A_1146 = vector.load %arg9[%get3A_1143, %get3A_1144, %get3A_1145] : memref<5x32x128xf32, #tpu.memory_space<vmem>>, vector<1x32x128xf32>
          %get3A_1147 = vector.shape_cast %get3A_1146 : vector<1x32x128xf32> to vector<32x128xf32>
          %max3A_1148 = vector.broadcast %sub3A_460 : f32 to vector<32x128xf32>
          %max3A_1149 = arith.maximumf %get3A_1147, %max3A_1148 : vector<32x128xf32>
          %sub3A_1150 = arith.subf %min3A_1142, %max3A_1149 : vector<32x128xf32>
          %max3A_1151 = arith.constant 0.000000e+00 : f32
          %max3A_1152 = vector.broadcast %max3A_1151 : f32 to vector<32x128xf32>
          %max3A_1153 = arith.maximumf %sub3A_1150, %max3A_1152 : vector<32x128xf32>
          %mul3A_1154 = arith.mulf %max3A_1135, %max3A_1153 : vector<32x128xf32>
          %get3A_1155 = arith.constant 4 : index
          %get3A_1156 = arith.constant 0 : index
          %get3A_1157 = arith.constant 0 : index
          %get3A_1158 = vector.load %arg9[%get3A_1155, %get3A_1156, %get3A_1157] : memref<5x32x128xf32, #tpu.memory_space<vmem>>, vector<1x32x128xf32>
          %get3A_1159 = vector.shape_cast %get3A_1158 : vector<1x32x128xf32> to vector<32x128xf32>
          %add3A_1160 = vector.broadcast %mul3A_508 : f32 to vector<32x128xf32>
          %add3A_1161 = arith.addf %get3A_1159, %add3A_1160 : vector<32x128xf32>
          %sub3A_1162 = arith.subf %add3A_1161, %mul3A_1154 : vector<32x128xf32>
          %mul3A_1163 = vector.broadcast %while3A : f32 to vector<32x128xf32>
          %mul3A_1164 = arith.mulf %mul3A_1163, %sub3A_1162 : vector<32x128xf32>
          %gt3A_1165 = arith.cmpf ogt, %mul3A_1154, %mul3A_1164 : vector<32x128xf32>
          %gt3A_1166 = vector.broadcast %add3A_1038 : i32 to vector<32x128xi32>
          %gt3A_1167 = arith.cmpi sgt, %add3A_97, %gt3A_1166 : vector<32x128xi32>
          %and3A_1168 = arith.andi %gt3A_1165, %gt3A_1167 : vector<32x128xi1>
          %get3A_1169 = arith.constant 0 : index
          %get3A_1170 = arith.constant 0 : index
          %get3A_1171 = vector.load %arg8[%get3A_1169, %get3A_1170] : memref<32x128xf32, #tpu.memory_space<vmem>>, vector<32x128xf32>
          %convert_element_type3A_1172 = arith.extui %and3A_1168 : vector<32x128xi1> to vector<32x128xi32>
          %convert_element_type3A_1173 = arith.sitofp %convert_element_type3A_1172 : vector<32x128xi32> to vector<32x128xf32>
          %max3A_1174 = arith.maximumf %get3A_1171, %convert_element_type3A_1173 : vector<32x128xf32>
          %swap3A_1175 = arith.constant 0 : index
          %swap3A_1176 = arith.constant 0 : index
          %swap3A_1177 = vector.load %arg8[%swap3A_1175, %swap3A_1176] : memref<32x128xf32, #tpu.memory_space<vmem>>, vector<32x128xf32>
          tpu.vector_store %arg8[%swap3A_1175, %swap3A_1176], %max3A_1174 {strides = array<i32>} : memref<32x128xf32, #tpu.memory_space<vmem>>, vector<32x128xf32>,
          %get3A_1178 = arith.constant 0 : index
          %get3A_1179 = memref.load %arg10[%get3A_1178] : memref<1xi32, #tpu.memory_space<smem>>
          %lt3A_1180 = arith.constant 500 : i32
          %lt3A_1181 = arith.cmpi slt, %get3A_1179, %lt3A_1180 : i32
          %convert_element_type3A_1182 = arith.extui %lt3A_1181 : i1 to i32
          %cond3A_1183 = arith.constant 0 : i32
          %cond3A_1184 = arith.cmpi ne, %convert_element_type3A_1182, %cond3A_1183 : i32
          scf.if %cond3A_1184 {
            %get3A_1189 = arith.constant 0 : index
            %get3A_1190 = arith.index_cast %add3A_1038 : i32 to index
            %get3A_1191 = arith.constant 0 : index
            %get3A_1192 = vector.load %arg2[%get3A_1189, %get3A_1190, %get3A_1191] : memref<1x4096x16xf32, #tpu.memory_space<vmem>>, vector<1x1x16xf32>
            %get3A_1193 = vector.shape_cast %get3A_1192 : vector<1x1x16xf32> to vector<1x16xf32>
            %swap3A_1194 = arith.constant 0 : index
            %swap3A_1195 = arith.index_cast %get3A_1179 : i32 to index
            %swap3A_1196 = arith.constant 0 : index
            %swap3A_1197 = vector.load %arg6[%swap3A_1194, %swap3A_1195, %swap3A_1196] : memref<1x512x16xf32, #tpu.memory_space<vmem>>, vector<1x1x16xf32>
            %swap3A_1198 = vector.shape_cast %swap3A_1197 : vector<1x1x16xf32> to vector<1x16xf32>
            %swap3A_1199 = vector.shape_cast %get3A_1193 : vector<1x16xf32> to vector<1x1x16xf32>
            tpu.vector_store %arg6[%swap3A_1194, %swap3A_1195, %swap3A_1196], %swap3A_1199 {strides = array<i32>} : memref<1x512x16xf32, #tpu.memory_space<vmem>>, vector<1x1x16xf32>,
            %get3A_1200 = arith.constant 0 : index
            %get3A_1201 = arith.index_cast %add3A_1038 : i32 to index
            %get3A_1202 = arith.constant 0 : index
            %get3A_1203 = vector.load %arg5[%get3A_1200, %get3A_1201, %get3A_1202] : memref<1x4096x1xi32, #tpu.memory_space<vmem>>, vector<1x1x1xi32>
            %get3A_1204 = vector.shape_cast %get3A_1203 : vector<1x1x1xi32> to vector<1x1xi32>
            %swap3A_1205 = arith.constant 0 : index
            %swap3A_1206 = arith.index_cast %get3A_1179 : i32 to index
            %swap3A_1207 = arith.constant 0 : index
            %swap3A_1208 = vector.load %arg7[%swap3A_1205, %swap3A_1206, %swap3A_1207] : memref<1x512x1xi32, #tpu.memory_space<vmem>>, vector<1x1x1xi32>
            %swap3A_1209 = vector.shape_cast %swap3A_1208 : vector<1x1x1xi32> to vector<1x1xi32>
            %swap3A_1210 = vector.shape_cast %get3A_1204 : vector<1x1xi32> to vector<1x1x1xi32>
            tpu.vector_store %arg7[%swap3A_1205, %swap3A_1206, %swap3A_1207], %swap3A_1210 {strides = array<i32>} : memref<1x512x1xi32, #tpu.memory_space<vmem>>, vector<1x1x1xi32>,
          } else {
          }
          %add3A_1185 = arith.constant 1 : i32
          %add3A_1186 = arith.addi %get3A_1179, %add3A_1185 : i32
          %swap3A_1187 = arith.constant 0 : index
          %swap3A_1188 = memref.load %arg10[%swap3A_1187] : memref<1xi32, #tpu.memory_space<smem>>
          memref.store %add3A_1186, %arg10[%swap3A_1187] : memref<1xi32, #tpu.memory_space<smem>>
        } else {
        }
        %add3A_1082 = arith.constant 6 : i32
        %add3A_1083 = arith.addi %mul3A_119, %add3A_1082 : i32
        %eq3A_1084 = arith.constant 0 : i32
        %eq3A_1085 = arith.cmpi eq, %or3A_1060, %eq3A_1084 : i32
        %lt3A_1086 = arith.cmpi slt, %add3A_1083, %get3A_0 : i32
        %and3A_1087 = arith.andi %eq3A_1085, %lt3A_1086 : i1
        %min3A_1088 = arith.minimumf %add3A_439, %add3A_442 : f32
        %max3A_1089 = arith.maximumf %sub3A_415, %sub3A_418 : f32
        %sub3A_1090 = arith.subf %min3A_1088, %max3A_1089 : f32
        %min3A_1091 = arith.minimumf %add3A_487, %add3A_490 : f32
        %max3A_1092 = arith.maximumf %sub3A_463, %sub3A_466 : f32
        %sub3A_1093 = arith.subf %min3A_1091, %max3A_1092 : f32
        %max3A_1094 = arith.constant 0.000000e+00 : f32
        %max3A_1095 = arith.maximumf %sub3A_1090, %max3A_1094 : f32
        %max3A_1096 = arith.constant 0.000000e+00 : f32
        %max3A_1097 = arith.maximumf %sub3A_1093, %max3A_1096 : f32
        %mul3A_1098 = arith.mulf %max3A_1095, %max3A_1097 : f32
        %add3A_1099 = arith.addf %mul3A_511, %mul3A_514 : f32
        %sub3A_1100 = arith.subf %add3A_1099, %mul3A_1098 : f32
        %mul3A_1101 = arith.mulf %while3A, %sub3A_1100 : f32
        %gt3A_1102 = arith.cmpf ogt, %mul3A_1098, %mul3A_1101 : f32
        %and3A_1103 = arith.andi %and3A_1087, %gt3A_1102 : i1
        %convert_element_type3A_1104 = arith.extui %and3A_1103 : i1 to i32
        %or3A_1105 = arith.ori %or3A_1078, %convert_element_type3A_1104 : i32
        %convert_element_type3A_1106 = arith.extui %and3A_1087 : i1 to i32
        %cond3A_1107 = arith.constant 0 : i32
        %cond3A_1108 = arith.cmpi ne, %convert_element_type3A_1106, %cond3A_1107 : i32
        scf.if %cond3A_1108 {
          %get3A_1118 = arith.constant 1 : index
          %get3A_1119 = arith.constant 0 : index
          %get3A_1120 = arith.constant 0 : index
          %get3A_1121 = vector.load %arg9[%get3A_1118, %get3A_1119, %get3A_1120] : memref<5x32x128xf32, #tpu.memory_space<vmem>>, vector<1x32x128xf32>
          %get3A_1122 = vector.shape_cast %get3A_1121 : vector<1x32x128xf32> to vector<32x128xf32>
          %min3A_1123 = vector.broadcast %add3A_439 : f32 to vector<32x128xf32>
          %min3A_1124 = arith.minimumf %get3A_1122, %min3A_1123 : vector<32x128xf32>
          %get3A_1125 = arith.constant 0 : index
          %get3A_1126 = arith.constant 0 : index
          %get3A_1127 = arith.constant 0 : index
          %get3A_1128 = vector.load %arg9[%get3A_1125, %get3A_1126, %get3A_1127] : memref<5x32x128xf32, #tpu.memory_space<vmem>>, vector<1x32x128xf32>
          %get3A_1129 = vector.shape_cast %get3A_1128 : vector<1x32x128xf32> to vector<32x128xf32>
          %max3A_1130 = vector.broadcast %sub3A_415 : f32 to vector<32x128xf32>
          %max3A_1131 = arith.maximumf %get3A_1129, %max3A_1130 : vector<32x128xf32>
          %sub3A_1132 = arith.subf %min3A_1124, %max3A_1131 : vector<32x128xf32>
          %max3A_1133 = arith.constant 0.000000e+00 : f32
          %max3A_1134 = vector.broadcast %max3A_1133 : f32 to vector<32x128xf32>
          %max3A_1135 = arith.maximumf %sub3A_1132, %max3A_1134 : vector<32x128xf32>
          %get3A_1136 = arith.constant 3 : index
          %get3A_1137 = arith.constant 0 : index
          %get3A_1138 = arith.constant 0 : index
          %get3A_1139 = vector.load %arg9[%get3A_1136, %get3A_1137, %get3A_1138] : memref<5x32x128xf32, #tpu.memory_space<vmem>>, vector<1x32x128xf32>
          %get3A_1140 = vector.shape_cast %get3A_1139 : vector<1x32x128xf32> to vector<32x128xf32>
          %min3A_1141 = vector.broadcast %add3A_487 : f32 to vector<32x128xf32>
          %min3A_1142 = arith.minimumf %get3A_1140, %min3A_1141 : vector<32x128xf32>
          %get3A_1143 = arith.constant 2 : index
          %get3A_1144 = arith.constant 0 : index
          %get3A_1145 = arith.constant 0 : index
          %get3A_1146 = vector.load %arg9[%get3A_1143, %get3A_1144, %get3A_1145] : memref<5x32x128xf32, #tpu.memory_space<vmem>>, vector<1x32x128xf32>
          %get3A_1147 = vector.shape_cast %get3A_1146 : vector<1x32x128xf32> to vector<32x128xf32>
          %max3A_1148 = vector.broadcast %sub3A_463 : f32 to vector<32x128xf32>
          %max3A_1149 = arith.maximumf %get3A_1147, %max3A_1148 : vector<32x128xf32>
          %sub3A_1150 = arith.subf %min3A_1142, %max3A_1149 : vector<32x128xf32>
          %max3A_1151 = arith.constant 0.000000e+00 : f32
          %max3A_1152 = vector.broadcast %max3A_1151 : f32 to vector<32x128xf32>
          %max3A_1153 = arith.maximumf %sub3A_1150, %max3A_1152 : vector<32x128xf32>
          %mul3A_1154 = arith.mulf %max3A_1135, %max3A_1153 : vector<32x128xf32>
          %get3A_1155 = arith.constant 4 : index
          %get3A_1156 = arith.constant 0 : index
          %get3A_1157 = arith.constant 0 : index
          %get3A_1158 = vector.load %arg9[%get3A_1155, %get3A_1156, %get3A_1157] : memref<5x32x128xf32, #tpu.memory_space<vmem>>, vector<1x32x128xf32>
          %get3A_1159 = vector.shape_cast %get3A_1158 : vector<1x32x128xf32> to vector<32x128xf32>
          %add3A_1160 = vector.broadcast %mul3A_511 : f32 to vector<32x128xf32>
          %add3A_1161 = arith.addf %get3A_1159, %add3A_1160 : vector<32x128xf32>
          %sub3A_1162 = arith.subf %add3A_1161, %mul3A_1154 : vector<32x128xf32>
          %mul3A_1163 = vector.broadcast %while3A : f32 to vector<32x128xf32>
          %mul3A_1164 = arith.mulf %mul3A_1163, %sub3A_1162 : vector<32x128xf32>
          %gt3A_1165 = arith.cmpf ogt, %mul3A_1154, %mul3A_1164 : vector<32x128xf32>
          %gt3A_1166 = vector.broadcast %add3A_1083 : i32 to vector<32x128xi32>
          %gt3A_1167 = arith.cmpi sgt, %add3A_97, %gt3A_1166 : vector<32x128xi32>
          %and3A_1168 = arith.andi %gt3A_1165, %gt3A_1167 : vector<32x128xi1>
          %get3A_1169 = arith.constant 0 : index
          %get3A_1170 = arith.constant 0 : index
          %get3A_1171 = vector.load %arg8[%get3A_1169, %get3A_1170] : memref<32x128xf32, #tpu.memory_space<vmem>>, vector<32x128xf32>
          %convert_element_type3A_1172 = arith.extui %and3A_1168 : vector<32x128xi1> to vector<32x128xi32>
          %convert_element_type3A_1173 = arith.sitofp %convert_element_type3A_1172 : vector<32x128xi32> to vector<32x128xf32>
          %max3A_1174 = arith.maximumf %get3A_1171, %convert_element_type3A_1173 : vector<32x128xf32>
          %swap3A_1175 = arith.constant 0 : index
          %swap3A_1176 = arith.constant 0 : index
          %swap3A_1177 = vector.load %arg8[%swap3A_1175, %swap3A_1176] : memref<32x128xf32, #tpu.memory_space<vmem>>, vector<32x128xf32>
          tpu.vector_store %arg8[%swap3A_1175, %swap3A_1176], %max3A_1174 {strides = array<i32>} : memref<32x128xf32, #tpu.memory_space<vmem>>, vector<32x128xf32>,
          %get3A_1178 = arith.constant 0 : index
          %get3A_1179 = memref.load %arg10[%get3A_1178] : memref<1xi32, #tpu.memory_space<smem>>
          %lt3A_1180 = arith.constant 500 : i32
          %lt3A_1181 = arith.cmpi slt, %get3A_1179, %lt3A_1180 : i32
          %convert_element_type3A_1182 = arith.extui %lt3A_1181 : i1 to i32
          %cond3A_1183 = arith.constant 0 : i32
          %cond3A_1184 = arith.cmpi ne, %convert_element_type3A_1182, %cond3A_1183 : i32
          scf.if %cond3A_1184 {
            %get3A_1189 = arith.constant 0 : index
            %get3A_1190 = arith.index_cast %add3A_1083 : i32 to index
            %get3A_1191 = arith.constant 0 : index
            %get3A_1192 = vector.load %arg2[%get3A_1189, %get3A_1190, %get3A_1191] : memref<1x4096x16xf32, #tpu.memory_space<vmem>>, vector<1x1x16xf32>
            %get3A_1193 = vector.shape_cast %get3A_1192 : vector<1x1x16xf32> to vector<1x16xf32>
            %swap3A_1194 = arith.constant 0 : index
            %swap3A_1195 = arith.index_cast %get3A_1179 : i32 to index
            %swap3A_1196 = arith.constant 0 : index
            %swap3A_1197 = vector.load %arg6[%swap3A_1194, %swap3A_1195, %swap3A_1196] : memref<1x512x16xf32, #tpu.memory_space<vmem>>, vector<1x1x16xf32>
            %swap3A_1198 = vector.shape_cast %swap3A_1197 : vector<1x1x16xf32> to vector<1x16xf32>
            %swap3A_1199 = vector.shape_cast %get3A_1193 : vector<1x16xf32> to vector<1x1x16xf32>
            tpu.vector_store %arg6[%swap3A_1194, %swap3A_1195, %swap3A_1196], %swap3A_1199 {strides = array<i32>} : memref<1x512x16xf32, #tpu.memory_space<vmem>>, vector<1x1x16xf32>,
            %get3A_1200 = arith.constant 0 : index
            %get3A_1201 = arith.index_cast %add3A_1083 : i32 to index
            %get3A_1202 = arith.constant 0 : index
            %get3A_1203 = vector.load %arg5[%get3A_1200, %get3A_1201, %get3A_1202] : memref<1x4096x1xi32, #tpu.memory_space<vmem>>, vector<1x1x1xi32>
            %get3A_1204 = vector.shape_cast %get3A_1203 : vector<1x1x1xi32> to vector<1x1xi32>
            %swap3A_1205 = arith.constant 0 : index
            %swap3A_1206 = arith.index_cast %get3A_1179 : i32 to index
            %swap3A_1207 = arith.constant 0 : index
            %swap3A_1208 = vector.load %arg7[%swap3A_1205, %swap3A_1206, %swap3A_1207] : memref<1x512x1xi32, #tpu.memory_space<vmem>>, vector<1x1x1xi32>
            %swap3A_1209 = vector.shape_cast %swap3A_1208 : vector<1x1x1xi32> to vector<1x1xi32>
            %swap3A_1210 = vector.shape_cast %get3A_1204 : vector<1x1xi32> to vector<1x1x1xi32>
            tpu.vector_store %arg7[%swap3A_1205, %swap3A_1206, %swap3A_1207], %swap3A_1210 {strides = array<i32>} : memref<1x512x1xi32, #tpu.memory_space<vmem>>, vector<1x1x1xi32>,
          } else {
          }
          %add3A_1185 = arith.constant 1 : i32
          %add3A_1186 = arith.addi %get3A_1179, %add3A_1185 : i32
          %swap3A_1187 = arith.constant 0 : index
          %swap3A_1188 = memref.load %arg10[%swap3A_1187] : memref<1xi32, #tpu.memory_space<smem>>
          memref.store %add3A_1186, %arg10[%swap3A_1187] : memref<1xi32, #tpu.memory_space<smem>>
        } else {
        }
        %add3A_1109 = arith.constant 7 : i32
        %add3A_1110 = arith.addi %mul3A_119, %add3A_1109 : i32
        %eq3A_1111 = arith.constant 0 : i32
        %eq3A_1112 = arith.cmpi eq, %or3A_1105, %eq3A_1111 : i32
        %lt3A_1113 = arith.cmpi slt, %add3A_1110, %get3A_0 : i32
        %and3A_1114 = arith.andi %eq3A_1112, %lt3A_1113 : i1
        %convert_element_type3A_1115 = arith.extui %and3A_1114 : i1 to i32
        %cond3A_1116 = arith.constant 0 : i32
        %cond3A_1117 = arith.cmpi ne, %convert_element_type3A_1115, %cond3A_1116 : i32
        scf.if %cond3A_1117 {
          %get3A_1118 = arith.constant 1 : index
          %get3A_1119 = arith.constant 0 : index
          %get3A_1120 = arith.constant 0 : index
          %get3A_1121 = vector.load %arg9[%get3A_1118, %get3A_1119, %get3A_1120] : memref<5x32x128xf32, #tpu.memory_space<vmem>>, vector<1x32x128xf32>
          %get3A_1122 = vector.shape_cast %get3A_1121 : vector<1x32x128xf32> to vector<32x128xf32>
          %min3A_1123 = vector.broadcast %add3A_442 : f32 to vector<32x128xf32>
          %min3A_1124 = arith.minimumf %get3A_1122, %min3A_1123 : vector<32x128xf32>
          %get3A_1125 = arith.constant 0 : index
          %get3A_1126 = arith.constant 0 : index
          %get3A_1127 = arith.constant 0 : index
          %get3A_1128 = vector.load %arg9[%get3A_1125, %get3A_1126, %get3A_1127] : memref<5x32x128xf32, #tpu.memory_space<vmem>>, vector<1x32x128xf32>
          %get3A_1129 = vector.shape_cast %get3A_1128 : vector<1x32x128xf32> to vector<32x128xf32>
          %max3A_1130 = vector.broadcast %sub3A_418 : f32 to vector<32x128xf32>
          %max3A_1131 = arith.maximumf %get3A_1129, %max3A_1130 : vector<32x128xf32>
          %sub3A_1132 = arith.subf %min3A_1124, %max3A_1131 : vector<32x128xf32>
          %max3A_1133 = arith.constant 0.000000e+00 : f32
          %max3A_1134 = vector.broadcast %max3A_1133 : f32 to vector<32x128xf32>
          %max3A_1135 = arith.maximumf %sub3A_1132, %max3A_1134 : vector<32x128xf32>
          %get3A_1136 = arith.constant 3 : index
          %get3A_1137 = arith.constant 0 : index
          %get3A_1138 = arith.constant 0 : index
          %get3A_1139 = vector.load %arg9[%get3A_1136, %get3A_1137, %get3A_1138] : memref<5x32x128xf32, #tpu.memory_space<vmem>>, vector<1x32x128xf32>
          %get3A_1140 = vector.shape_cast %get3A_1139 : vector<1x32x128xf32> to vector<32x128xf32>
          %min3A_1141 = vector.broadcast %add3A_490 : f32 to vector<32x128xf32>
          %min3A_1142 = arith.minimumf %get3A_1140, %min3A_1141 : vector<32x128xf32>
          %get3A_1143 = arith.constant 2 : index
          %get3A_1144 = arith.constant 0 : index
          %get3A_1145 = arith.constant 0 : index
          %get3A_1146 = vector.load %arg9[%get3A_1143, %get3A_1144, %get3A_1145] : memref<5x32x128xf32, #tpu.memory_space<vmem>>, vector<1x32x128xf32>
          %get3A_1147 = vector.shape_cast %get3A_1146 : vector<1x32x128xf32> to vector<32x128xf32>
          %max3A_1148 = vector.broadcast %sub3A_466 : f32 to vector<32x128xf32>
          %max3A_1149 = arith.maximumf %get3A_1147, %max3A_1148 : vector<32x128xf32>
          %sub3A_1150 = arith.subf %min3A_1142, %max3A_1149 : vector<32x128xf32>
          %max3A_1151 = arith.constant 0.000000e+00 : f32
          %max3A_1152 = vector.broadcast %max3A_1151 : f32 to vector<32x128xf32>
          %max3A_1153 = arith.maximumf %sub3A_1150, %max3A_1152 : vector<32x128xf32>
          %mul3A_1154 = arith.mulf %max3A_1135, %max3A_1153 : vector<32x128xf32>
          %get3A_1155 = arith.constant 4 : index
          %get3A_1156 = arith.constant 0 : index
          %get3A_1157 = arith.constant 0 : index
          %get3A_1158 = vector.load %arg9[%get3A_1155, %get3A_1156, %get3A_1157] : memref<5x32x128xf32, #tpu.memory_space<vmem>>, vector<1x32x128xf32>
          %get3A_1159 = vector.shape_cast %get3A_1158 : vector<1x32x128xf32> to vector<32x128xf32>
          %add3A_1160 = vector.broadcast %mul3A_514 : f32 to vector<32x128xf32>
          %add3A_1161 = arith.addf %get3A_1159, %add3A_1160 : vector<32x128xf32>
          %sub3A_1162 = arith.subf %add3A_1161, %mul3A_1154 : vector<32x128xf32>
          %mul3A_1163 = vector.broadcast %while3A : f32 to vector<32x128xf32>
          %mul3A_1164 = arith.mulf %mul3A_1163, %sub3A_1162 : vector<32x128xf32>
          %gt3A_1165 = arith.cmpf ogt, %mul3A_1154, %mul3A_1164 : vector<32x128xf32>
          %gt3A_1166 = vector.broadcast %add3A_1110 : i32 to vector<32x128xi32>
          %gt3A_1167 = arith.cmpi sgt, %add3A_97, %gt3A_1166 : vector<32x128xi32>
          %and3A_1168 = arith.andi %gt3A_1165, %gt3A_1167 : vector<32x128xi1>
          %get3A_1169 = arith.constant 0 : index
          %get3A_1170 = arith.constant 0 : index
          %get3A_1171 = vector.load %arg8[%get3A_1169, %get3A_1170] : memref<32x128xf32, #tpu.memory_space<vmem>>, vector<32x128xf32>
          %convert_element_type3A_1172 = arith.extui %and3A_1168 : vector<32x128xi1> to vector<32x128xi32>
          %convert_element_type3A_1173 = arith.sitofp %convert_element_type3A_1172 : vector<32x128xi32> to vector<32x128xf32>
          %max3A_1174 = arith.maximumf %get3A_1171, %convert_element_type3A_1173 : vector<32x128xf32>
          %swap3A_1175 = arith.constant 0 : index
          %swap3A_1176 = arith.constant 0 : index
          %swap3A_1177 = vector.load %arg8[%swap3A_1175, %swap3A_1176] : memref<32x128xf32, #tpu.memory_space<vmem>>, vector<32x128xf32>
          tpu.vector_store %arg8[%swap3A_1175, %swap3A_1176], %max3A_1174 {strides = array<i32>} : memref<32x128xf32, #tpu.memory_space<vmem>>, vector<32x128xf32>,
          %get3A_1178 = arith.constant 0 : index
          %get3A_1179 = memref.load %arg10[%get3A_1178] : memref<1xi32, #tpu.memory_space<smem>>
          %lt3A_1180 = arith.constant 500 : i32
          %lt3A_1181 = arith.cmpi slt, %get3A_1179, %lt3A_1180 : i32
          %convert_element_type3A_1182 = arith.extui %lt3A_1181 : i1 to i32
          %cond3A_1183 = arith.constant 0 : i32
          %cond3A_1184 = arith.cmpi ne, %convert_element_type3A_1182, %cond3A_1183 : i32
          scf.if %cond3A_1184 {
            %get3A_1189 = arith.constant 0 : index
            %get3A_1190 = arith.index_cast %add3A_1110 : i32 to index
            %get3A_1191 = arith.constant 0 : index
            %get3A_1192 = vector.load %arg2[%get3A_1189, %get3A_1190, %get3A_1191] : memref<1x4096x16xf32, #tpu.memory_space<vmem>>, vector<1x1x16xf32>
            %get3A_1193 = vector.shape_cast %get3A_1192 : vector<1x1x16xf32> to vector<1x16xf32>
            %swap3A_1194 = arith.constant 0 : index
            %swap3A_1195 = arith.index_cast %get3A_1179 : i32 to index
            %swap3A_1196 = arith.constant 0 : index
            %swap3A_1197 = vector.load %arg6[%swap3A_1194, %swap3A_1195, %swap3A_1196] : memref<1x512x16xf32, #tpu.memory_space<vmem>>, vector<1x1x16xf32>
            %swap3A_1198 = vector.shape_cast %swap3A_1197 : vector<1x1x16xf32> to vector<1x16xf32>
            %swap3A_1199 = vector.shape_cast %get3A_1193 : vector<1x16xf32> to vector<1x1x16xf32>
            tpu.vector_store %arg6[%swap3A_1194, %swap3A_1195, %swap3A_1196], %swap3A_1199 {strides = array<i32>} : memref<1x512x16xf32, #tpu.memory_space<vmem>>, vector<1x1x16xf32>,
            %get3A_1200 = arith.constant 0 : index
            %get3A_1201 = arith.index_cast %add3A_1110 : i32 to index
            %get3A_1202 = arith.constant 0 : index
            %get3A_1203 = vector.load %arg5[%get3A_1200, %get3A_1201, %get3A_1202] : memref<1x4096x1xi32, #tpu.memory_space<vmem>>, vector<1x1x1xi32>
            %get3A_1204 = vector.shape_cast %get3A_1203 : vector<1x1x1xi32> to vector<1x1xi32>
            %swap3A_1205 = arith.constant 0 : index
            %swap3A_1206 = arith.index_cast %get3A_1179 : i32 to index
            %swap3A_1207 = arith.constant 0 : index
            %swap3A_1208 = vector.load %arg7[%swap3A_1205, %swap3A_1206, %swap3A_1207] : memref<1x512x1xi32, #tpu.memory_space<vmem>>, vector<1x1x1xi32>
            %swap3A_1209 = vector.shape_cast %swap3A_1208 : vector<1x1x1xi32> to vector<1x1xi32>
            %swap3A_1210 = vector.shape_cast %get3A_1204 : vector<1x1xi32> to vector<1x1x1xi32>
            tpu.vector_store %arg7[%swap3A_1205, %swap3A_1206, %swap3A_1207], %swap3A_1210 {strides = array<i32>} : memref<1x512x1xi32, #tpu.memory_space<vmem>>, vector<1x1x1xi32>,
          } else {
          }
          %add3A_1185 = arith.constant 1 : i32
          %add3A_1186 = arith.addi %get3A_1179, %add3A_1185 : i32
          %swap3A_1187 = arith.constant 0 : index
          %swap3A_1188 = memref.load %arg10[%swap3A_1187] : memref<1xi32, #tpu.memory_space<smem>>
          memref.store %add3A_1186, %arg10[%swap3A_1187] : memref<1xi32, #tpu.memory_space<smem>>
        } else {
        }
      } else {
      }
    }
    %while3A_116 = arith.constant 1 : i32
    scf.for %while3A_117 = %while3A_114 to %while3A_110 step %while3A_116  : i32 {
      %mul3A_118 = arith.constant 8 : i32
      %mul3A_119 = arith.muli %while3A_117, %mul3A_118 : i32
      %ge3A = vector.broadcast %mul3A_119 : i32 to vector<32x128xi32>
      %ge3A_120 = arith.cmpi sge, %add3A_97, %ge3A : vector<32x128xi32>
      %add3A_121 = arith.constant 8 : i32
      %add3A_122 = arith.addi %mul3A_119, %add3A_121 : i32
      %lt3A = vector.broadcast %add3A_122 : i32 to vector<32x128xi32>
      %lt3A_123 = arith.cmpi slt, %add3A_97, %lt3A : vector<32x128xi32>
      %and3A_124 = arith.andi %ge3A_120, %lt3A_123 : vector<32x128xi1>
      %get3A_125 = arith.constant 0 : index
      %get3A_126 = arith.constant 0 : index
      %get3A_127 = vector.load %arg8[%get3A_125, %get3A_126] : memref<32x128xf32, #tpu.memory_space<vmem>>, vector<32x128xf32>
      %mul3A_128 = arith.mulf %get3A_127, %convert_element_type3A : vector<32x128xf32>
      %jit3A = arith.constant 0.000000e+00 : f32
      %broadcast_in_dim3A_129 = vector.broadcast %jit3A : f32 to vector<32x128xf32>
      %select_n3A = arith.select %and3A_124, %mul3A_128, %broadcast_in_dim3A_129 : vector<32x128xi1>, vector<32x128xf32>
      %reduce_sum3A = vector.shape_cast %select_n3A : vector<32x128xf32> to vector<1x32x128xf32>
      %reduce_sum3A_130 = arith.constant dense<0.000000e+00> : vector<1xf32>
      %reduce_sum3A_131 = vector.multi_reduction <add>, %reduce_sum3A, %reduce_sum3A_130 [1, 2] : vector<1x32x128xf32> to vector<1xf32>
      %reduce_sum3A_132 = vector.shape_cast %reduce_sum3A_131 : vector<1xf32> to vector<1x1x1xf32>
      %reduce_sum3A_133 = vector.extract %reduce_sum3A_132[0, 0, 0] : f32 from vector<1x1x1xf32>
      %convert_element_type3A_134 = arith.fptosi %reduce_sum3A_133 : f32 to i32
      %lt3A_135 = arith.constant 255 : i32
      %lt3A_136 = arith.cmpi slt, %convert_element_type3A_134, %lt3A_135 : i32
      %convert_element_type3A_137 = arith.extui %lt3A_136 : i1 to i32
      %cond3A = arith.constant 0 : i32
      %cond3A_138 = arith.cmpi ne, %convert_element_type3A_137, %cond3A : i32
      scf.if %cond3A_138 {
        %add3A_139 = arith.constant 0 : i32
        %add3A_140 = arith.addi %mul3A_119, %add3A_139 : i32
        %get3A_141 = arith.constant 0 : index
        %get3A_142 = arith.constant 0 : index
        %get3A_143 = arith.index_cast %add3A_140 : i32 to index
        %get3A_144 = arith.constant 0 : index
        %get3A_145 = vector.load %arg4[%get3A_141, %get3A_142, %get3A_143, %get3A_144] : memref<1x4x4096x1xf32, #tpu.memory_space<vmem>>, vector<1x1x1x1xf32>
        %get3A_146 = vector.extract %get3A_145[0, 0, 0, 0] : f32 from vector<1x1x1x1xf32>
        %add3A_147 = arith.constant 0 : i32
        %add3A_148 = arith.addi %mul3A_119, %add3A_147 : i32
        %get3A_149 = arith.constant 0 : index
        %get3A_150 = arith.constant 1 : index
        %get3A_151 = arith.index_cast %add3A_148 : i32 to index
        %get3A_152 = arith.constant 0 : index
        %get3A_153 = vector.load %arg4[%get3A_149, %get3A_150, %get3A_151, %get3A_152] : memref<1x4x4096x1xf32, #tpu.memory_space<vmem>>, vector<1x1x1x1xf32>
        %get3A_154 = vector.extract %get3A_153[0, 0, 0, 0] : f32 from vector<1x1x1x1xf32>
        %add3A_155 = arith.constant 0 : i32
        %add3A_156 = arith.addi %mul3A_119, %add3A_155 : i32
        %get3A_157 = arith.constant 0 : index
        %get3A_158 = arith.constant 2 : index
        %get3A_159 = arith.index_cast %add3A_156 : i32 to index
        %get3A_160 = arith.constant 0 : index
        %get3A_161 = vector.load %arg4[%get3A_157, %get3A_158, %get3A_159, %get3A_160] : memref<1x4x4096x1xf32, #tpu.memory_space<vmem>>, vector<1x1x1x1xf32>
        %get3A_162 = vector.extract %get3A_161[0, 0, 0, 0] : f32 from vector<1x1x1x1xf32>
        %add3A_163 = arith.constant 0 : i32
        %add3A_164 = arith.addi %mul3A_119, %add3A_163 : i32
        %get3A_165 = arith.constant 0 : index
        %get3A_166 = arith.constant 3 : index
        %get3A_167 = arith.index_cast %add3A_164 : i32 to index
        %get3A_168 = arith.constant 0 : index
        %get3A_169 = vector.load %arg4[%get3A_165, %get3A_166, %get3A_167, %get3A_168] : memref<1x4x4096x1xf32, #tpu.memory_space<vmem>>, vector<1x1x1x1xf32>
        %get3A_170 = vector.extract %get3A_169[0, 0, 0, 0] : f32 from vector<1x1x1x1xf32>
        %add3A_171 = arith.constant 1 : i32
        %add3A_172 = arith.addi %mul3A_119, %add3A_171 : i32
        %get3A_173 = arith.constant 0 : index
        %get3A_174 = arith.constant 0 : index
        %get3A_175 = arith.index_cast %add3A_172 : i32 to index
        %get3A_176 = arith.constant 0 : index
        %get3A_177 = vector.load %arg4[%get3A_173, %get3A_174, %get3A_175, %get3A_176] : memref<1x4x4096x1xf32, #tpu.memory_space<vmem>>, vector<1x1x1x1xf32>
        %get3A_178 = vector.extract %get3A_177[0, 0, 0, 0] : f32 from vector<1x1x1x1xf32>
        %add3A_179 = arith.constant 1 : i32
        %add3A_180 = arith.addi %mul3A_119, %add3A_179 : i32
        %get3A_181 = arith.constant 0 : index
        %get3A_182 = arith.constant 1 : index
        %get3A_183 = arith.index_cast %add3A_180 : i32 to index
        %get3A_184 = arith.constant 0 : index
        %get3A_185 = vector.load %arg4[%get3A_181, %get3A_182, %get3A_183, %get3A_184] : memref<1x4x4096x1xf32, #tpu.memory_space<vmem>>, vector<1x1x1x1xf32>
        %get3A_186 = vector.extract %get3A_185[0, 0, 0, 0] : f32 from vector<1x1x1x1xf32>
        %add3A_187 = arith.constant 1 : i32
        %add3A_188 = arith.addi %mul3A_119, %add3A_187 : i32
        %get3A_189 = arith.constant 0 : index
        %get3A_190 = arith.constant 2 : index
        %get3A_191 = arith.index_cast %add3A_188 : i32 to index
        %get3A_192 = arith.constant 0 : index
        %get3A_193 = vector.load %arg4[%get3A_189, %get3A_190, %get3A_191, %get3A_192] : memref<1x4x4096x1xf32, #tpu.memory_space<vmem>>, vector<1x1x1x1xf32>
        %get3A_194 = vector.extract %get3A_193[0, 0, 0, 0] : f32 from vector<1x1x1x1xf32>
        %add3A_195 = arith.constant 1 : i32
        %add3A_196 = arith.addi %mul3A_119, %add3A_195 : i32
        %get3A_197 = arith.constant 0 : index
        %get3A_198 = arith.constant 3 : index
        %get3A_199 = arith.index_cast %add3A_196 : i32 to index
        %get3A_200 = arith.constant 0 : index
        %get3A_201 = vector.load %arg4[%get3A_197, %get3A_198, %get3A_199, %get3A_200] : memref<1x4x4096x1xf32, #tpu.memory_space<vmem>>, vector<1x1x1x1xf32>
        %get3A_202 = vector.extract %get3A_201[0, 0, 0, 0] : f32 from vector<1x1x1x1xf32>
        %add3A_203 = arith.constant 2 : i32
        %add3A_204 = arith.addi %mul3A_119, %add3A_203 : i32
        %get3A_205 = arith.constant 0 : index
        %get3A_206 = arith.constant 0 : index
        %get3A_207 = arith.index_cast %add3A_204 : i32 to index
        %get3A_208 = arith.constant 0 : index
        %get3A_209 = vector.load %arg4[%get3A_205, %get3A_206, %get3A_207, %get3A_208] : memref<1x4x4096x1xf32, #tpu.memory_space<vmem>>, vector<1x1x1x1xf32>
        %get3A_210 = vector.extract %get3A_209[0, 0, 0, 0] : f32 from vector<1x1x1x1xf32>
        %add3A_211 = arith.constant 2 : i32
        %add3A_212 = arith.addi %mul3A_119, %add3A_211 : i32
        %get3A_213 = arith.constant 0 : index
        %get3A_214 = arith.constant 1 : index
        %get3A_215 = arith.index_cast %add3A_212 : i32 to index
        %get3A_216 = arith.constant 0 : index
        %get3A_217 = vector.load %arg4[%get3A_213, %get3A_214, %get3A_215, %get3A_216] : memref<1x4x4096x1xf32, #tpu.memory_space<vmem>>, vector<1x1x1x1xf32>
        %get3A_218 = vector.extract %get3A_217[0, 0, 0, 0] : f32 from vector<1x1x1x1xf32>
        %add3A_219 = arith.constant 2 : i32
        %add3A_220 = arith.addi %mul3A_119, %add3A_219 : i32
        %get3A_221 = arith.constant 0 : index
        %get3A_222 = arith.constant 2 : index
        %get3A_223 = arith.index_cast %add3A_220 : i32 to index
        %get3A_224 = arith.constant 0 : index
        %get3A_225 = vector.load %arg4[%get3A_221, %get3A_222, %get3A_223, %get3A_224] : memref<1x4x4096x1xf32, #tpu.memory_space<vmem>>, vector<1x1x1x1xf32>
        %get3A_226 = vector.extract %get3A_225[0, 0, 0, 0] : f32 from vector<1x1x1x1xf32>
        %add3A_227 = arith.constant 2 : i32
        %add3A_228 = arith.addi %mul3A_119, %add3A_227 : i32
        %get3A_229 = arith.constant 0 : index
        %get3A_230 = arith.constant 3 : index
        %get3A_231 = arith.index_cast %add3A_228 : i32 to index
        %get3A_232 = arith.constant 0 : index
        %get3A_233 = vector.load %arg4[%get3A_229, %get3A_230, %get3A_231, %get3A_232] : memref<1x4x4096x1xf32, #tpu.memory_space<vmem>>, vector<1x1x1x1xf32>
        %get3A_234 = vector.extract %get3A_233[0, 0, 0, 0] : f32 from vector<1x1x1x1xf32>
        %add3A_235 = arith.constant 3 : i32
        %add3A_236 = arith.addi %mul3A_119, %add3A_235 : i32
        %get3A_237 = arith.constant 0 : index
        %get3A_238 = arith.constant 0 : index
        %get3A_239 = arith.index_cast %add3A_236 : i32 to index
        %get3A_240 = arith.constant 0 : index
        %get3A_241 = vector.load %arg4[%get3A_237, %get3A_238, %get3A_239, %get3A_240] : memref<1x4x4096x1xf32, #tpu.memory_space<vmem>>, vector<1x1x1x1xf32>
        %get3A_242 = vector.extract %get3A_241[0, 0, 0, 0] : f32 from vector<1x1x1x1xf32>
        %add3A_243 = arith.constant 3 : i32
        %add3A_244 = arith.addi %mul3A_119, %add3A_243 : i32
        %get3A_245 = arith.constant 0 : index
        %get3A_246 = arith.constant 1 : index
        %get3A_247 = arith.index_cast %add3A_244 : i32 to index
        %get3A_248 = arith.constant 0 : index
        %get3A_249 = vector.load %arg4[%get3A_245, %get3A_246, %get3A_247, %get3A_248] : memref<1x4x4096x1xf32, #tpu.memory_space<vmem>>, vector<1x1x1x1xf32>
        %get3A_250 = vector.extract %get3A_249[0, 0, 0, 0] : f32 from vector<1x1x1x1xf32>
        %add3A_251 = arith.constant 3 : i32
        %add3A_252 = arith.addi %mul3A_119, %add3A_251 : i32
        %get3A_253 = arith.constant 0 : index
        %get3A_254 = arith.constant 2 : index
        %get3A_255 = arith.index_cast %add3A_252 : i32 to index
        %get3A_256 = arith.constant 0 : index
        %get3A_257 = vector.load %arg4[%get3A_253, %get3A_254, %get3A_255, %get3A_256] : memref<1x4x4096x1xf32, #tpu.memory_space<vmem>>, vector<1x1x1x1xf32>
        %get3A_258 = vector.extract %get3A_257[0, 0, 0, 0] : f32 from vector<1x1x1x1xf32>
        %add3A_259 = arith.constant 3 : i32
        %add3A_260 = arith.addi %mul3A_119, %add3A_259 : i32
        %get3A_261 = arith.constant 0 : index
        %get3A_262 = arith.constant 3 : index
        %get3A_263 = arith.index_cast %add3A_260 : i32 to index
        %get3A_264 = arith.constant 0 : index
        %get3A_265 = vector.load %arg4[%get3A_261, %get3A_262, %get3A_263, %get3A_264] : memref<1x4x4096x1xf32, #tpu.memory_space<vmem>>, vector<1x1x1x1xf32>
        %get3A_266 = vector.extract %get3A_265[0, 0, 0, 0] : f32 from vector<1x1x1x1xf32>
        %add3A_267 = arith.constant 4 : i32
        %add3A_268 = arith.addi %mul3A_119, %add3A_267 : i32
        %get3A_269 = arith.constant 0 : index
        %get3A_270 = arith.constant 0 : index
        %get3A_271 = arith.index_cast %add3A_268 : i32 to index
        %get3A_272 = arith.constant 0 : index
        %get3A_273 = vector.load %arg4[%get3A_269, %get3A_270, %get3A_271, %get3A_272] : memref<1x4x4096x1xf32, #tpu.memory_space<vmem>>, vector<1x1x1x1xf32>
        %get3A_274 = vector.extract %get3A_273[0, 0, 0, 0] : f32 from vector<1x1x1x1xf32>
        %add3A_275 = arith.constant 4 : i32
        %add3A_276 = arith.addi %mul3A_119, %add3A_275 : i32
        %get3A_277 = arith.constant 0 : index
        %get3A_278 = arith.constant 1 : index
        %get3A_279 = arith.index_cast %add3A_276 : i32 to index
        %get3A_280 = arith.constant 0 : index
        %get3A_281 = vector.load %arg4[%get3A_277, %get3A_278, %get3A_279, %get3A_280] : memref<1x4x4096x1xf32, #tpu.memory_space<vmem>>, vector<1x1x1x1xf32>
        %get3A_282 = vector.extract %get3A_281[0, 0, 0, 0] : f32 from vector<1x1x1x1xf32>
        %add3A_283 = arith.constant 4 : i32
        %add3A_284 = arith.addi %mul3A_119, %add3A_283 : i32
        %get3A_285 = arith.constant 0 : index
        %get3A_286 = arith.constant 2 : index
        %get3A_287 = arith.index_cast %add3A_284 : i32 to index
        %get3A_288 = arith.constant 0 : index
        %get3A_289 = vector.load %arg4[%get3A_285, %get3A_286, %get3A_287, %get3A_288] : memref<1x4x4096x1xf32, #tpu.memory_space<vmem>>, vector<1x1x1x1xf32>
        %get3A_290 = vector.extract %get3A_289[0, 0, 0, 0] : f32 from vector<1x1x1x1xf32>
        %add3A_291 = arith.constant 4 : i32
        %add3A_292 = arith.addi %mul3A_119, %add3A_291 : i32
        %get3A_293 = arith.constant 0 : index
        %get3A_294 = arith.constant 3 : index
        %get3A_295 = arith.index_cast %add3A_292 : i32 to index
        %get3A_296 = arith.constant 0 : index
        %get3A_297 = vector.load %arg4[%get3A_293, %get3A_294, %get3A_295, %get3A_296] : memref<1x4x4096x1xf32, #tpu.memory_space<vmem>>, vector<1x1x1x1xf32>
        %get3A_298 = vector.extract %get3A_297[0, 0, 0, 0] : f32 from vector<1x1x1x1xf32>
        %add3A_299 = arith.constant 5 : i32
        %add3A_300 = arith.addi %mul3A_119, %add3A_299 : i32
        %get3A_301 = arith.constant 0 : index
        %get3A_302 = arith.constant 0 : index
        %get3A_303 = arith.index_cast %add3A_300 : i32 to index
        %get3A_304 = arith.constant 0 : index
        %get3A_305 = vector.load %arg4[%get3A_301, %get3A_302, %get3A_303, %get3A_304] : memref<1x4x4096x1xf32, #tpu.memory_space<vmem>>, vector<1x1x1x1xf32>
        %get3A_306 = vector.extract %get3A_305[0, 0, 0, 0] : f32 from vector<1x1x1x1xf32>
        %add3A_307 = arith.constant 5 : i32
        %add3A_308 = arith.addi %mul3A_119, %add3A_307 : i32
        %get3A_309 = arith.constant 0 : index
        %get3A_310 = arith.constant 1 : index
        %get3A_311 = arith.index_cast %add3A_308 : i32 to index
        %get3A_312 = arith.constant 0 : index
        %get3A_313 = vector.load %arg4[%get3A_309, %get3A_310, %get3A_311, %get3A_312] : memref<1x4x4096x1xf32, #tpu.memory_space<vmem>>, vector<1x1x1x1xf32>
        %get3A_314 = vector.extract %get3A_313[0, 0, 0, 0] : f32 from vector<1x1x1x1xf32>
        %add3A_315 = arith.constant 5 : i32
        %add3A_316 = arith.addi %mul3A_119, %add3A_315 : i32
        %get3A_317 = arith.constant 0 : index
        %get3A_318 = arith.constant 2 : index
        %get3A_319 = arith.index_cast %add3A_316 : i32 to index
        %get3A_320 = arith.constant 0 : index
        %get3A_321 = vector.load %arg4[%get3A_317, %get3A_318, %get3A_319, %get3A_320] : memref<1x4x4096x1xf32, #tpu.memory_space<vmem>>, vector<1x1x1x1xf32>
        %get3A_322 = vector.extract %get3A_321[0, 0, 0, 0] : f32 from vector<1x1x1x1xf32>
        %add3A_323 = arith.constant 5 : i32
        %add3A_324 = arith.addi %mul3A_119, %add3A_323 : i32
        %get3A_325 = arith.constant 0 : index
        %get3A_326 = arith.constant 3 : index
        %get3A_327 = arith.index_cast %add3A_324 : i32 to index
        %get3A_328 = arith.constant 0 : index
        %get3A_329 = vector.load %arg4[%get3A_325, %get3A_326, %get3A_327, %get3A_328] : memref<1x4x4096x1xf32, #tpu.memory_space<vmem>>, vector<1x1x1x1xf32>
        %get3A_330 = vector.extract %get3A_329[0, 0, 0, 0] : f32 from vector<1x1x1x1xf32>
        %add3A_331 = arith.constant 6 : i32
        %add3A_332 = arith.addi %mul3A_119, %add3A_331 : i32
        %get3A_333 = arith.constant 0 : index
        %get3A_334 = arith.constant 0 : index
        %get3A_335 = arith.index_cast %add3A_332 : i32 to index
        %get3A_336 = arith.constant 0 : index
        %get3A_337 = vector.load %arg4[%get3A_333, %get3A_334, %get3A_335, %get3A_336] : memref<1x4x4096x1xf32, #tpu.memory_space<vmem>>, vector<1x1x1x1xf32>
        %get3A_338 = vector.extract %get3A_337[0, 0, 0, 0] : f32 from vector<1x1x1x1xf32>
        %add3A_339 = arith.constant 6 : i32
        %add3A_340 = arith.addi %mul3A_119, %add3A_339 : i32
        %get3A_341 = arith.constant 0 : index
        %get3A_342 = arith.constant 1 : index
        %get3A_343 = arith.index_cast %add3A_340 : i32 to index
        %get3A_344 = arith.constant 0 : index
        %get3A_345 = vector.load %arg4[%get3A_341, %get3A_342, %get3A_343, %get3A_344] : memref<1x4x4096x1xf32, #tpu.memory_space<vmem>>, vector<1x1x1x1xf32>
        %get3A_346 = vector.extract %get3A_345[0, 0, 0, 0] : f32 from vector<1x1x1x1xf32>
        %add3A_347 = arith.constant 6 : i32
        %add3A_348 = arith.addi %mul3A_119, %add3A_347 : i32
        %get3A_349 = arith.constant 0 : index
        %get3A_350 = arith.constant 2 : index
        %get3A_351 = arith.index_cast %add3A_348 : i32 to index
        %get3A_352 = arith.constant 0 : index
        %get3A_353 = vector.load %arg4[%get3A_349, %get3A_350, %get3A_351, %get3A_352] : memref<1x4x4096x1xf32, #tpu.memory_space<vmem>>, vector<1x1x1x1xf32>
        %get3A_354 = vector.extract %get3A_353[0, 0, 0, 0] : f32 from vector<1x1x1x1xf32>
        %add3A_355 = arith.constant 6 : i32
        %add3A_356 = arith.addi %mul3A_119, %add3A_355 : i32
        %get3A_357 = arith.constant 0 : index
        %get3A_358 = arith.constant 3 : index
        %get3A_359 = arith.index_cast %add3A_356 : i32 to index
        %get3A_360 = arith.constant 0 : index
        %get3A_361 = vector.load %arg4[%get3A_357, %get3A_358, %get3A_359, %get3A_360] : memref<1x4x4096x1xf32, #tpu.memory_space<vmem>>, vector<1x1x1x1xf32>
        %get3A_362 = vector.extract %get3A_361[0, 0, 0, 0] : f32 from vector<1x1x1x1xf32>
        %add3A_363 = arith.constant 7 : i32
        %add3A_364 = arith.addi %mul3A_119, %add3A_363 : i32
        %get3A_365 = arith.constant 0 : index
        %get3A_366 = arith.constant 0 : index
        %get3A_367 = arith.index_cast %add3A_364 : i32 to index
        %get3A_368 = arith.constant 0 : index
        %get3A_369 = vector.load %arg4[%get3A_365, %get3A_366, %get3A_367, %get3A_368] : memref<1x4x4096x1xf32, #tpu.memory_space<vmem>>, vector<1x1x1x1xf32>
        %get3A_370 = vector.extract %get3A_369[0, 0, 0, 0] : f32 from vector<1x1x1x1xf32>
        %add3A_371 = arith.constant 7 : i32
        %add3A_372 = arith.addi %mul3A_119, %add3A_371 : i32
        %get3A_373 = arith.constant 0 : index
        %get3A_374 = arith.constant 1 : index
        %get3A_375 = arith.index_cast %add3A_372 : i32 to index
        %get3A_376 = arith.constant 0 : index
        %get3A_377 = vector.load %arg4[%get3A_373, %get3A_374, %get3A_375, %get3A_376] : memref<1x4x4096x1xf32, #tpu.memory_space<vmem>>, vector<1x1x1x1xf32>
        %get3A_378 = vector.extract %get3A_377[0, 0, 0, 0] : f32 from vector<1x1x1x1xf32>
        %add3A_379 = arith.constant 7 : i32
        %add3A_380 = arith.addi %mul3A_119, %add3A_379 : i32
        %get3A_381 = arith.constant 0 : index
        %get3A_382 = arith.constant 2 : index
        %get3A_383 = arith.index_cast %add3A_380 : i32 to index
        %get3A_384 = arith.constant 0 : index
        %get3A_385 = vector.load %arg4[%get3A_381, %get3A_382, %get3A_383, %get3A_384] : memref<1x4x4096x1xf32, #tpu.memory_space<vmem>>, vector<1x1x1x1xf32>
        %get3A_386 = vector.extract %get3A_385[0, 0, 0, 0] : f32 from vector<1x1x1x1xf32>
        %add3A_387 = arith.constant 7 : i32
        %add3A_388 = arith.addi %mul3A_119, %add3A_387 : i32
        %get3A_389 = arith.constant 0 : index
        %get3A_390 = arith.constant 3 : index
        %get3A_391 = arith.index_cast %add3A_388 : i32 to index
        %get3A_392 = arith.constant 0 : index
        %get3A_393 = vector.load %arg4[%get3A_389, %get3A_390, %get3A_391, %get3A_392] : memref<1x4x4096x1xf32, #tpu.memory_space<vmem>>, vector<1x1x1x1xf32>
        %get3A_394 = vector.extract %get3A_393[0, 0, 0, 0] : f32 from vector<1x1x1x1xf32>
        %mul3A_395 = arith.constant 5.000000e-01 : f32
        %mul3A_396 = arith.mulf %mul3A_395, %get3A_162 : f32
        %sub3A_397 = arith.subf %get3A_146, %mul3A_396 : f32
        %mul3A_398 = arith.constant 5.000000e-01 : f32
        %mul3A_399 = arith.mulf %mul3A_398, %get3A_194 : f32
        %sub3A_400 = arith.subf %get3A_178, %mul3A_399 : f32
        %mul3A_401 = arith.constant 5.000000e-01 : f32
        %mul3A_402 = arith.mulf %mul3A_401, %get3A_226 : f32
        %sub3A_403 = arith.subf %get3A_210, %mul3A_402 : f32
        %mul3A_404 = arith.constant 5.000000e-01 : f32
        %mul3A_405 = arith.mulf %mul3A_404, %get3A_258 : f32
        %sub3A_406 = arith.subf %get3A_242, %mul3A_405 : f32
        %mul3A_407 = arith.constant 5.000000e-01 : f32
        %mul3A_408 = arith.mulf %mul3A_407, %get3A_290 : f32
        %sub3A_409 = arith.subf %get3A_274, %mul3A_408 : f32
        %mul3A_410 = arith.constant 5.000000e-01 : f32
        %mul3A_411 = arith.mulf %mul3A_410, %get3A_322 : f32
        %sub3A_412 = arith.subf %get3A_306, %mul3A_411 : f32
        %mul3A_413 = arith.constant 5.000000e-01 : f32
        %mul3A_414 = arith.mulf %mul3A_413, %get3A_354 : f32
        %sub3A_415 = arith.subf %get3A_338, %mul3A_414 : f32
        %mul3A_416 = arith.constant 5.000000e-01 : f32
        %mul3A_417 = arith.mulf %mul3A_416, %get3A_386 : f32
        %sub3A_418 = arith.subf %get3A_370, %mul3A_417 : f32
        %mul3A_419 = arith.constant 5.000000e-01 : f32
        %mul3A_420 = arith.mulf %mul3A_419, %get3A_162 : f32
        %add3A_421 = arith.addf %get3A_146, %mul3A_420 : f32
        %mul3A_422 = arith.constant 5.000000e-01 : f32
        %mul3A_423 = arith.mulf %mul3A_422, %get3A_194 : f32
        %add3A_424 = arith.addf %get3A_178, %mul3A_423 : f32
        %mul3A_425 = arith.constant 5.000000e-01 : f32
        %mul3A_426 = arith.mulf %mul3A_425, %get3A_226 : f32
        %add3A_427 = arith.addf %get3A_210, %mul3A_426 : f32
        %mul3A_428 = arith.constant 5.000000e-01 : f32
        %mul3A_429 = arith.mulf %mul3A_428, %get3A_258 : f32
        %add3A_430 = arith.addf %get3A_242, %mul3A_429 : f32
        %mul3A_431 = arith.constant 5.000000e-01 : f32
        %mul3A_432 = arith.mulf %mul3A_431, %get3A_290 : f32
        %add3A_433 = arith.addf %get3A_274, %mul3A_432 : f32
        %mul3A_434 = arith.constant 5.000000e-01 : f32
        %mul3A_435 = arith.mulf %mul3A_434, %get3A_322 : f32
        %add3A_436 = arith.addf %get3A_306, %mul3A_435 : f32
        %mul3A_437 = arith.constant 5.000000e-01 : f32
        %mul3A_438 = arith.mulf %mul3A_437, %get3A_354 : f32
        %add3A_439 = arith.addf %get3A_338, %mul3A_438 : f32
        %mul3A_440 = arith.constant 5.000000e-01 : f32
        %mul3A_441 = arith.mulf %mul3A_440, %get3A_386 : f32
        %add3A_442 = arith.addf %get3A_370, %mul3A_441 : f32
        %mul3A_443 = arith.constant 5.000000e-01 : f32
        %mul3A_444 = arith.mulf %mul3A_443, %get3A_170 : f32
        %sub3A_445 = arith.subf %get3A_154, %mul3A_444 : f32
        %mul3A_446 = arith.constant 5.000000e-01 : f32
        %mul3A_447 = arith.mulf %mul3A_446, %get3A_202 : f32
        %sub3A_448 = arith.subf %get3A_186, %mul3A_447 : f32
        %mul3A_449 = arith.constant 5.000000e-01 : f32
        %mul3A_450 = arith.mulf %mul3A_449, %get3A_234 : f32
        %sub3A_451 = arith.subf %get3A_218, %mul3A_450 : f32
        %mul3A_452 = arith.constant 5.000000e-01 : f32
        %mul3A_453 = arith.mulf %mul3A_452, %get3A_266 : f32
        %sub3A_454 = arith.subf %get3A_250, %mul3A_453 : f32
        %mul3A_455 = arith.constant 5.000000e-01 : f32
        %mul3A_456 = arith.mulf %mul3A_455, %get3A_298 : f32
        %sub3A_457 = arith.subf %get3A_282, %mul3A_456 : f32
        %mul3A_458 = arith.constant 5.000000e-01 : f32
        %mul3A_459 = arith.mulf %mul3A_458, %get3A_330 : f32
        %sub3A_460 = arith.subf %get3A_314, %mul3A_459 : f32
        %mul3A_461 = arith.constant 5.000000e-01 : f32
        %mul3A_462 = arith.mulf %mul3A_461, %get3A_362 : f32
        %sub3A_463 = arith.subf %get3A_346, %mul3A_462 : f32
        %mul3A_464 = arith.constant 5.000000e-01 : f32
        %mul3A_465 = arith.mulf %mul3A_464, %get3A_394 : f32
        %sub3A_466 = arith.subf %get3A_378, %mul3A_465 : f32
        %mul3A_467 = arith.constant 5.000000e-01 : f32
        %mul3A_468 = arith.mulf %mul3A_467, %get3A_170 : f32
        %add3A_469 = arith.addf %get3A_154, %mul3A_468 : f32
        %mul3A_470 = arith.constant 5.000000e-01 : f32
        %mul3A_471 = arith.mulf %mul3A_470, %get3A_202 : f32
        %add3A_472 = arith.addf %get3A_186, %mul3A_471 : f32
        %mul3A_473 = arith.constant 5.000000e-01 : f32
        %mul3A_474 = arith.mulf %mul3A_473, %get3A_234 : f32
        %add3A_475 = arith.addf %get3A_218, %mul3A_474 : f32
        %mul3A_476 = arith.constant 5.000000e-01 : f32
        %mul3A_477 = arith.mulf %mul3A_476, %get3A_266 : f32
        %add3A_478 = arith.addf %get3A_250, %mul3A_477 : f32
        %mul3A_479 = arith.constant 5.000000e-01 : f32
        %mul3A_480 = arith.mulf %mul3A_479, %get3A_298 : f32
        %add3A_481 = arith.addf %get3A_282, %mul3A_480 : f32
        %mul3A_482 = arith.constant 5.000000e-01 : f32
        %mul3A_483 = arith.mulf %mul3A_482, %get3A_330 : f32
        %add3A_484 = arith.addf %get3A_314, %mul3A_483 : f32
        %mul3A_485 = arith.constant 5.000000e-01 : f32
        %mul3A_486 = arith.mulf %mul3A_485, %get3A_362 : f32
        %add3A_487 = arith.addf %get3A_346, %mul3A_486 : f32
        %mul3A_488 = arith.constant 5.000000e-01 : f32
        %mul3A_489 = arith.mulf %mul3A_488, %get3A_394 : f32
        %add3A_490 = arith.addf %get3A_378, %mul3A_489 : f32
        %sub3A_491 = arith.subf %add3A_421, %sub3A_397 : f32
        %sub3A_492 = arith.subf %add3A_469, %sub3A_445 : f32
        %mul3A_493 = arith.mulf %sub3A_491, %sub3A_492 : f32
        %sub3A_494 = arith.subf %add3A_424, %sub3A_400 : f32
        %sub3A_495 = arith.subf %add3A_472, %sub3A_448 : f32
        %mul3A_496 = arith.mulf %sub3A_494, %sub3A_495 : f32
        %sub3A_497 = arith.subf %add3A_427, %sub3A_403 : f32
        %sub3A_498 = arith.subf %add3A_475, %sub3A_451 : f32
        %mul3A_499 = arith.mulf %sub3A_497, %sub3A_498 : f32
        %sub3A_500 = arith.subf %add3A_430, %sub3A_406 : f32
        %sub3A_501 = arith.subf %add3A_478, %sub3A_454 : f32
        %mul3A_502 = arith.mulf %sub3A_500, %sub3A_501 : f32
        %sub3A_503 = arith.subf %add3A_433, %sub3A_409 : f32
        %sub3A_504 = arith.subf %add3A_481, %sub3A_457 : f32
        %mul3A_505 = arith.mulf %sub3A_503, %sub3A_504 : f32
        %sub3A_506 = arith.subf %add3A_436, %sub3A_412 : f32
        %sub3A_507 = arith.subf %add3A_484, %sub3A_460 : f32
        %mul3A_508 = arith.mulf %sub3A_506, %sub3A_507 : f32
        %sub3A_509 = arith.subf %add3A_439, %sub3A_415 : f32
        %sub3A_510 = arith.subf %add3A_487, %sub3A_463 : f32
        %mul3A_511 = arith.mulf %sub3A_509, %sub3A_510 : f32
        %sub3A_512 = arith.subf %add3A_442, %sub3A_418 : f32
        %sub3A_513 = arith.subf %add3A_490, %sub3A_466 : f32
        %mul3A_514 = arith.mulf %sub3A_512, %sub3A_513 : f32
        %shift_right_logical3A_515 = arith.constant 0 : i32
        %shift_right_logical3A_516 = arith.shrui %convert_element_type3A_134, %shift_right_logical3A_515 : i32
        %and3A_517 = arith.constant 1 : i32
        %and3A_518 = arith.andi %shift_right_logical3A_516, %and3A_517 : i32
        %shift_right_logical3A_519 = arith.constant 1 : i32
        %shift_right_logical3A_520 = arith.shrui %convert_element_type3A_134, %shift_right_logical3A_519 : i32
        %and3A_521 = arith.constant 1 : i32
        %and3A_522 = arith.andi %shift_right_logical3A_520, %and3A_521 : i32
        %shift_right_logical3A_523 = arith.constant 2 : i32
        %shift_right_logical3A_524 = arith.shrui %convert_element_type3A_134, %shift_right_logical3A_523 : i32
        %and3A_525 = arith.constant 1 : i32
        %and3A_526 = arith.andi %shift_right_logical3A_524, %and3A_525 : i32
        %shift_right_logical3A_527 = arith.constant 3 : i32
        %shift_right_logical3A_528 = arith.shrui %convert_element_type3A_134, %shift_right_logical3A_527 : i32
        %and3A_529 = arith.constant 1 : i32
        %and3A_530 = arith.andi %shift_right_logical3A_528, %and3A_529 : i32
        %shift_right_logical3A_531 = arith.constant 4 : i32
        %shift_right_logical3A_532 = arith.shrui %convert_element_type3A_134, %shift_right_logical3A_531 : i32
        %and3A_533 = arith.constant 1 : i32
        %and3A_534 = arith.andi %shift_right_logical3A_532, %and3A_533 : i32
        %shift_right_logical3A_535 = arith.constant 5 : i32
        %shift_right_logical3A_536 = arith.shrui %convert_element_type3A_134, %shift_right_logical3A_535 : i32
        %and3A_537 = arith.constant 1 : i32
        %and3A_538 = arith.andi %shift_right_logical3A_536, %and3A_537 : i32
        %shift_right_logical3A_539 = arith.constant 6 : i32
        %shift_right_logical3A_540 = arith.shrui %convert_element_type3A_134, %shift_right_logical3A_539 : i32
        %and3A_541 = arith.constant 1 : i32
        %and3A_542 = arith.andi %shift_right_logical3A_540, %and3A_541 : i32
        %shift_right_logical3A_543 = arith.constant 7 : i32
        %shift_right_logical3A_544 = arith.shrui %convert_element_type3A_134, %shift_right_logical3A_543 : i32
        %and3A_545 = arith.constant 1 : i32
        %and3A_546 = arith.andi %shift_right_logical3A_544, %and3A_545 : i32
        %add3A_547 = arith.constant 0 : i32
        %add3A_548 = arith.addi %mul3A_119, %add3A_547 : i32
        %eq3A = arith.constant 0 : i32
        %eq3A_549 = arith.cmpi eq, %and3A_518, %eq3A : i32
        %lt3A_550 = arith.cmpi slt, %add3A_548, %get3A_0 : i32
        %and3A_551 = arith.andi %eq3A_549, %lt3A_550 : i1
        %min3A = arith.minimumf %add3A_421, %add3A_424 : f32
        %max3A = arith.maximumf %sub3A_397, %sub3A_400 : f32
        %sub3A_552 = arith.subf %min3A, %max3A : f32
        %min3A_553 = arith.minimumf %add3A_469, %add3A_472 : f32
        %max3A_554 = arith.maximumf %sub3A_445, %sub3A_448 : f32
        %sub3A_555 = arith.subf %min3A_553, %max3A_554 : f32
        %max3A_556 = arith.constant 0.000000e+00 : f32
        %max3A_557 = arith.maximumf %sub3A_552, %max3A_556 : f32
        %max3A_558 = arith.constant 0.000000e+00 : f32
        %max3A_559 = arith.maximumf %sub3A_555, %max3A_558 : f32
        %mul3A_560 = arith.mulf %max3A_557, %max3A_559 : f32
        %add3A_561 = arith.addf %mul3A_493, %mul3A_496 : f32
        %sub3A_562 = arith.subf %add3A_561, %mul3A_560 : f32
        %mul3A_563 = arith.mulf %while3A, %sub3A_562 : f32
        %gt3A = arith.cmpf ogt, %mul3A_560, %mul3A_563 : f32
        %and3A_564 = arith.andi %and3A_551, %gt3A : i1
        %convert_element_type3A_565 = arith.extui %and3A_564 : i1 to i32
        %or3A = arith.ori %and3A_522, %convert_element_type3A_565 : i32
        %min3A_566 = arith.minimumf %add3A_421, %add3A_427 : f32
        %max3A_567 = arith.maximumf %sub3A_397, %sub3A_403 : f32
        %sub3A_568 = arith.subf %min3A_566, %max3A_567 : f32
        %min3A_569 = arith.minimumf %add3A_469, %add3A_475 : f32
        %max3A_570 = arith.maximumf %sub3A_445, %sub3A_451 : f32
        %sub3A_571 = arith.subf %min3A_569, %max3A_570 : f32
        %max3A_572 = arith.constant 0.000000e+00 : f32
        %max3A_573 = arith.maximumf %sub3A_568, %max3A_572 : f32
        %max3A_574 = arith.constant 0.000000e+00 : f32
        %max3A_575 = arith.maximumf %sub3A_571, %max3A_574 : f32
        %mul3A_576 = arith.mulf %max3A_573, %max3A_575 : f32
        %add3A_577 = arith.addf %mul3A_493, %mul3A_499 : f32
        %sub3A_578 = arith.subf %add3A_577, %mul3A_576 : f32
        %mul3A_579 = arith.mulf %while3A, %sub3A_578 : f32
        %gt3A_580 = arith.cmpf ogt, %mul3A_576, %mul3A_579 : f32
        %and3A_581 = arith.andi %and3A_551, %gt3A_580 : i1
        %convert_element_type3A_582 = arith.extui %and3A_581 : i1 to i32
        %or3A_583 = arith.ori %and3A_526, %convert_element_type3A_582 : i32
        %min3A_584 = arith.minimumf %add3A_421, %add3A_430 : f32
        %max3A_585 = arith.maximumf %sub3A_397, %sub3A_406 : f32
        %sub3A_586 = arith.subf %min3A_584, %max3A_585 : f32
        %min3A_587 = arith.minimumf %add3A_469, %add3A_478 : f32
        %max3A_588 = arith.maximumf %sub3A_445, %sub3A_454 : f32
        %sub3A_589 = arith.subf %min3A_587, %max3A_588 : f32
        %max3A_590 = arith.constant 0.000000e+00 : f32
        %max3A_591 = arith.maximumf %sub3A_586, %max3A_590 : f32
        %max3A_592 = arith.constant 0.000000e+00 : f32
        %max3A_593 = arith.maximumf %sub3A_589, %max3A_592 : f32
        %mul3A_594 = arith.mulf %max3A_591, %max3A_593 : f32
        %add3A_595 = arith.addf %mul3A_493, %mul3A_502 : f32
        %sub3A_596 = arith.subf %add3A_595, %mul3A_594 : f32
        %mul3A_597 = arith.mulf %while3A, %sub3A_596 : f32
        %gt3A_598 = arith.cmpf ogt, %mul3A_594, %mul3A_597 : f32
        %and3A_599 = arith.andi %and3A_551, %gt3A_598 : i1
        %convert_element_type3A_600 = arith.extui %and3A_599 : i1 to i32
        %or3A_601 = arith.ori %and3A_530, %convert_element_type3A_600 : i32
        %min3A_602 = arith.minimumf %add3A_421, %add3A_433 : f32
        %max3A_603 = arith.maximumf %sub3A_397, %sub3A_409 : f32
        %sub3A_604 = arith.subf %min3A_602, %max3A_603 : f32
        %min3A_605 = arith.minimumf %add3A_469, %add3A_481 : f32
        %max3A_606 = arith.maximumf %sub3A_445, %sub3A_457 : f32
        %sub3A_607 = arith.subf %min3A_605, %max3A_606 : f32
        %max3A_608 = arith.constant 0.000000e+00 : f32
        %max3A_609 = arith.maximumf %sub3A_604, %max3A_608 : f32
        %max3A_610 = arith.constant 0.000000e+00 : f32
        %max3A_611 = arith.maximumf %sub3A_607, %max3A_610 : f32
        %mul3A_612 = arith.mulf %max3A_609, %max3A_611 : f32
        %add3A_613 = arith.addf %mul3A_493, %mul3A_505 : f32
        %sub3A_614 = arith.subf %add3A_613, %mul3A_612 : f32
        %mul3A_615 = arith.mulf %while3A, %sub3A_614 : f32
        %gt3A_616 = arith.cmpf ogt, %mul3A_612, %mul3A_615 : f32
        %and3A_617 = arith.andi %and3A_551, %gt3A_616 : i1
        %convert_element_type3A_618 = arith.extui %and3A_617 : i1 to i32
        %or3A_619 = arith.ori %and3A_534, %convert_element_type3A_618 : i32
        %min3A_620 = arith.minimumf %add3A_421, %add3A_436 : f32
        %max3A_621 = arith.maximumf %sub3A_397, %sub3A_412 : f32
        %sub3A_622 = arith.subf %min3A_620, %max3A_621 : f32
        %min3A_623 = arith.minimumf %add3A_469, %add3A_484 : f32
        %max3A_624 = arith.maximumf %sub3A_445, %sub3A_460 : f32
        %sub3A_625 = arith.subf %min3A_623, %max3A_624 : f32
        %max3A_626 = arith.constant 0.000000e+00 : f32
        %max3A_627 = arith.maximumf %sub3A_622, %max3A_626 : f32
        %max3A_628 = arith.constant 0.000000e+00 : f32
        %max3A_629 = arith.maximumf %sub3A_625, %max3A_628 : f32
        %mul3A_630 = arith.mulf %max3A_627, %max3A_629 : f32
        %add3A_631 = arith.addf %mul3A_493, %mul3A_508 : f32
        %sub3A_632 = arith.subf %add3A_631, %mul3A_630 : f32
        %mul3A_633 = arith.mulf %while3A, %sub3A_632 : f32
        %gt3A_634 = arith.cmpf ogt, %mul3A_630, %mul3A_633 : f32
        %and3A_635 = arith.andi %and3A_551, %gt3A_634 : i1
        %convert_element_type3A_636 = arith.extui %and3A_635 : i1 to i32
        %or3A_637 = arith.ori %and3A_538, %convert_element_type3A_636 : i32
        %min3A_638 = arith.minimumf %add3A_421, %add3A_439 : f32
        %max3A_639 = arith.maximumf %sub3A_397, %sub3A_415 : f32
        %sub3A_640 = arith.subf %min3A_638, %max3A_639 : f32
        %min3A_641 = arith.minimumf %add3A_469, %add3A_487 : f32
        %max3A_642 = arith.maximumf %sub3A_445, %sub3A_463 : f32
        %sub3A_643 = arith.subf %min3A_641, %max3A_642 : f32
        %max3A_644 = arith.constant 0.000000e+00 : f32
        %max3A_645 = arith.maximumf %sub3A_640, %max3A_644 : f32
        %max3A_646 = arith.constant 0.000000e+00 : f32
        %max3A_647 = arith.maximumf %sub3A_643, %max3A_646 : f32
        %mul3A_648 = arith.mulf %max3A_645, %max3A_647 : f32
        %add3A_649 = arith.addf %mul3A_493, %mul3A_511 : f32
        %sub3A_650 = arith.subf %add3A_649, %mul3A_648 : f32
        %mul3A_651 = arith.mulf %while3A, %sub3A_650 : f32
        %gt3A_652 = arith.cmpf ogt, %mul3A_648, %mul3A_651 : f32
        %and3A_653 = arith.andi %and3A_551, %gt3A_652 : i1
        %convert_element_type3A_654 = arith.extui %and3A_653 : i1 to i32
        %or3A_655 = arith.ori %and3A_542, %convert_element_type3A_654 : i32
        %min3A_656 = arith.minimumf %add3A_421, %add3A_442 : f32
        %max3A_657 = arith.maximumf %sub3A_397, %sub3A_418 : f32
        %sub3A_658 = arith.subf %min3A_656, %max3A_657 : f32
        %min3A_659 = arith.minimumf %add3A_469, %add3A_490 : f32
        %max3A_660 = arith.maximumf %sub3A_445, %sub3A_466 : f32
        %sub3A_661 = arith.subf %min3A_659, %max3A_660 : f32
        %max3A_662 = arith.constant 0.000000e+00 : f32
        %max3A_663 = arith.maximumf %sub3A_658, %max3A_662 : f32
        %max3A_664 = arith.constant 0.000000e+00 : f32
        %max3A_665 = arith.maximumf %sub3A_661, %max3A_664 : f32
        %mul3A_666 = arith.mulf %max3A_663, %max3A_665 : f32
        %add3A_667 = arith.addf %mul3A_493, %mul3A_514 : f32
        %sub3A_668 = arith.subf %add3A_667, %mul3A_666 : f32
        %mul3A_669 = arith.mulf %while3A, %sub3A_668 : f32
        %gt3A_670 = arith.cmpf ogt, %mul3A_666, %mul3A_669 : f32
        %and3A_671 = arith.andi %and3A_551, %gt3A_670 : i1
        %convert_element_type3A_672 = arith.extui %and3A_671 : i1 to i32
        %or3A_673 = arith.ori %and3A_546, %convert_element_type3A_672 : i32
        %convert_element_type3A_674 = arith.extui %and3A_551 : i1 to i32
        %cond3A_675 = arith.constant 0 : i32
        %cond3A_676 = arith.cmpi ne, %convert_element_type3A_674, %cond3A_675 : i32
        scf.if %cond3A_676 {
          %get3A_1118 = arith.constant 1 : index
          %get3A_1119 = arith.constant 0 : index
          %get3A_1120 = arith.constant 0 : index
          %get3A_1121 = vector.load %arg9[%get3A_1118, %get3A_1119, %get3A_1120] : memref<5x32x128xf32, #tpu.memory_space<vmem>>, vector<1x32x128xf32>
          %get3A_1122 = vector.shape_cast %get3A_1121 : vector<1x32x128xf32> to vector<32x128xf32>
          %min3A_1123 = vector.broadcast %add3A_421 : f32 to vector<32x128xf32>
          %min3A_1124 = arith.minimumf %get3A_1122, %min3A_1123 : vector<32x128xf32>
          %get3A_1125 = arith.constant 0 : index
          %get3A_1126 = arith.constant 0 : index
          %get3A_1127 = arith.constant 0 : index
          %get3A_1128 = vector.load %arg9[%get3A_1125, %get3A_1126, %get3A_1127] : memref<5x32x128xf32, #tpu.memory_space<vmem>>, vector<1x32x128xf32>
          %get3A_1129 = vector.shape_cast %get3A_1128 : vector<1x32x128xf32> to vector<32x128xf32>
          %max3A_1130 = vector.broadcast %sub3A_397 : f32 to vector<32x128xf32>
          %max3A_1131 = arith.maximumf %get3A_1129, %max3A_1130 : vector<32x128xf32>
          %sub3A_1132 = arith.subf %min3A_1124, %max3A_1131 : vector<32x128xf32>
          %max3A_1133 = arith.constant 0.000000e+00 : f32
          %max3A_1134 = vector.broadcast %max3A_1133 : f32 to vector<32x128xf32>
          %max3A_1135 = arith.maximumf %sub3A_1132, %max3A_1134 : vector<32x128xf32>
          %get3A_1136 = arith.constant 3 : index
          %get3A_1137 = arith.constant 0 : index
          %get3A_1138 = arith.constant 0 : index
          %get3A_1139 = vector.load %arg9[%get3A_1136, %get3A_1137, %get3A_1138] : memref<5x32x128xf32, #tpu.memory_space<vmem>>, vector<1x32x128xf32>
          %get3A_1140 = vector.shape_cast %get3A_1139 : vector<1x32x128xf32> to vector<32x128xf32>
          %min3A_1141 = vector.broadcast %add3A_469 : f32 to vector<32x128xf32>
          %min3A_1142 = arith.minimumf %get3A_1140, %min3A_1141 : vector<32x128xf32>
          %get3A_1143 = arith.constant 2 : index
          %get3A_1144 = arith.constant 0 : index
          %get3A_1145 = arith.constant 0 : index
          %get3A_1146 = vector.load %arg9[%get3A_1143, %get3A_1144, %get3A_1145] : memref<5x32x128xf32, #tpu.memory_space<vmem>>, vector<1x32x128xf32>
          %get3A_1147 = vector.shape_cast %get3A_1146 : vector<1x32x128xf32> to vector<32x128xf32>
          %max3A_1148 = vector.broadcast %sub3A_445 : f32 to vector<32x128xf32>
          %max3A_1149 = arith.maximumf %get3A_1147, %max3A_1148 : vector<32x128xf32>
          %sub3A_1150 = arith.subf %min3A_1142, %max3A_1149 : vector<32x128xf32>
          %max3A_1151 = arith.constant 0.000000e+00 : f32
          %max3A_1152 = vector.broadcast %max3A_1151 : f32 to vector<32x128xf32>
          %max3A_1153 = arith.maximumf %sub3A_1150, %max3A_1152 : vector<32x128xf32>
          %mul3A_1154 = arith.mulf %max3A_1135, %max3A_1153 : vector<32x128xf32>
          %get3A_1155 = arith.constant 4 : index
          %get3A_1156 = arith.constant 0 : index
          %get3A_1157 = arith.constant 0 : index
          %get3A_1158 = vector.load %arg9[%get3A_1155, %get3A_1156, %get3A_1157] : memref<5x32x128xf32, #tpu.memory_space<vmem>>, vector<1x32x128xf32>
          %get3A_1159 = vector.shape_cast %get3A_1158 : vector<1x32x128xf32> to vector<32x128xf32>
          %add3A_1160 = vector.broadcast %mul3A_493 : f32 to vector<32x128xf32>
          %add3A_1161 = arith.addf %get3A_1159, %add3A_1160 : vector<32x128xf32>
          %sub3A_1162 = arith.subf %add3A_1161, %mul3A_1154 : vector<32x128xf32>
          %mul3A_1163 = vector.broadcast %while3A : f32 to vector<32x128xf32>
          %mul3A_1164 = arith.mulf %mul3A_1163, %sub3A_1162 : vector<32x128xf32>
          %gt3A_1165 = arith.cmpf ogt, %mul3A_1154, %mul3A_1164 : vector<32x128xf32>
          %gt3A_1166 = vector.broadcast %add3A_548 : i32 to vector<32x128xi32>
          %gt3A_1167 = arith.cmpi sgt, %add3A_97, %gt3A_1166 : vector<32x128xi32>
          %and3A_1168 = arith.andi %gt3A_1165, %gt3A_1167 : vector<32x128xi1>
          %get3A_1169 = arith.constant 0 : index
          %get3A_1170 = arith.constant 0 : index
          %get3A_1171 = vector.load %arg8[%get3A_1169, %get3A_1170] : memref<32x128xf32, #tpu.memory_space<vmem>>, vector<32x128xf32>
          %convert_element_type3A_1172 = arith.extui %and3A_1168 : vector<32x128xi1> to vector<32x128xi32>
          %convert_element_type3A_1173 = arith.sitofp %convert_element_type3A_1172 : vector<32x128xi32> to vector<32x128xf32>
          %max3A_1174 = arith.maximumf %get3A_1171, %convert_element_type3A_1173 : vector<32x128xf32>
          %swap3A_1175 = arith.constant 0 : index
          %swap3A_1176 = arith.constant 0 : index
          %swap3A_1177 = vector.load %arg8[%swap3A_1175, %swap3A_1176] : memref<32x128xf32, #tpu.memory_space<vmem>>, vector<32x128xf32>
          tpu.vector_store %arg8[%swap3A_1175, %swap3A_1176], %max3A_1174 {strides = array<i32>} : memref<32x128xf32, #tpu.memory_space<vmem>>, vector<32x128xf32>,
          %get3A_1178 = arith.constant 0 : index
          %get3A_1179 = memref.load %arg10[%get3A_1178] : memref<1xi32, #tpu.memory_space<smem>>
          %lt3A_1180 = arith.constant 500 : i32
          %lt3A_1181 = arith.cmpi slt, %get3A_1179, %lt3A_1180 : i32
          %convert_element_type3A_1182 = arith.extui %lt3A_1181 : i1 to i32
          %cond3A_1183 = arith.constant 0 : i32
          %cond3A_1184 = arith.cmpi ne, %convert_element_type3A_1182, %cond3A_1183 : i32
          scf.if %cond3A_1184 {
            %get3A_1189 = arith.constant 0 : index
            %get3A_1190 = arith.index_cast %add3A_548 : i32 to index
            %get3A_1191 = arith.constant 0 : index
            %get3A_1192 = vector.load %arg2[%get3A_1189, %get3A_1190, %get3A_1191] : memref<1x4096x16xf32, #tpu.memory_space<vmem>>, vector<1x1x16xf32>
            %get3A_1193 = vector.shape_cast %get3A_1192 : vector<1x1x16xf32> to vector<1x16xf32>
            %swap3A_1194 = arith.constant 0 : index
            %swap3A_1195 = arith.index_cast %get3A_1179 : i32 to index
            %swap3A_1196 = arith.constant 0 : index
            %swap3A_1197 = vector.load %arg6[%swap3A_1194, %swap3A_1195, %swap3A_1196] : memref<1x512x16xf32, #tpu.memory_space<vmem>>, vector<1x1x16xf32>
            %swap3A_1198 = vector.shape_cast %swap3A_1197 : vector<1x1x16xf32> to vector<1x16xf32>
            %swap3A_1199 = vector.shape_cast %get3A_1193 : vector<1x16xf32> to vector<1x1x16xf32>
            tpu.vector_store %arg6[%swap3A_1194, %swap3A_1195, %swap3A_1196], %swap3A_1199 {strides = array<i32>} : memref<1x512x16xf32, #tpu.memory_space<vmem>>, vector<1x1x16xf32>,
            %get3A_1200 = arith.constant 0 : index
            %get3A_1201 = arith.index_cast %add3A_548 : i32 to index
            %get3A_1202 = arith.constant 0 : index
            %get3A_1203 = vector.load %arg5[%get3A_1200, %get3A_1201, %get3A_1202] : memref<1x4096x1xi32, #tpu.memory_space<vmem>>, vector<1x1x1xi32>
            %get3A_1204 = vector.shape_cast %get3A_1203 : vector<1x1x1xi32> to vector<1x1xi32>
            %swap3A_1205 = arith.constant 0 : index
            %swap3A_1206 = arith.index_cast %get3A_1179 : i32 to index
            %swap3A_1207 = arith.constant 0 : index
            %swap3A_1208 = vector.load %arg7[%swap3A_1205, %swap3A_1206, %swap3A_1207] : memref<1x512x1xi32, #tpu.memory_space<vmem>>, vector<1x1x1xi32>
            %swap3A_1209 = vector.shape_cast %swap3A_1208 : vector<1x1x1xi32> to vector<1x1xi32>
            %swap3A_1210 = vector.shape_cast %get3A_1204 : vector<1x1xi32> to vector<1x1x1xi32>
            tpu.vector_store %arg7[%swap3A_1205, %swap3A_1206, %swap3A_1207], %swap3A_1210 {strides = array<i32>} : memref<1x512x1xi32, #tpu.memory_space<vmem>>, vector<1x1x1xi32>,
          } else {
          }
          %add3A_1185 = arith.constant 1 : i32
          %add3A_1186 = arith.addi %get3A_1179, %add3A_1185 : i32
          %swap3A_1187 = arith.constant 0 : index
          %swap3A_1188 = memref.load %arg10[%swap3A_1187] : memref<1xi32, #tpu.memory_space<smem>>
          memref.store %add3A_1186, %arg10[%swap3A_1187] : memref<1xi32, #tpu.memory_space<smem>>
        } else {
        }
        %add3A_677 = arith.constant 1 : i32
        %add3A_678 = arith.addi %mul3A_119, %add3A_677 : i32
        %eq3A_679 = arith.constant 0 : i32
        %eq3A_680 = arith.cmpi eq, %or3A, %eq3A_679 : i32
        %lt3A_681 = arith.cmpi slt, %add3A_678, %get3A_0 : i32
        %and3A_682 = arith.andi %eq3A_680, %lt3A_681 : i1
        %min3A_683 = arith.minimumf %add3A_424, %add3A_427 : f32
        %max3A_684 = arith.maximumf %sub3A_400, %sub3A_403 : f32
        %sub3A_685 = arith.subf %min3A_683, %max3A_684 : f32
        %min3A_686 = arith.minimumf %add3A_472, %add3A_475 : f32
        %max3A_687 = arith.maximumf %sub3A_448, %sub3A_451 : f32
        %sub3A_688 = arith.subf %min3A_686, %max3A_687 : f32
        %max3A_689 = arith.constant 0.000000e+00 : f32
        %max3A_690 = arith.maximumf %sub3A_685, %max3A_689 : f32
        %max3A_691 = arith.constant 0.000000e+00 : f32
        %max3A_692 = arith.maximumf %sub3A_688, %max3A_691 : f32
        %mul3A_693 = arith.mulf %max3A_690, %max3A_692 : f32
        %add3A_694 = arith.addf %mul3A_496, %mul3A_499 : f32
        %sub3A_695 = arith.subf %add3A_694, %mul3A_693 : f32
        %mul3A_696 = arith.mulf %while3A, %sub3A_695 : f32
        %gt3A_697 = arith.cmpf ogt, %mul3A_693, %mul3A_696 : f32
        %and3A_698 = arith.andi %and3A_682, %gt3A_697 : i1
        %convert_element_type3A_699 = arith.extui %and3A_698 : i1 to i32
        %or3A_700 = arith.ori %or3A_583, %convert_element_type3A_699 : i32
        %min3A_701 = arith.minimumf %add3A_424, %add3A_430 : f32
        %max3A_702 = arith.maximumf %sub3A_400, %sub3A_406 : f32
        %sub3A_703 = arith.subf %min3A_701, %max3A_702 : f32
        %min3A_704 = arith.minimumf %add3A_472, %add3A_478 : f32
        %max3A_705 = arith.maximumf %sub3A_448, %sub3A_454 : f32
        %sub3A_706 = arith.subf %min3A_704, %max3A_705 : f32
        %max3A_707 = arith.constant 0.000000e+00 : f32
        %max3A_708 = arith.maximumf %sub3A_703, %max3A_707 : f32
        %max3A_709 = arith.constant 0.000000e+00 : f32
        %max3A_710 = arith.maximumf %sub3A_706, %max3A_709 : f32
        %mul3A_711 = arith.mulf %max3A_708, %max3A_710 : f32
        %add3A_712 = arith.addf %mul3A_496, %mul3A_502 : f32
        %sub3A_713 = arith.subf %add3A_712, %mul3A_711 : f32
        %mul3A_714 = arith.mulf %while3A, %sub3A_713 : f32
        %gt3A_715 = arith.cmpf ogt, %mul3A_711, %mul3A_714 : f32
        %and3A_716 = arith.andi %and3A_682, %gt3A_715 : i1
        %convert_element_type3A_717 = arith.extui %and3A_716 : i1 to i32
        %or3A_718 = arith.ori %or3A_601, %convert_element_type3A_717 : i32
        %min3A_719 = arith.minimumf %add3A_424, %add3A_433 : f32
        %max3A_720 = arith.maximumf %sub3A_400, %sub3A_409 : f32
        %sub3A_721 = arith.subf %min3A_719, %max3A_720 : f32
        %min3A_722 = arith.minimumf %add3A_472, %add3A_481 : f32
        %max3A_723 = arith.maximumf %sub3A_448, %sub3A_457 : f32
        %sub3A_724 = arith.subf %min3A_722, %max3A_723 : f32
        %max3A_725 = arith.constant 0.000000e+00 : f32
        %max3A_726 = arith.maximumf %sub3A_721, %max3A_725 : f32
        %max3A_727 = arith.constant 0.000000e+00 : f32
        %max3A_728 = arith.maximumf %sub3A_724, %max3A_727 : f32
        %mul3A_729 = arith.mulf %max3A_726, %max3A_728 : f32
        %add3A_730 = arith.addf %mul3A_496, %mul3A_505 : f32
        %sub3A_731 = arith.subf %add3A_730, %mul3A_729 : f32
        %mul3A_732 = arith.mulf %while3A, %sub3A_731 : f32
        %gt3A_733 = arith.cmpf ogt, %mul3A_729, %mul3A_732 : f32
        %and3A_734 = arith.andi %and3A_682, %gt3A_733 : i1
        %convert_element_type3A_735 = arith.extui %and3A_734 : i1 to i32
        %or3A_736 = arith.ori %or3A_619, %convert_element_type3A_735 : i32
        %min3A_737 = arith.minimumf %add3A_424, %add3A_436 : f32
        %max3A_738 = arith.maximumf %sub3A_400, %sub3A_412 : f32
        %sub3A_739 = arith.subf %min3A_737, %max3A_738 : f32
        %min3A_740 = arith.minimumf %add3A_472, %add3A_484 : f32
        %max3A_741 = arith.maximumf %sub3A_448, %sub3A_460 : f32
        %sub3A_742 = arith.subf %min3A_740, %max3A_741 : f32
        %max3A_743 = arith.constant 0.000000e+00 : f32
        %max3A_744 = arith.maximumf %sub3A_739, %max3A_743 : f32
        %max3A_745 = arith.constant 0.000000e+00 : f32
        %max3A_746 = arith.maximumf %sub3A_742, %max3A_745 : f32
        %mul3A_747 = arith.mulf %max3A_744, %max3A_746 : f32
        %add3A_748 = arith.addf %mul3A_496, %mul3A_508 : f32
        %sub3A_749 = arith.subf %add3A_748, %mul3A_747 : f32
        %mul3A_750 = arith.mulf %while3A, %sub3A_749 : f32
        %gt3A_751 = arith.cmpf ogt, %mul3A_747, %mul3A_750 : f32
        %and3A_752 = arith.andi %and3A_682, %gt3A_751 : i1
        %convert_element_type3A_753 = arith.extui %and3A_752 : i1 to i32
        %or3A_754 = arith.ori %or3A_637, %convert_element_type3A_753 : i32
        %min3A_755 = arith.minimumf %add3A_424, %add3A_439 : f32
        %max3A_756 = arith.maximumf %sub3A_400, %sub3A_415 : f32
        %sub3A_757 = arith.subf %min3A_755, %max3A_756 : f32
        %min3A_758 = arith.minimumf %add3A_472, %add3A_487 : f32
        %max3A_759 = arith.maximumf %sub3A_448, %sub3A_463 : f32
        %sub3A_760 = arith.subf %min3A_758, %max3A_759 : f32
        %max3A_761 = arith.constant 0.000000e+00 : f32
        %max3A_762 = arith.maximumf %sub3A_757, %max3A_761 : f32
        %max3A_763 = arith.constant 0.000000e+00 : f32
        %max3A_764 = arith.maximumf %sub3A_760, %max3A_763 : f32
        %mul3A_765 = arith.mulf %max3A_762, %max3A_764 : f32
        %add3A_766 = arith.addf %mul3A_496, %mul3A_511 : f32
        %sub3A_767 = arith.subf %add3A_766, %mul3A_765 : f32
        %mul3A_768 = arith.mulf %while3A, %sub3A_767 : f32
        %gt3A_769 = arith.cmpf ogt, %mul3A_765, %mul3A_768 : f32
        %and3A_770 = arith.andi %and3A_682, %gt3A_769 : i1
        %convert_element_type3A_771 = arith.extui %and3A_770 : i1 to i32
        %or3A_772 = arith.ori %or3A_655, %convert_element_type3A_771 : i32
        %min3A_773 = arith.minimumf %add3A_424, %add3A_442 : f32
        %max3A_774 = arith.maximumf %sub3A_400, %sub3A_418 : f32
        %sub3A_775 = arith.subf %min3A_773, %max3A_774 : f32
        %min3A_776 = arith.minimumf %add3A_472, %add3A_490 : f32
        %max3A_777 = arith.maximumf %sub3A_448, %sub3A_466 : f32
        %sub3A_778 = arith.subf %min3A_776, %max3A_777 : f32
        %max3A_779 = arith.constant 0.000000e+00 : f32
        %max3A_780 = arith.maximumf %sub3A_775, %max3A_779 : f32
        %max3A_781 = arith.constant 0.000000e+00 : f32
        %max3A_782 = arith.maximumf %sub3A_778, %max3A_781 : f32
        %mul3A_783 = arith.mulf %max3A_780, %max3A_782 : f32
        %add3A_784 = arith.addf %mul3A_496, %mul3A_514 : f32
        %sub3A_785 = arith.subf %add3A_784, %mul3A_783 : f32
        %mul3A_786 = arith.mulf %while3A, %sub3A_785 : f32
        %gt3A_787 = arith.cmpf ogt, %mul3A_783, %mul3A_786 : f32
        %and3A_788 = arith.andi %and3A_682, %gt3A_787 : i1
        %convert_element_type3A_789 = arith.extui %and3A_788 : i1 to i32
        %or3A_790 = arith.ori %or3A_673, %convert_element_type3A_789 : i32
        %convert_element_type3A_791 = arith.extui %and3A_682 : i1 to i32
        %cond3A_792 = arith.constant 0 : i32
        %cond3A_793 = arith.cmpi ne, %convert_element_type3A_791, %cond3A_792 : i32
        scf.if %cond3A_793 {
          %get3A_1118 = arith.constant 1 : index
          %get3A_1119 = arith.constant 0 : index
          %get3A_1120 = arith.constant 0 : index
          %get3A_1121 = vector.load %arg9[%get3A_1118, %get3A_1119, %get3A_1120] : memref<5x32x128xf32, #tpu.memory_space<vmem>>, vector<1x32x128xf32>
          %get3A_1122 = vector.shape_cast %get3A_1121 : vector<1x32x128xf32> to vector<32x128xf32>
          %min3A_1123 = vector.broadcast %add3A_424 : f32 to vector<32x128xf32>
          %min3A_1124 = arith.minimumf %get3A_1122, %min3A_1123 : vector<32x128xf32>
          %get3A_1125 = arith.constant 0 : index
          %get3A_1126 = arith.constant 0 : index
          %get3A_1127 = arith.constant 0 : index
          %get3A_1128 = vector.load %arg9[%get3A_1125, %get3A_1126, %get3A_1127] : memref<5x32x128xf32, #tpu.memory_space<vmem>>, vector<1x32x128xf32>
          %get3A_1129 = vector.shape_cast %get3A_1128 : vector<1x32x128xf32> to vector<32x128xf32>
          %max3A_1130 = vector.broadcast %sub3A_400 : f32 to vector<32x128xf32>
          %max3A_1131 = arith.maximumf %get3A_1129, %max3A_1130 : vector<32x128xf32>
          %sub3A_1132 = arith.subf %min3A_1124, %max3A_1131 : vector<32x128xf32>
          %max3A_1133 = arith.constant 0.000000e+00 : f32
          %max3A_1134 = vector.broadcast %max3A_1133 : f32 to vector<32x128xf32>
          %max3A_1135 = arith.maximumf %sub3A_1132, %max3A_1134 : vector<32x128xf32>
          %get3A_1136 = arith.constant 3 : index
          %get3A_1137 = arith.constant 0 : index
          %get3A_1138 = arith.constant 0 : index
          %get3A_1139 = vector.load %arg9[%get3A_1136, %get3A_1137, %get3A_1138] : memref<5x32x128xf32, #tpu.memory_space<vmem>>, vector<1x32x128xf32>
          %get3A_1140 = vector.shape_cast %get3A_1139 : vector<1x32x128xf32> to vector<32x128xf32>
          %min3A_1141 = vector.broadcast %add3A_472 : f32 to vector<32x128xf32>
          %min3A_1142 = arith.minimumf %get3A_1140, %min3A_1141 : vector<32x128xf32>
          %get3A_1143 = arith.constant 2 : index
          %get3A_1144 = arith.constant 0 : index
          %get3A_1145 = arith.constant 0 : index
          %get3A_1146 = vector.load %arg9[%get3A_1143, %get3A_1144, %get3A_1145] : memref<5x32x128xf32, #tpu.memory_space<vmem>>, vector<1x32x128xf32>
          %get3A_1147 = vector.shape_cast %get3A_1146 : vector<1x32x128xf32> to vector<32x128xf32>
          %max3A_1148 = vector.broadcast %sub3A_448 : f32 to vector<32x128xf32>
          %max3A_1149 = arith.maximumf %get3A_1147, %max3A_1148 : vector<32x128xf32>
          %sub3A_1150 = arith.subf %min3A_1142, %max3A_1149 : vector<32x128xf32>
          %max3A_1151 = arith.constant 0.000000e+00 : f32
          %max3A_1152 = vector.broadcast %max3A_1151 : f32 to vector<32x128xf32>
          %max3A_1153 = arith.maximumf %sub3A_1150, %max3A_1152 : vector<32x128xf32>
          %mul3A_1154 = arith.mulf %max3A_1135, %max3A_1153 : vector<32x128xf32>
          %get3A_1155 = arith.constant 4 : index
          %get3A_1156 = arith.constant 0 : index
          %get3A_1157 = arith.constant 0 : index
          %get3A_1158 = vector.load %arg9[%get3A_1155, %get3A_1156, %get3A_1157] : memref<5x32x128xf32, #tpu.memory_space<vmem>>, vector<1x32x128xf32>
          %get3A_1159 = vector.shape_cast %get3A_1158 : vector<1x32x128xf32> to vector<32x128xf32>
          %add3A_1160 = vector.broadcast %mul3A_496 : f32 to vector<32x128xf32>
          %add3A_1161 = arith.addf %get3A_1159, %add3A_1160 : vector<32x128xf32>
          %sub3A_1162 = arith.subf %add3A_1161, %mul3A_1154 : vector<32x128xf32>
          %mul3A_1163 = vector.broadcast %while3A : f32 to vector<32x128xf32>
          %mul3A_1164 = arith.mulf %mul3A_1163, %sub3A_1162 : vector<32x128xf32>
          %gt3A_1165 = arith.cmpf ogt, %mul3A_1154, %mul3A_1164 : vector<32x128xf32>
          %gt3A_1166 = vector.broadcast %add3A_678 : i32 to vector<32x128xi32>
          %gt3A_1167 = arith.cmpi sgt, %add3A_97, %gt3A_1166 : vector<32x128xi32>
          %and3A_1168 = arith.andi %gt3A_1165, %gt3A_1167 : vector<32x128xi1>
          %get3A_1169 = arith.constant 0 : index
          %get3A_1170 = arith.constant 0 : index
          %get3A_1171 = vector.load %arg8[%get3A_1169, %get3A_1170] : memref<32x128xf32, #tpu.memory_space<vmem>>, vector<32x128xf32>
          %convert_element_type3A_1172 = arith.extui %and3A_1168 : vector<32x128xi1> to vector<32x128xi32>
          %convert_element_type3A_1173 = arith.sitofp %convert_element_type3A_1172 : vector<32x128xi32> to vector<32x128xf32>
          %max3A_1174 = arith.maximumf %get3A_1171, %convert_element_type3A_1173 : vector<32x128xf32>
          %swap3A_1175 = arith.constant 0 : index
          %swap3A_1176 = arith.constant 0 : index
          %swap3A_1177 = vector.load %arg8[%swap3A_1175, %swap3A_1176] : memref<32x128xf32, #tpu.memory_space<vmem>>, vector<32x128xf32>
          tpu.vector_store %arg8[%swap3A_1175, %swap3A_1176], %max3A_1174 {strides = array<i32>} : memref<32x128xf32, #tpu.memory_space<vmem>>, vector<32x128xf32>,
          %get3A_1178 = arith.constant 0 : index
          %get3A_1179 = memref.load %arg10[%get3A_1178] : memref<1xi32, #tpu.memory_space<smem>>
          %lt3A_1180 = arith.constant 500 : i32
          %lt3A_1181 = arith.cmpi slt, %get3A_1179, %lt3A_1180 : i32
          %convert_element_type3A_1182 = arith.extui %lt3A_1181 : i1 to i32
          %cond3A_1183 = arith.constant 0 : i32
          %cond3A_1184 = arith.cmpi ne, %convert_element_type3A_1182, %cond3A_1183 : i32
          scf.if %cond3A_1184 {
            %get3A_1189 = arith.constant 0 : index
            %get3A_1190 = arith.index_cast %add3A_678 : i32 to index
            %get3A_1191 = arith.constant 0 : index
            %get3A_1192 = vector.load %arg2[%get3A_1189, %get3A_1190, %get3A_1191] : memref<1x4096x16xf32, #tpu.memory_space<vmem>>, vector<1x1x16xf32>
            %get3A_1193 = vector.shape_cast %get3A_1192 : vector<1x1x16xf32> to vector<1x16xf32>
            %swap3A_1194 = arith.constant 0 : index
            %swap3A_1195 = arith.index_cast %get3A_1179 : i32 to index
            %swap3A_1196 = arith.constant 0 : index
            %swap3A_1197 = vector.load %arg6[%swap3A_1194, %swap3A_1195, %swap3A_1196] : memref<1x512x16xf32, #tpu.memory_space<vmem>>, vector<1x1x16xf32>
            %swap3A_1198 = vector.shape_cast %swap3A_1197 : vector<1x1x16xf32> to vector<1x16xf32>
            %swap3A_1199 = vector.shape_cast %get3A_1193 : vector<1x16xf32> to vector<1x1x16xf32>
            tpu.vector_store %arg6[%swap3A_1194, %swap3A_1195, %swap3A_1196], %swap3A_1199 {strides = array<i32>} : memref<1x512x16xf32, #tpu.memory_space<vmem>>, vector<1x1x16xf32>,
            %get3A_1200 = arith.constant 0 : index
            %get3A_1201 = arith.index_cast %add3A_678 : i32 to index
            %get3A_1202 = arith.constant 0 : index
            %get3A_1203 = vector.load %arg5[%get3A_1200, %get3A_1201, %get3A_1202] : memref<1x4096x1xi32, #tpu.memory_space<vmem>>, vector<1x1x1xi32>
            %get3A_1204 = vector.shape_cast %get3A_1203 : vector<1x1x1xi32> to vector<1x1xi32>
            %swap3A_1205 = arith.constant 0 : index
            %swap3A_1206 = arith.index_cast %get3A_1179 : i32 to index
            %swap3A_1207 = arith.constant 0 : index
            %swap3A_1208 = vector.load %arg7[%swap3A_1205, %swap3A_1206, %swap3A_1207] : memref<1x512x1xi32, #tpu.memory_space<vmem>>, vector<1x1x1xi32>
            %swap3A_1209 = vector.shape_cast %swap3A_1208 : vector<1x1x1xi32> to vector<1x1xi32>
            %swap3A_1210 = vector.shape_cast %get3A_1204 : vector<1x1xi32> to vector<1x1x1xi32>
            tpu.vector_store %arg7[%swap3A_1205, %swap3A_1206, %swap3A_1207], %swap3A_1210 {strides = array<i32>} : memref<1x512x1xi32, #tpu.memory_space<vmem>>, vector<1x1x1xi32>,
          } else {
          }
          %add3A_1185 = arith.constant 1 : i32
          %add3A_1186 = arith.addi %get3A_1179, %add3A_1185 : i32
          %swap3A_1187 = arith.constant 0 : index
          %swap3A_1188 = memref.load %arg10[%swap3A_1187] : memref<1xi32, #tpu.memory_space<smem>>
          memref.store %add3A_1186, %arg10[%swap3A_1187] : memref<1xi32, #tpu.memory_space<smem>>
        } else {
        }
        %add3A_794 = arith.constant 2 : i32
        %add3A_795 = arith.addi %mul3A_119, %add3A_794 : i32
        %eq3A_796 = arith.constant 0 : i32
        %eq3A_797 = arith.cmpi eq, %or3A_700, %eq3A_796 : i32
        %lt3A_798 = arith.cmpi slt, %add3A_795, %get3A_0 : i32
        %and3A_799 = arith.andi %eq3A_797, %lt3A_798 : i1
        %min3A_800 = arith.minimumf %add3A_427, %add3A_430 : f32
        %max3A_801 = arith.maximumf %sub3A_403, %sub3A_406 : f32
        %sub3A_802 = arith.subf %min3A_800, %max3A_801 : f32
        %min3A_803 = arith.minimumf %add3A_475, %add3A_478 : f32
        %max3A_804 = arith.maximumf %sub3A_451, %sub3A_454 : f32
        %sub3A_805 = arith.subf %min3A_803, %max3A_804 : f32
        %max3A_806 = arith.constant 0.000000e+00 : f32
        %max3A_807 = arith.maximumf %sub3A_802, %max3A_806 : f32
        %max3A_808 = arith.constant 0.000000e+00 : f32
        %max3A_809 = arith.maximumf %sub3A_805, %max3A_808 : f32
        %mul3A_810 = arith.mulf %max3A_807, %max3A_809 : f32
        %add3A_811 = arith.addf %mul3A_499, %mul3A_502 : f32
        %sub3A_812 = arith.subf %add3A_811, %mul3A_810 : f32
        %mul3A_813 = arith.mulf %while3A, %sub3A_812 : f32
        %gt3A_814 = arith.cmpf ogt, %mul3A_810, %mul3A_813 : f32
        %and3A_815 = arith.andi %and3A_799, %gt3A_814 : i1
        %convert_element_type3A_816 = arith.extui %and3A_815 : i1 to i32
        %or3A_817 = arith.ori %or3A_718, %convert_element_type3A_816 : i32
        %min3A_818 = arith.minimumf %add3A_427, %add3A_433 : f32
        %max3A_819 = arith.maximumf %sub3A_403, %sub3A_409 : f32
        %sub3A_820 = arith.subf %min3A_818, %max3A_819 : f32
        %min3A_821 = arith.minimumf %add3A_475, %add3A_481 : f32
        %max3A_822 = arith.maximumf %sub3A_451, %sub3A_457 : f32
        %sub3A_823 = arith.subf %min3A_821, %max3A_822 : f32
        %max3A_824 = arith.constant 0.000000e+00 : f32
        %max3A_825 = arith.maximumf %sub3A_820, %max3A_824 : f32
        %max3A_826 = arith.constant 0.000000e+00 : f32
        %max3A_827 = arith.maximumf %sub3A_823, %max3A_826 : f32
        %mul3A_828 = arith.mulf %max3A_825, %max3A_827 : f32
        %add3A_829 = arith.addf %mul3A_499, %mul3A_505 : f32
        %sub3A_830 = arith.subf %add3A_829, %mul3A_828 : f32
        %mul3A_831 = arith.mulf %while3A, %sub3A_830 : f32
        %gt3A_832 = arith.cmpf ogt, %mul3A_828, %mul3A_831 : f32
        %and3A_833 = arith.andi %and3A_799, %gt3A_832 : i1
        %convert_element_type3A_834 = arith.extui %and3A_833 : i1 to i32
        %or3A_835 = arith.ori %or3A_736, %convert_element_type3A_834 : i32
        %min3A_836 = arith.minimumf %add3A_427, %add3A_436 : f32
        %max3A_837 = arith.maximumf %sub3A_403, %sub3A_412 : f32
        %sub3A_838 = arith.subf %min3A_836, %max3A_837 : f32
        %min3A_839 = arith.minimumf %add3A_475, %add3A_484 : f32
        %max3A_840 = arith.maximumf %sub3A_451, %sub3A_460 : f32
        %sub3A_841 = arith.subf %min3A_839, %max3A_840 : f32
        %max3A_842 = arith.constant 0.000000e+00 : f32
        %max3A_843 = arith.maximumf %sub3A_838, %max3A_842 : f32
        %max3A_844 = arith.constant 0.000000e+00 : f32
        %max3A_845 = arith.maximumf %sub3A_841, %max3A_844 : f32
        %mul3A_846 = arith.mulf %max3A_843, %max3A_845 : f32
        %add3A_847 = arith.addf %mul3A_499, %mul3A_508 : f32
        %sub3A_848 = arith.subf %add3A_847, %mul3A_846 : f32
        %mul3A_849 = arith.mulf %while3A, %sub3A_848 : f32
        %gt3A_850 = arith.cmpf ogt, %mul3A_846, %mul3A_849 : f32
        %and3A_851 = arith.andi %and3A_799, %gt3A_850 : i1
        %convert_element_type3A_852 = arith.extui %and3A_851 : i1 to i32
        %or3A_853 = arith.ori %or3A_754, %convert_element_type3A_852 : i32
        %min3A_854 = arith.minimumf %add3A_427, %add3A_439 : f32
        %max3A_855 = arith.maximumf %sub3A_403, %sub3A_415 : f32
        %sub3A_856 = arith.subf %min3A_854, %max3A_855 : f32
        %min3A_857 = arith.minimumf %add3A_475, %add3A_487 : f32
        %max3A_858 = arith.maximumf %sub3A_451, %sub3A_463 : f32
        %sub3A_859 = arith.subf %min3A_857, %max3A_858 : f32
        %max3A_860 = arith.constant 0.000000e+00 : f32
        %max3A_861 = arith.maximumf %sub3A_856, %max3A_860 : f32
        %max3A_862 = arith.constant 0.000000e+00 : f32
        %max3A_863 = arith.maximumf %sub3A_859, %max3A_862 : f32
        %mul3A_864 = arith.mulf %max3A_861, %max3A_863 : f32
        %add3A_865 = arith.addf %mul3A_499, %mul3A_511 : f32
        %sub3A_866 = arith.subf %add3A_865, %mul3A_864 : f32
        %mul3A_867 = arith.mulf %while3A, %sub3A_866 : f32
        %gt3A_868 = arith.cmpf ogt, %mul3A_864, %mul3A_867 : f32
        %and3A_869 = arith.andi %and3A_799, %gt3A_868 : i1
        %convert_element_type3A_870 = arith.extui %and3A_869 : i1 to i32
        %or3A_871 = arith.ori %or3A_772, %convert_element_type3A_870 : i32
        %min3A_872 = arith.minimumf %add3A_427, %add3A_442 : f32
        %max3A_873 = arith.maximumf %sub3A_403, %sub3A_418 : f32
        %sub3A_874 = arith.subf %min3A_872, %max3A_873 : f32
        %min3A_875 = arith.minimumf %add3A_475, %add3A_490 : f32
        %max3A_876 = arith.maximumf %sub3A_451, %sub3A_466 : f32
        %sub3A_877 = arith.subf %min3A_875, %max3A_876 : f32
        %max3A_878 = arith.constant 0.000000e+00 : f32
        %max3A_879 = arith.maximumf %sub3A_874, %max3A_878 : f32
        %max3A_880 = arith.constant 0.000000e+00 : f32
        %max3A_881 = arith.maximumf %sub3A_877, %max3A_880 : f32
        %mul3A_882 = arith.mulf %max3A_879, %max3A_881 : f32
        %add3A_883 = arith.addf %mul3A_499, %mul3A_514 : f32
        %sub3A_884 = arith.subf %add3A_883, %mul3A_882 : f32
        %mul3A_885 = arith.mulf %while3A, %sub3A_884 : f32
        %gt3A_886 = arith.cmpf ogt, %mul3A_882, %mul3A_885 : f32
        %and3A_887 = arith.andi %and3A_799, %gt3A_886 : i1
        %convert_element_type3A_888 = arith.extui %and3A_887 : i1 to i32
        %or3A_889 = arith.ori %or3A_790, %convert_element_type3A_888 : i32
        %convert_element_type3A_890 = arith.extui %and3A_799 : i1 to i32
        %cond3A_891 = arith.constant 0 : i32
        %cond3A_892 = arith.cmpi ne, %convert_element_type3A_890, %cond3A_891 : i32
        scf.if %cond3A_892 {
          %get3A_1118 = arith.constant 1 : index
          %get3A_1119 = arith.constant 0 : index
          %get3A_1120 = arith.constant 0 : index
          %get3A_1121 = vector.load %arg9[%get3A_1118, %get3A_1119, %get3A_1120] : memref<5x32x128xf32, #tpu.memory_space<vmem>>, vector<1x32x128xf32>
          %get3A_1122 = vector.shape_cast %get3A_1121 : vector<1x32x128xf32> to vector<32x128xf32>
          %min3A_1123 = vector.broadcast %add3A_427 : f32 to vector<32x128xf32>
          %min3A_1124 = arith.minimumf %get3A_1122, %min3A_1123 : vector<32x128xf32>
          %get3A_1125 = arith.constant 0 : index
          %get3A_1126 = arith.constant 0 : index
          %get3A_1127 = arith.constant 0 : index
          %get3A_1128 = vector.load %arg9[%get3A_1125, %get3A_1126, %get3A_1127] : memref<5x32x128xf32, #tpu.memory_space<vmem>>, vector<1x32x128xf32>
          %get3A_1129 = vector.shape_cast %get3A_1128 : vector<1x32x128xf32> to vector<32x128xf32>
          %max3A_1130 = vector.broadcast %sub3A_403 : f32 to vector<32x128xf32>
          %max3A_1131 = arith.maximumf %get3A_1129, %max3A_1130 : vector<32x128xf32>
          %sub3A_1132 = arith.subf %min3A_1124, %max3A_1131 : vector<32x128xf32>
          %max3A_1133 = arith.constant 0.000000e+00 : f32
          %max3A_1134 = vector.broadcast %max3A_1133 : f32 to vector<32x128xf32>
          %max3A_1135 = arith.maximumf %sub3A_1132, %max3A_1134 : vector<32x128xf32>
          %get3A_1136 = arith.constant 3 : index
          %get3A_1137 = arith.constant 0 : index
          %get3A_1138 = arith.constant 0 : index
          %get3A_1139 = vector.load %arg9[%get3A_1136, %get3A_1137, %get3A_1138] : memref<5x32x128xf32, #tpu.memory_space<vmem>>, vector<1x32x128xf32>
          %get3A_1140 = vector.shape_cast %get3A_1139 : vector<1x32x128xf32> to vector<32x128xf32>
          %min3A_1141 = vector.broadcast %add3A_475 : f32 to vector<32x128xf32>
          %min3A_1142 = arith.minimumf %get3A_1140, %min3A_1141 : vector<32x128xf32>
          %get3A_1143 = arith.constant 2 : index
          %get3A_1144 = arith.constant 0 : index
          %get3A_1145 = arith.constant 0 : index
          %get3A_1146 = vector.load %arg9[%get3A_1143, %get3A_1144, %get3A_1145] : memref<5x32x128xf32, #tpu.memory_space<vmem>>, vector<1x32x128xf32>
          %get3A_1147 = vector.shape_cast %get3A_1146 : vector<1x32x128xf32> to vector<32x128xf32>
          %max3A_1148 = vector.broadcast %sub3A_451 : f32 to vector<32x128xf32>
          %max3A_1149 = arith.maximumf %get3A_1147, %max3A_1148 : vector<32x128xf32>
          %sub3A_1150 = arith.subf %min3A_1142, %max3A_1149 : vector<32x128xf32>
          %max3A_1151 = arith.constant 0.000000e+00 : f32
          %max3A_1152 = vector.broadcast %max3A_1151 : f32 to vector<32x128xf32>
          %max3A_1153 = arith.maximumf %sub3A_1150, %max3A_1152 : vector<32x128xf32>
          %mul3A_1154 = arith.mulf %max3A_1135, %max3A_1153 : vector<32x128xf32>
          %get3A_1155 = arith.constant 4 : index
          %get3A_1156 = arith.constant 0 : index
          %get3A_1157 = arith.constant 0 : index
          %get3A_1158 = vector.load %arg9[%get3A_1155, %get3A_1156, %get3A_1157] : memref<5x32x128xf32, #tpu.memory_space<vmem>>, vector<1x32x128xf32>
          %get3A_1159 = vector.shape_cast %get3A_1158 : vector<1x32x128xf32> to vector<32x128xf32>
          %add3A_1160 = vector.broadcast %mul3A_499 : f32 to vector<32x128xf32>
          %add3A_1161 = arith.addf %get3A_1159, %add3A_1160 : vector<32x128xf32>
          %sub3A_1162 = arith.subf %add3A_1161, %mul3A_1154 : vector<32x128xf32>
          %mul3A_1163 = vector.broadcast %while3A : f32 to vector<32x128xf32>
          %mul3A_1164 = arith.mulf %mul3A_1163, %sub3A_1162 : vector<32x128xf32>
          %gt3A_1165 = arith.cmpf ogt, %mul3A_1154, %mul3A_1164 : vector<32x128xf32>
          %gt3A_1166 = vector.broadcast %add3A_795 : i32 to vector<32x128xi32>
          %gt3A_1167 = arith.cmpi sgt, %add3A_97, %gt3A_1166 : vector<32x128xi32>
          %and3A_1168 = arith.andi %gt3A_1165, %gt3A_1167 : vector<32x128xi1>
          %get3A_1169 = arith.constant 0 : index
          %get3A_1170 = arith.constant 0 : index
          %get3A_1171 = vector.load %arg8[%get3A_1169, %get3A_1170] : memref<32x128xf32, #tpu.memory_space<vmem>>, vector<32x128xf32>
          %convert_element_type3A_1172 = arith.extui %and3A_1168 : vector<32x128xi1> to vector<32x128xi32>
          %convert_element_type3A_1173 = arith.sitofp %convert_element_type3A_1172 : vector<32x128xi32> to vector<32x128xf32>
          %max3A_1174 = arith.maximumf %get3A_1171, %convert_element_type3A_1173 : vector<32x128xf32>
          %swap3A_1175 = arith.constant 0 : index
          %swap3A_1176 = arith.constant 0 : index
          %swap3A_1177 = vector.load %arg8[%swap3A_1175, %swap3A_1176] : memref<32x128xf32, #tpu.memory_space<vmem>>, vector<32x128xf32>
          tpu.vector_store %arg8[%swap3A_1175, %swap3A_1176], %max3A_1174 {strides = array<i32>} : memref<32x128xf32, #tpu.memory_space<vmem>>, vector<32x128xf32>,
          %get3A_1178 = arith.constant 0 : index
          %get3A_1179 = memref.load %arg10[%get3A_1178] : memref<1xi32, #tpu.memory_space<smem>>
          %lt3A_1180 = arith.constant 500 : i32
          %lt3A_1181 = arith.cmpi slt, %get3A_1179, %lt3A_1180 : i32
          %convert_element_type3A_1182 = arith.extui %lt3A_1181 : i1 to i32
          %cond3A_1183 = arith.constant 0 : i32
          %cond3A_1184 = arith.cmpi ne, %convert_element_type3A_1182, %cond3A_1183 : i32
          scf.if %cond3A_1184 {
            %get3A_1189 = arith.constant 0 : index
            %get3A_1190 = arith.index_cast %add3A_795 : i32 to index
            %get3A_1191 = arith.constant 0 : index
            %get3A_1192 = vector.load %arg2[%get3A_1189, %get3A_1190, %get3A_1191] : memref<1x4096x16xf32, #tpu.memory_space<vmem>>, vector<1x1x16xf32>
            %get3A_1193 = vector.shape_cast %get3A_1192 : vector<1x1x16xf32> to vector<1x16xf32>
            %swap3A_1194 = arith.constant 0 : index
            %swap3A_1195 = arith.index_cast %get3A_1179 : i32 to index
            %swap3A_1196 = arith.constant 0 : index
            %swap3A_1197 = vector.load %arg6[%swap3A_1194, %swap3A_1195, %swap3A_1196] : memref<1x512x16xf32, #tpu.memory_space<vmem>>, vector<1x1x16xf32>
            %swap3A_1198 = vector.shape_cast %swap3A_1197 : vector<1x1x16xf32> to vector<1x16xf32>
            %swap3A_1199 = vector.shape_cast %get3A_1193 : vector<1x16xf32> to vector<1x1x16xf32>
            tpu.vector_store %arg6[%swap3A_1194, %swap3A_1195, %swap3A_1196], %swap3A_1199 {strides = array<i32>} : memref<1x512x16xf32, #tpu.memory_space<vmem>>, vector<1x1x16xf32>,
            %get3A_1200 = arith.constant 0 : index
            %get3A_1201 = arith.index_cast %add3A_795 : i32 to index
            %get3A_1202 = arith.constant 0 : index
            %get3A_1203 = vector.load %arg5[%get3A_1200, %get3A_1201, %get3A_1202] : memref<1x4096x1xi32, #tpu.memory_space<vmem>>, vector<1x1x1xi32>
            %get3A_1204 = vector.shape_cast %get3A_1203 : vector<1x1x1xi32> to vector<1x1xi32>
            %swap3A_1205 = arith.constant 0 : index
            %swap3A_1206 = arith.index_cast %get3A_1179 : i32 to index
            %swap3A_1207 = arith.constant 0 : index
            %swap3A_1208 = vector.load %arg7[%swap3A_1205, %swap3A_1206, %swap3A_1207] : memref<1x512x1xi32, #tpu.memory_space<vmem>>, vector<1x1x1xi32>
            %swap3A_1209 = vector.shape_cast %swap3A_1208 : vector<1x1x1xi32> to vector<1x1xi32>
            %swap3A_1210 = vector.shape_cast %get3A_1204 : vector<1x1xi32> to vector<1x1x1xi32>
            tpu.vector_store %arg7[%swap3A_1205, %swap3A_1206, %swap3A_1207], %swap3A_1210 {strides = array<i32>} : memref<1x512x1xi32, #tpu.memory_space<vmem>>, vector<1x1x1xi32>,
          } else {
          }
          %add3A_1185 = arith.constant 1 : i32
          %add3A_1186 = arith.addi %get3A_1179, %add3A_1185 : i32
          %swap3A_1187 = arith.constant 0 : index
          %swap3A_1188 = memref.load %arg10[%swap3A_1187] : memref<1xi32, #tpu.memory_space<smem>>
          memref.store %add3A_1186, %arg10[%swap3A_1187] : memref<1xi32, #tpu.memory_space<smem>>
        } else {
        }
        %add3A_893 = arith.constant 3 : i32
        %add3A_894 = arith.addi %mul3A_119, %add3A_893 : i32
        %eq3A_895 = arith.constant 0 : i32
        %eq3A_896 = arith.cmpi eq, %or3A_817, %eq3A_895 : i32
        %lt3A_897 = arith.cmpi slt, %add3A_894, %get3A_0 : i32
        %and3A_898 = arith.andi %eq3A_896, %lt3A_897 : i1
        %min3A_899 = arith.minimumf %add3A_430, %add3A_433 : f32
        %max3A_900 = arith.maximumf %sub3A_406, %sub3A_409 : f32
        %sub3A_901 = arith.subf %min3A_899, %max3A_900 : f32
        %min3A_902 = arith.minimumf %add3A_478, %add3A_481 : f32
        %max3A_903 = arith.maximumf %sub3A_454, %sub3A_457 : f32
        %sub3A_904 = arith.subf %min3A_902, %max3A_903 : f32
        %max3A_905 = arith.constant 0.000000e+00 : f32
        %max3A_906 = arith.maximumf %sub3A_901, %max3A_905 : f32
        %max3A_907 = arith.constant 0.000000e+00 : f32
        %max3A_908 = arith.maximumf %sub3A_904, %max3A_907 : f32
        %mul3A_909 = arith.mulf %max3A_906, %max3A_908 : f32
        %add3A_910 = arith.addf %mul3A_502, %mul3A_505 : f32
        %sub3A_911 = arith.subf %add3A_910, %mul3A_909 : f32
        %mul3A_912 = arith.mulf %while3A, %sub3A_911 : f32
        %gt3A_913 = arith.cmpf ogt, %mul3A_909, %mul3A_912 : f32
        %and3A_914 = arith.andi %and3A_898, %gt3A_913 : i1
        %convert_element_type3A_915 = arith.extui %and3A_914 : i1 to i32
        %or3A_916 = arith.ori %or3A_835, %convert_element_type3A_915 : i32
        %min3A_917 = arith.minimumf %add3A_430, %add3A_436 : f32
        %max3A_918 = arith.maximumf %sub3A_406, %sub3A_412 : f32
        %sub3A_919 = arith.subf %min3A_917, %max3A_918 : f32
        %min3A_920 = arith.minimumf %add3A_478, %add3A_484 : f32
        %max3A_921 = arith.maximumf %sub3A_454, %sub3A_460 : f32
        %sub3A_922 = arith.subf %min3A_920, %max3A_921 : f32
        %max3A_923 = arith.constant 0.000000e+00 : f32
        %max3A_924 = arith.maximumf %sub3A_919, %max3A_923 : f32
        %max3A_925 = arith.constant 0.000000e+00 : f32
        %max3A_926 = arith.maximumf %sub3A_922, %max3A_925 : f32
        %mul3A_927 = arith.mulf %max3A_924, %max3A_926 : f32
        %add3A_928 = arith.addf %mul3A_502, %mul3A_508 : f32
        %sub3A_929 = arith.subf %add3A_928, %mul3A_927 : f32
        %mul3A_930 = arith.mulf %while3A, %sub3A_929 : f32
        %gt3A_931 = arith.cmpf ogt, %mul3A_927, %mul3A_930 : f32
        %and3A_932 = arith.andi %and3A_898, %gt3A_931 : i1
        %convert_element_type3A_933 = arith.extui %and3A_932 : i1 to i32
        %or3A_934 = arith.ori %or3A_853, %convert_element_type3A_933 : i32
        %min3A_935 = arith.minimumf %add3A_430, %add3A_439 : f32
        %max3A_936 = arith.maximumf %sub3A_406, %sub3A_415 : f32
        %sub3A_937 = arith.subf %min3A_935, %max3A_936 : f32
        %min3A_938 = arith.minimumf %add3A_478, %add3A_487 : f32
        %max3A_939 = arith.maximumf %sub3A_454, %sub3A_463 : f32
        %sub3A_940 = arith.subf %min3A_938, %max3A_939 : f32
        %max3A_941 = arith.constant 0.000000e+00 : f32
        %max3A_942 = arith.maximumf %sub3A_937, %max3A_941 : f32
        %max3A_943 = arith.constant 0.000000e+00 : f32
        %max3A_944 = arith.maximumf %sub3A_940, %max3A_943 : f32
        %mul3A_945 = arith.mulf %max3A_942, %max3A_944 : f32
        %add3A_946 = arith.addf %mul3A_502, %mul3A_511 : f32
        %sub3A_947 = arith.subf %add3A_946, %mul3A_945 : f32
        %mul3A_948 = arith.mulf %while3A, %sub3A_947 : f32
        %gt3A_949 = arith.cmpf ogt, %mul3A_945, %mul3A_948 : f32
        %and3A_950 = arith.andi %and3A_898, %gt3A_949 : i1
        %convert_element_type3A_951 = arith.extui %and3A_950 : i1 to i32
        %or3A_952 = arith.ori %or3A_871, %convert_element_type3A_951 : i32
        %min3A_953 = arith.minimumf %add3A_430, %add3A_442 : f32
        %max3A_954 = arith.maximumf %sub3A_406, %sub3A_418 : f32
        %sub3A_955 = arith.subf %min3A_953, %max3A_954 : f32
        %min3A_956 = arith.minimumf %add3A_478, %add3A_490 : f32
        %max3A_957 = arith.maximumf %sub3A_454, %sub3A_466 : f32
        %sub3A_958 = arith.subf %min3A_956, %max3A_957 : f32
        %max3A_959 = arith.constant 0.000000e+00 : f32
        %max3A_960 = arith.maximumf %sub3A_955, %max3A_959 : f32
        %max3A_961 = arith.constant 0.000000e+00 : f32
        %max3A_962 = arith.maximumf %sub3A_958, %max3A_961 : f32
        %mul3A_963 = arith.mulf %max3A_960, %max3A_962 : f32
        %add3A_964 = arith.addf %mul3A_502, %mul3A_514 : f32
        %sub3A_965 = arith.subf %add3A_964, %mul3A_963 : f32
        %mul3A_966 = arith.mulf %while3A, %sub3A_965 : f32
        %gt3A_967 = arith.cmpf ogt, %mul3A_963, %mul3A_966 : f32
        %and3A_968 = arith.andi %and3A_898, %gt3A_967 : i1
        %convert_element_type3A_969 = arith.extui %and3A_968 : i1 to i32
        %or3A_970 = arith.ori %or3A_889, %convert_element_type3A_969 : i32
        %convert_element_type3A_971 = arith.extui %and3A_898 : i1 to i32
        %cond3A_972 = arith.constant 0 : i32
        %cond3A_973 = arith.cmpi ne, %convert_element_type3A_971, %cond3A_972 : i32
        scf.if %cond3A_973 {
          %get3A_1118 = arith.constant 1 : index
          %get3A_1119 = arith.constant 0 : index
          %get3A_1120 = arith.constant 0 : index
          %get3A_1121 = vector.load %arg9[%get3A_1118, %get3A_1119, %get3A_1120] : memref<5x32x128xf32, #tpu.memory_space<vmem>>, vector<1x32x128xf32>
          %get3A_1122 = vector.shape_cast %get3A_1121 : vector<1x32x128xf32> to vector<32x128xf32>
          %min3A_1123 = vector.broadcast %add3A_430 : f32 to vector<32x128xf32>
          %min3A_1124 = arith.minimumf %get3A_1122, %min3A_1123 : vector<32x128xf32>
          %get3A_1125 = arith.constant 0 : index
          %get3A_1126 = arith.constant 0 : index
          %get3A_1127 = arith.constant 0 : index
          %get3A_1128 = vector.load %arg9[%get3A_1125, %get3A_1126, %get3A_1127] : memref<5x32x128xf32, #tpu.memory_space<vmem>>, vector<1x32x128xf32>
          %get3A_1129 = vector.shape_cast %get3A_1128 : vector<1x32x128xf32> to vector<32x128xf32>
          %max3A_1130 = vector.broadcast %sub3A_406 : f32 to vector<32x128xf32>
          %max3A_1131 = arith.maximumf %get3A_1129, %max3A_1130 : vector<32x128xf32>
          %sub3A_1132 = arith.subf %min3A_1124, %max3A_1131 : vector<32x128xf32>
          %max3A_1133 = arith.constant 0.000000e+00 : f32
          %max3A_1134 = vector.broadcast %max3A_1133 : f32 to vector<32x128xf32>
          %max3A_1135 = arith.maximumf %sub3A_1132, %max3A_1134 : vector<32x128xf32>
          %get3A_1136 = arith.constant 3 : index
          %get3A_1137 = arith.constant 0 : index
          %get3A_1138 = arith.constant 0 : index
          %get3A_1139 = vector.load %arg9[%get3A_1136, %get3A_1137, %get3A_1138] : memref<5x32x128xf32, #tpu.memory_space<vmem>>, vector<1x32x128xf32>
          %get3A_1140 = vector.shape_cast %get3A_1139 : vector<1x32x128xf32> to vector<32x128xf32>
          %min3A_1141 = vector.broadcast %add3A_478 : f32 to vector<32x128xf32>
          %min3A_1142 = arith.minimumf %get3A_1140, %min3A_1141 : vector<32x128xf32>
          %get3A_1143 = arith.constant 2 : index
          %get3A_1144 = arith.constant 0 : index
          %get3A_1145 = arith.constant 0 : index
          %get3A_1146 = vector.load %arg9[%get3A_1143, %get3A_1144, %get3A_1145] : memref<5x32x128xf32, #tpu.memory_space<vmem>>, vector<1x32x128xf32>
          %get3A_1147 = vector.shape_cast %get3A_1146 : vector<1x32x128xf32> to vector<32x128xf32>
          %max3A_1148 = vector.broadcast %sub3A_454 : f32 to vector<32x128xf32>
          %max3A_1149 = arith.maximumf %get3A_1147, %max3A_1148 : vector<32x128xf32>
          %sub3A_1150 = arith.subf %min3A_1142, %max3A_1149 : vector<32x128xf32>
          %max3A_1151 = arith.constant 0.000000e+00 : f32
          %max3A_1152 = vector.broadcast %max3A_1151 : f32 to vector<32x128xf32>
          %max3A_1153 = arith.maximumf %sub3A_1150, %max3A_1152 : vector<32x128xf32>
          %mul3A_1154 = arith.mulf %max3A_1135, %max3A_1153 : vector<32x128xf32>
          %get3A_1155 = arith.constant 4 : index
          %get3A_1156 = arith.constant 0 : index
          %get3A_1157 = arith.constant 0 : index
          %get3A_1158 = vector.load %arg9[%get3A_1155, %get3A_1156, %get3A_1157] : memref<5x32x128xf32, #tpu.memory_space<vmem>>, vector<1x32x128xf32>
          %get3A_1159 = vector.shape_cast %get3A_1158 : vector<1x32x128xf32> to vector<32x128xf32>
          %add3A_1160 = vector.broadcast %mul3A_502 : f32 to vector<32x128xf32>
          %add3A_1161 = arith.addf %get3A_1159, %add3A_1160 : vector<32x128xf32>
          %sub3A_1162 = arith.subf %add3A_1161, %mul3A_1154 : vector<32x128xf32>
          %mul3A_1163 = vector.broadcast %while3A : f32 to vector<32x128xf32>
          %mul3A_1164 = arith.mulf %mul3A_1163, %sub3A_1162 : vector<32x128xf32>
          %gt3A_1165 = arith.cmpf ogt, %mul3A_1154, %mul3A_1164 : vector<32x128xf32>
          %gt3A_1166 = vector.broadcast %add3A_894 : i32 to vector<32x128xi32>
          %gt3A_1167 = arith.cmpi sgt, %add3A_97, %gt3A_1166 : vector<32x128xi32>
          %and3A_1168 = arith.andi %gt3A_1165, %gt3A_1167 : vector<32x128xi1>
          %get3A_1169 = arith.constant 0 : index
          %get3A_1170 = arith.constant 0 : index
          %get3A_1171 = vector.load %arg8[%get3A_1169, %get3A_1170] : memref<32x128xf32, #tpu.memory_space<vmem>>, vector<32x128xf32>
          %convert_element_type3A_1172 = arith.extui %and3A_1168 : vector<32x128xi1> to vector<32x128xi32>
          %convert_element_type3A_1173 = arith.sitofp %convert_element_type3A_1172 : vector<32x128xi32> to vector<32x128xf32>
          %max3A_1174 = arith.maximumf %get3A_1171, %convert_element_type3A_1173 : vector<32x128xf32>
          %swap3A_1175 = arith.constant 0 : index
          %swap3A_1176 = arith.constant 0 : index
          %swap3A_1177 = vector.load %arg8[%swap3A_1175, %swap3A_1176] : memref<32x128xf32, #tpu.memory_space<vmem>>, vector<32x128xf32>
          tpu.vector_store %arg8[%swap3A_1175, %swap3A_1176], %max3A_1174 {strides = array<i32>} : memref<32x128xf32, #tpu.memory_space<vmem>>, vector<32x128xf32>,
          %get3A_1178 = arith.constant 0 : index
          %get3A_1179 = memref.load %arg10[%get3A_1178] : memref<1xi32, #tpu.memory_space<smem>>
          %lt3A_1180 = arith.constant 500 : i32
          %lt3A_1181 = arith.cmpi slt, %get3A_1179, %lt3A_1180 : i32
          %convert_element_type3A_1182 = arith.extui %lt3A_1181 : i1 to i32
          %cond3A_1183 = arith.constant 0 : i32
          %cond3A_1184 = arith.cmpi ne, %convert_element_type3A_1182, %cond3A_1183 : i32
          scf.if %cond3A_1184 {
            %get3A_1189 = arith.constant 0 : index
            %get3A_1190 = arith.index_cast %add3A_894 : i32 to index
            %get3A_1191 = arith.constant 0 : index
            %get3A_1192 = vector.load %arg2[%get3A_1189, %get3A_1190, %get3A_1191] : memref<1x4096x16xf32, #tpu.memory_space<vmem>>, vector<1x1x16xf32>
            %get3A_1193 = vector.shape_cast %get3A_1192 : vector<1x1x16xf32> to vector<1x16xf32>
            %swap3A_1194 = arith.constant 0 : index
            %swap3A_1195 = arith.index_cast %get3A_1179 : i32 to index
            %swap3A_1196 = arith.constant 0 : index
            %swap3A_1197 = vector.load %arg6[%swap3A_1194, %swap3A_1195, %swap3A_1196] : memref<1x512x16xf32, #tpu.memory_space<vmem>>, vector<1x1x16xf32>
            %swap3A_1198 = vector.shape_cast %swap3A_1197 : vector<1x1x16xf32> to vector<1x16xf32>
            %swap3A_1199 = vector.shape_cast %get3A_1193 : vector<1x16xf32> to vector<1x1x16xf32>
            tpu.vector_store %arg6[%swap3A_1194, %swap3A_1195, %swap3A_1196], %swap3A_1199 {strides = array<i32>} : memref<1x512x16xf32, #tpu.memory_space<vmem>>, vector<1x1x16xf32>,
            %get3A_1200 = arith.constant 0 : index
            %get3A_1201 = arith.index_cast %add3A_894 : i32 to index
            %get3A_1202 = arith.constant 0 : index
            %get3A_1203 = vector.load %arg5[%get3A_1200, %get3A_1201, %get3A_1202] : memref<1x4096x1xi32, #tpu.memory_space<vmem>>, vector<1x1x1xi32>
            %get3A_1204 = vector.shape_cast %get3A_1203 : vector<1x1x1xi32> to vector<1x1xi32>
            %swap3A_1205 = arith.constant 0 : index
            %swap3A_1206 = arith.index_cast %get3A_1179 : i32 to index
            %swap3A_1207 = arith.constant 0 : index
            %swap3A_1208 = vector.load %arg7[%swap3A_1205, %swap3A_1206, %swap3A_1207] : memref<1x512x1xi32, #tpu.memory_space<vmem>>, vector<1x1x1xi32>
            %swap3A_1209 = vector.shape_cast %swap3A_1208 : vector<1x1x1xi32> to vector<1x1xi32>
            %swap3A_1210 = vector.shape_cast %get3A_1204 : vector<1x1xi32> to vector<1x1x1xi32>
            tpu.vector_store %arg7[%swap3A_1205, %swap3A_1206, %swap3A_1207], %swap3A_1210 {strides = array<i32>} : memref<1x512x1xi32, #tpu.memory_space<vmem>>, vector<1x1x1xi32>,
          } else {
          }
          %add3A_1185 = arith.constant 1 : i32
          %add3A_1186 = arith.addi %get3A_1179, %add3A_1185 : i32
          %swap3A_1187 = arith.constant 0 : index
          %swap3A_1188 = memref.load %arg10[%swap3A_1187] : memref<1xi32, #tpu.memory_space<smem>>
          memref.store %add3A_1186, %arg10[%swap3A_1187] : memref<1xi32, #tpu.memory_space<smem>>
        } else {
        }
        %add3A_974 = arith.constant 4 : i32
        %add3A_975 = arith.addi %mul3A_119, %add3A_974 : i32
        %eq3A_976 = arith.constant 0 : i32
        %eq3A_977 = arith.cmpi eq, %or3A_916, %eq3A_976 : i32
        %lt3A_978 = arith.cmpi slt, %add3A_975, %get3A_0 : i32
        %and3A_979 = arith.andi %eq3A_977, %lt3A_978 : i1
        %min3A_980 = arith.minimumf %add3A_433, %add3A_436 : f32
        %max3A_981 = arith.maximumf %sub3A_409, %sub3A_412 : f32
        %sub3A_982 = arith.subf %min3A_980, %max3A_981 : f32
        %min3A_983 = arith.minimumf %add3A_481, %add3A_484 : f32
        %max3A_984 = arith.maximumf %sub3A_457, %sub3A_460 : f32
        %sub3A_985 = arith.subf %min3A_983, %max3A_984 : f32
        %max3A_986 = arith.constant 0.000000e+00 : f32
        %max3A_987 = arith.maximumf %sub3A_982, %max3A_986 : f32
        %max3A_988 = arith.constant 0.000000e+00 : f32
        %max3A_989 = arith.maximumf %sub3A_985, %max3A_988 : f32
        %mul3A_990 = arith.mulf %max3A_987, %max3A_989 : f32
        %add3A_991 = arith.addf %mul3A_505, %mul3A_508 : f32
        %sub3A_992 = arith.subf %add3A_991, %mul3A_990 : f32
        %mul3A_993 = arith.mulf %while3A, %sub3A_992 : f32
        %gt3A_994 = arith.cmpf ogt, %mul3A_990, %mul3A_993 : f32
        %and3A_995 = arith.andi %and3A_979, %gt3A_994 : i1
        %convert_element_type3A_996 = arith.extui %and3A_995 : i1 to i32
        %or3A_997 = arith.ori %or3A_934, %convert_element_type3A_996 : i32
        %min3A_998 = arith.minimumf %add3A_433, %add3A_439 : f32
        %max3A_999 = arith.maximumf %sub3A_409, %sub3A_415 : f32
        %sub3A_1000 = arith.subf %min3A_998, %max3A_999 : f32
        %min3A_1001 = arith.minimumf %add3A_481, %add3A_487 : f32
        %max3A_1002 = arith.maximumf %sub3A_457, %sub3A_463 : f32
        %sub3A_1003 = arith.subf %min3A_1001, %max3A_1002 : f32
        %max3A_1004 = arith.constant 0.000000e+00 : f32
        %max3A_1005 = arith.maximumf %sub3A_1000, %max3A_1004 : f32
        %max3A_1006 = arith.constant 0.000000e+00 : f32
        %max3A_1007 = arith.maximumf %sub3A_1003, %max3A_1006 : f32
        %mul3A_1008 = arith.mulf %max3A_1005, %max3A_1007 : f32
        %add3A_1009 = arith.addf %mul3A_505, %mul3A_511 : f32
        %sub3A_1010 = arith.subf %add3A_1009, %mul3A_1008 : f32
        %mul3A_1011 = arith.mulf %while3A, %sub3A_1010 : f32
        %gt3A_1012 = arith.cmpf ogt, %mul3A_1008, %mul3A_1011 : f32
        %and3A_1013 = arith.andi %and3A_979, %gt3A_1012 : i1
        %convert_element_type3A_1014 = arith.extui %and3A_1013 : i1 to i32
        %or3A_1015 = arith.ori %or3A_952, %convert_element_type3A_1014 : i32
        %min3A_1016 = arith.minimumf %add3A_433, %add3A_442 : f32
        %max3A_1017 = arith.maximumf %sub3A_409, %sub3A_418 : f32
        %sub3A_1018 = arith.subf %min3A_1016, %max3A_1017 : f32
        %min3A_1019 = arith.minimumf %add3A_481, %add3A_490 : f32
        %max3A_1020 = arith.maximumf %sub3A_457, %sub3A_466 : f32
        %sub3A_1021 = arith.subf %min3A_1019, %max3A_1020 : f32
        %max3A_1022 = arith.constant 0.000000e+00 : f32
        %max3A_1023 = arith.maximumf %sub3A_1018, %max3A_1022 : f32
        %max3A_1024 = arith.constant 0.000000e+00 : f32
        %max3A_1025 = arith.maximumf %sub3A_1021, %max3A_1024 : f32
        %mul3A_1026 = arith.mulf %max3A_1023, %max3A_1025 : f32
        %add3A_1027 = arith.addf %mul3A_505, %mul3A_514 : f32
        %sub3A_1028 = arith.subf %add3A_1027, %mul3A_1026 : f32
        %mul3A_1029 = arith.mulf %while3A, %sub3A_1028 : f32
        %gt3A_1030 = arith.cmpf ogt, %mul3A_1026, %mul3A_1029 : f32
        %and3A_1031 = arith.andi %and3A_979, %gt3A_1030 : i1
        %convert_element_type3A_1032 = arith.extui %and3A_1031 : i1 to i32
        %or3A_1033 = arith.ori %or3A_970, %convert_element_type3A_1032 : i32
        %convert_element_type3A_1034 = arith.extui %and3A_979 : i1 to i32
        %cond3A_1035 = arith.constant 0 : i32
        %cond3A_1036 = arith.cmpi ne, %convert_element_type3A_1034, %cond3A_1035 : i32
        scf.if %cond3A_1036 {
          %get3A_1118 = arith.constant 1 : index
          %get3A_1119 = arith.constant 0 : index
          %get3A_1120 = arith.constant 0 : index
          %get3A_1121 = vector.load %arg9[%get3A_1118, %get3A_1119, %get3A_1120] : memref<5x32x128xf32, #tpu.memory_space<vmem>>, vector<1x32x128xf32>
          %get3A_1122 = vector.shape_cast %get3A_1121 : vector<1x32x128xf32> to vector<32x128xf32>
          %min3A_1123 = vector.broadcast %add3A_433 : f32 to vector<32x128xf32>
          %min3A_1124 = arith.minimumf %get3A_1122, %min3A_1123 : vector<32x128xf32>
          %get3A_1125 = arith.constant 0 : index
          %get3A_1126 = arith.constant 0 : index
          %get3A_1127 = arith.constant 0 : index
          %get3A_1128 = vector.load %arg9[%get3A_1125, %get3A_1126, %get3A_1127] : memref<5x32x128xf32, #tpu.memory_space<vmem>>, vector<1x32x128xf32>
          %get3A_1129 = vector.shape_cast %get3A_1128 : vector<1x32x128xf32> to vector<32x128xf32>
          %max3A_1130 = vector.broadcast %sub3A_409 : f32 to vector<32x128xf32>
          %max3A_1131 = arith.maximumf %get3A_1129, %max3A_1130 : vector<32x128xf32>
          %sub3A_1132 = arith.subf %min3A_1124, %max3A_1131 : vector<32x128xf32>
          %max3A_1133 = arith.constant 0.000000e+00 : f32
          %max3A_1134 = vector.broadcast %max3A_1133 : f32 to vector<32x128xf32>
          %max3A_1135 = arith.maximumf %sub3A_1132, %max3A_1134 : vector<32x128xf32>
          %get3A_1136 = arith.constant 3 : index
          %get3A_1137 = arith.constant 0 : index
          %get3A_1138 = arith.constant 0 : index
          %get3A_1139 = vector.load %arg9[%get3A_1136, %get3A_1137, %get3A_1138] : memref<5x32x128xf32, #tpu.memory_space<vmem>>, vector<1x32x128xf32>
          %get3A_1140 = vector.shape_cast %get3A_1139 : vector<1x32x128xf32> to vector<32x128xf32>
          %min3A_1141 = vector.broadcast %add3A_481 : f32 to vector<32x128xf32>
          %min3A_1142 = arith.minimumf %get3A_1140, %min3A_1141 : vector<32x128xf32>
          %get3A_1143 = arith.constant 2 : index
          %get3A_1144 = arith.constant 0 : index
          %get3A_1145 = arith.constant 0 : index
          %get3A_1146 = vector.load %arg9[%get3A_1143, %get3A_1144, %get3A_1145] : memref<5x32x128xf32, #tpu.memory_space<vmem>>, vector<1x32x128xf32>
          %get3A_1147 = vector.shape_cast %get3A_1146 : vector<1x32x128xf32> to vector<32x128xf32>
          %max3A_1148 = vector.broadcast %sub3A_457 : f32 to vector<32x128xf32>
          %max3A_1149 = arith.maximumf %get3A_1147, %max3A_1148 : vector<32x128xf32>
          %sub3A_1150 = arith.subf %min3A_1142, %max3A_1149 : vector<32x128xf32>
          %max3A_1151 = arith.constant 0.000000e+00 : f32
          %max3A_1152 = vector.broadcast %max3A_1151 : f32 to vector<32x128xf32>
          %max3A_1153 = arith.maximumf %sub3A_1150, %max3A_1152 : vector<32x128xf32>
          %mul3A_1154 = arith.mulf %max3A_1135, %max3A_1153 : vector<32x128xf32>
          %get3A_1155 = arith.constant 4 : index
          %get3A_1156 = arith.constant 0 : index
          %get3A_1157 = arith.constant 0 : index
          %get3A_1158 = vector.load %arg9[%get3A_1155, %get3A_1156, %get3A_1157] : memref<5x32x128xf32, #tpu.memory_space<vmem>>, vector<1x32x128xf32>
          %get3A_1159 = vector.shape_cast %get3A_1158 : vector<1x32x128xf32> to vector<32x128xf32>
          %add3A_1160 = vector.broadcast %mul3A_505 : f32 to vector<32x128xf32>
          %add3A_1161 = arith.addf %get3A_1159, %add3A_1160 : vector<32x128xf32>
          %sub3A_1162 = arith.subf %add3A_1161, %mul3A_1154 : vector<32x128xf32>
          %mul3A_1163 = vector.broadcast %while3A : f32 to vector<32x128xf32>
          %mul3A_1164 = arith.mulf %mul3A_1163, %sub3A_1162 : vector<32x128xf32>
          %gt3A_1165 = arith.cmpf ogt, %mul3A_1154, %mul3A_1164 : vector<32x128xf32>
          %gt3A_1166 = vector.broadcast %add3A_975 : i32 to vector<32x128xi32>
          %gt3A_1167 = arith.cmpi sgt, %add3A_97, %gt3A_1166 : vector<32x128xi32>
          %and3A_1168 = arith.andi %gt3A_1165, %gt3A_1167 : vector<32x128xi1>
          %get3A_1169 = arith.constant 0 : index
          %get3A_1170 = arith.constant 0 : index
          %get3A_1171 = vector.load %arg8[%get3A_1169, %get3A_1170] : memref<32x128xf32, #tpu.memory_space<vmem>>, vector<32x128xf32>
          %convert_element_type3A_1172 = arith.extui %and3A_1168 : vector<32x128xi1> to vector<32x128xi32>
          %convert_element_type3A_1173 = arith.sitofp %convert_element_type3A_1172 : vector<32x128xi32> to vector<32x128xf32>
          %max3A_1174 = arith.maximumf %get3A_1171, %convert_element_type3A_1173 : vector<32x128xf32>
          %swap3A_1175 = arith.constant 0 : index
          %swap3A_1176 = arith.constant 0 : index
          %swap3A_1177 = vector.load %arg8[%swap3A_1175, %swap3A_1176] : memref<32x128xf32, #tpu.memory_space<vmem>>, vector<32x128xf32>
          tpu.vector_store %arg8[%swap3A_1175, %swap3A_1176], %max3A_1174 {strides = array<i32>} : memref<32x128xf32, #tpu.memory_space<vmem>>, vector<32x128xf32>,
          %get3A_1178 = arith.constant 0 : index
          %get3A_1179 = memref.load %arg10[%get3A_1178] : memref<1xi32, #tpu.memory_space<smem>>
          %lt3A_1180 = arith.constant 500 : i32
          %lt3A_1181 = arith.cmpi slt, %get3A_1179, %lt3A_1180 : i32
          %convert_element_type3A_1182 = arith.extui %lt3A_1181 : i1 to i32
          %cond3A_1183 = arith.constant 0 : i32
          %cond3A_1184 = arith.cmpi ne, %convert_element_type3A_1182, %cond3A_1183 : i32
          scf.if %cond3A_1184 {
            %get3A_1189 = arith.constant 0 : index
            %get3A_1190 = arith.index_cast %add3A_975 : i32 to index
            %get3A_1191 = arith.constant 0 : index
            %get3A_1192 = vector.load %arg2[%get3A_1189, %get3A_1190, %get3A_1191] : memref<1x4096x16xf32, #tpu.memory_space<vmem>>, vector<1x1x16xf32>
            %get3A_1193 = vector.shape_cast %get3A_1192 : vector<1x1x16xf32> to vector<1x16xf32>
            %swap3A_1194 = arith.constant 0 : index
            %swap3A_1195 = arith.index_cast %get3A_1179 : i32 to index
            %swap3A_1196 = arith.constant 0 : index
            %swap3A_1197 = vector.load %arg6[%swap3A_1194, %swap3A_1195, %swap3A_1196] : memref<1x512x16xf32, #tpu.memory_space<vmem>>, vector<1x1x16xf32>
            %swap3A_1198 = vector.shape_cast %swap3A_1197 : vector<1x1x16xf32> to vector<1x16xf32>
            %swap3A_1199 = vector.shape_cast %get3A_1193 : vector<1x16xf32> to vector<1x1x16xf32>
            tpu.vector_store %arg6[%swap3A_1194, %swap3A_1195, %swap3A_1196], %swap3A_1199 {strides = array<i32>} : memref<1x512x16xf32, #tpu.memory_space<vmem>>, vector<1x1x16xf32>,
            %get3A_1200 = arith.constant 0 : index
            %get3A_1201 = arith.index_cast %add3A_975 : i32 to index
            %get3A_1202 = arith.constant 0 : index
            %get3A_1203 = vector.load %arg5[%get3A_1200, %get3A_1201, %get3A_1202] : memref<1x4096x1xi32, #tpu.memory_space<vmem>>, vector<1x1x1xi32>
            %get3A_1204 = vector.shape_cast %get3A_1203 : vector<1x1x1xi32> to vector<1x1xi32>
            %swap3A_1205 = arith.constant 0 : index
            %swap3A_1206 = arith.index_cast %get3A_1179 : i32 to index
            %swap3A_1207 = arith.constant 0 : index
            %swap3A_1208 = vector.load %arg7[%swap3A_1205, %swap3A_1206, %swap3A_1207] : memref<1x512x1xi32, #tpu.memory_space<vmem>>, vector<1x1x1xi32>
            %swap3A_1209 = vector.shape_cast %swap3A_1208 : vector<1x1x1xi32> to vector<1x1xi32>
            %swap3A_1210 = vector.shape_cast %get3A_1204 : vector<1x1xi32> to vector<1x1x1xi32>
            tpu.vector_store %arg7[%swap3A_1205, %swap3A_1206, %swap3A_1207], %swap3A_1210 {strides = array<i32>} : memref<1x512x1xi32, #tpu.memory_space<vmem>>, vector<1x1x1xi32>,
          } else {
          }
          %add3A_1185 = arith.constant 1 : i32
          %add3A_1186 = arith.addi %get3A_1179, %add3A_1185 : i32
          %swap3A_1187 = arith.constant 0 : index
          %swap3A_1188 = memref.load %arg10[%swap3A_1187] : memref<1xi32, #tpu.memory_space<smem>>
          memref.store %add3A_1186, %arg10[%swap3A_1187] : memref<1xi32, #tpu.memory_space<smem>>
        } else {
        }
        %add3A_1037 = arith.constant 5 : i32
        %add3A_1038 = arith.addi %mul3A_119, %add3A_1037 : i32
        %eq3A_1039 = arith.constant 0 : i32
        %eq3A_1040 = arith.cmpi eq, %or3A_997, %eq3A_1039 : i32
        %lt3A_1041 = arith.cmpi slt, %add3A_1038, %get3A_0 : i32
        %and3A_1042 = arith.andi %eq3A_1040, %lt3A_1041 : i1
        %min3A_1043 = arith.minimumf %add3A_436, %add3A_439 : f32
        %max3A_1044 = arith.maximumf %sub3A_412, %sub3A_415 : f32
        %sub3A_1045 = arith.subf %min3A_1043, %max3A_1044 : f32
        %min3A_1046 = arith.minimumf %add3A_484, %add3A_487 : f32
        %max3A_1047 = arith.maximumf %sub3A_460, %sub3A_463 : f32
        %sub3A_1048 = arith.subf %min3A_1046, %max3A_1047 : f32
        %max3A_1049 = arith.constant 0.000000e+00 : f32
        %max3A_1050 = arith.maximumf %sub3A_1045, %max3A_1049 : f32
        %max3A_1051 = arith.constant 0.000000e+00 : f32
        %max3A_1052 = arith.maximumf %sub3A_1048, %max3A_1051 : f32
        %mul3A_1053 = arith.mulf %max3A_1050, %max3A_1052 : f32
        %add3A_1054 = arith.addf %mul3A_508, %mul3A_511 : f32
        %sub3A_1055 = arith.subf %add3A_1054, %mul3A_1053 : f32
        %mul3A_1056 = arith.mulf %while3A, %sub3A_1055 : f32
        %gt3A_1057 = arith.cmpf ogt, %mul3A_1053, %mul3A_1056 : f32
        %and3A_1058 = arith.andi %and3A_1042, %gt3A_1057 : i1
        %convert_element_type3A_1059 = arith.extui %and3A_1058 : i1 to i32
        %or3A_1060 = arith.ori %or3A_1015, %convert_element_type3A_1059 : i32
        %min3A_1061 = arith.minimumf %add3A_436, %add3A_442 : f32
        %max3A_1062 = arith.maximumf %sub3A_412, %sub3A_418 : f32
        %sub3A_1063 = arith.subf %min3A_1061, %max3A_1062 : f32
        %min3A_1064 = arith.minimumf %add3A_484, %add3A_490 : f32
        %max3A_1065 = arith.maximumf %sub3A_460, %sub3A_466 : f32
        %sub3A_1066 = arith.subf %min3A_1064, %max3A_1065 : f32
        %max3A_1067 = arith.constant 0.000000e+00 : f32
        %max3A_1068 = arith.maximumf %sub3A_1063, %max3A_1067 : f32
        %max3A_1069 = arith.constant 0.000000e+00 : f32
        %max3A_1070 = arith.maximumf %sub3A_1066, %max3A_1069 : f32
        %mul3A_1071 = arith.mulf %max3A_1068, %max3A_1070 : f32
        %add3A_1072 = arith.addf %mul3A_508, %mul3A_514 : f32
        %sub3A_1073 = arith.subf %add3A_1072, %mul3A_1071 : f32
        %mul3A_1074 = arith.mulf %while3A, %sub3A_1073 : f32
        %gt3A_1075 = arith.cmpf ogt, %mul3A_1071, %mul3A_1074 : f32
        %and3A_1076 = arith.andi %and3A_1042, %gt3A_1075 : i1
        %convert_element_type3A_1077 = arith.extui %and3A_1076 : i1 to i32
        %or3A_1078 = arith.ori %or3A_1033, %convert_element_type3A_1077 : i32
        %convert_element_type3A_1079 = arith.extui %and3A_1042 : i1 to i32
        %cond3A_1080 = arith.constant 0 : i32
        %cond3A_1081 = arith.cmpi ne, %convert_element_type3A_1079, %cond3A_1080 : i32
        scf.if %cond3A_1081 {
          %get3A_1118 = arith.constant 1 : index
          %get3A_1119 = arith.constant 0 : index
          %get3A_1120 = arith.constant 0 : index
          %get3A_1121 = vector.load %arg9[%get3A_1118, %get3A_1119, %get3A_1120] : memref<5x32x128xf32, #tpu.memory_space<vmem>>, vector<1x32x128xf32>
          %get3A_1122 = vector.shape_cast %get3A_1121 : vector<1x32x128xf32> to vector<32x128xf32>
          %min3A_1123 = vector.broadcast %add3A_436 : f32 to vector<32x128xf32>
          %min3A_1124 = arith.minimumf %get3A_1122, %min3A_1123 : vector<32x128xf32>
          %get3A_1125 = arith.constant 0 : index
          %get3A_1126 = arith.constant 0 : index
          %get3A_1127 = arith.constant 0 : index
          %get3A_1128 = vector.load %arg9[%get3A_1125, %get3A_1126, %get3A_1127] : memref<5x32x128xf32, #tpu.memory_space<vmem>>, vector<1x32x128xf32>
          %get3A_1129 = vector.shape_cast %get3A_1128 : vector<1x32x128xf32> to vector<32x128xf32>
          %max3A_1130 = vector.broadcast %sub3A_412 : f32 to vector<32x128xf32>
          %max3A_1131 = arith.maximumf %get3A_1129, %max3A_1130 : vector<32x128xf32>
          %sub3A_1132 = arith.subf %min3A_1124, %max3A_1131 : vector<32x128xf32>
          %max3A_1133 = arith.constant 0.000000e+00 : f32
          %max3A_1134 = vector.broadcast %max3A_1133 : f32 to vector<32x128xf32>
          %max3A_1135 = arith.maximumf %sub3A_1132, %max3A_1134 : vector<32x128xf32>
          %get3A_1136 = arith.constant 3 : index
          %get3A_1137 = arith.constant 0 : index
          %get3A_1138 = arith.constant 0 : index
          %get3A_1139 = vector.load %arg9[%get3A_1136, %get3A_1137, %get3A_1138] : memref<5x32x128xf32, #tpu.memory_space<vmem>>, vector<1x32x128xf32>
          %get3A_1140 = vector.shape_cast %get3A_1139 : vector<1x32x128xf32> to vector<32x128xf32>
          %min3A_1141 = vector.broadcast %add3A_484 : f32 to vector<32x128xf32>
          %min3A_1142 = arith.minimumf %get3A_1140, %min3A_1141 : vector<32x128xf32>
          %get3A_1143 = arith.constant 2 : index
          %get3A_1144 = arith.constant 0 : index
          %get3A_1145 = arith.constant 0 : index
          %get3A_1146 = vector.load %arg9[%get3A_1143, %get3A_1144, %get3A_1145] : memref<5x32x128xf32, #tpu.memory_space<vmem>>, vector<1x32x128xf32>
          %get3A_1147 = vector.shape_cast %get3A_1146 : vector<1x32x128xf32> to vector<32x128xf32>
          %max3A_1148 = vector.broadcast %sub3A_460 : f32 to vector<32x128xf32>
          %max3A_1149 = arith.maximumf %get3A_1147, %max3A_1148 : vector<32x128xf32>
          %sub3A_1150 = arith.subf %min3A_1142, %max3A_1149 : vector<32x128xf32>
          %max3A_1151 = arith.constant 0.000000e+00 : f32
          %max3A_1152 = vector.broadcast %max3A_1151 : f32 to vector<32x128xf32>
          %max3A_1153 = arith.maximumf %sub3A_1150, %max3A_1152 : vector<32x128xf32>
          %mul3A_1154 = arith.mulf %max3A_1135, %max3A_1153 : vector<32x128xf32>
          %get3A_1155 = arith.constant 4 : index
          %get3A_1156 = arith.constant 0 : index
          %get3A_1157 = arith.constant 0 : index
          %get3A_1158 = vector.load %arg9[%get3A_1155, %get3A_1156, %get3A_1157] : memref<5x32x128xf32, #tpu.memory_space<vmem>>, vector<1x32x128xf32>
          %get3A_1159 = vector.shape_cast %get3A_1158 : vector<1x32x128xf32> to vector<32x128xf32>
          %add3A_1160 = vector.broadcast %mul3A_508 : f32 to vector<32x128xf32>
          %add3A_1161 = arith.addf %get3A_1159, %add3A_1160 : vector<32x128xf32>
          %sub3A_1162 = arith.subf %add3A_1161, %mul3A_1154 : vector<32x128xf32>
          %mul3A_1163 = vector.broadcast %while3A : f32 to vector<32x128xf32>
          %mul3A_1164 = arith.mulf %mul3A_1163, %sub3A_1162 : vector<32x128xf32>
          %gt3A_1165 = arith.cmpf ogt, %mul3A_1154, %mul3A_1164 : vector<32x128xf32>
          %gt3A_1166 = vector.broadcast %add3A_1038 : i32 to vector<32x128xi32>
          %gt3A_1167 = arith.cmpi sgt, %add3A_97, %gt3A_1166 : vector<32x128xi32>
          %and3A_1168 = arith.andi %gt3A_1165, %gt3A_1167 : vector<32x128xi1>
          %get3A_1169 = arith.constant 0 : index
          %get3A_1170 = arith.constant 0 : index
          %get3A_1171 = vector.load %arg8[%get3A_1169, %get3A_1170] : memref<32x128xf32, #tpu.memory_space<vmem>>, vector<32x128xf32>
          %convert_element_type3A_1172 = arith.extui %and3A_1168 : vector<32x128xi1> to vector<32x128xi32>
          %convert_element_type3A_1173 = arith.sitofp %convert_element_type3A_1172 : vector<32x128xi32> to vector<32x128xf32>
          %max3A_1174 = arith.maximumf %get3A_1171, %convert_element_type3A_1173 : vector<32x128xf32>
          %swap3A_1175 = arith.constant 0 : index
          %swap3A_1176 = arith.constant 0 : index
          %swap3A_1177 = vector.load %arg8[%swap3A_1175, %swap3A_1176] : memref<32x128xf32, #tpu.memory_space<vmem>>, vector<32x128xf32>
          tpu.vector_store %arg8[%swap3A_1175, %swap3A_1176], %max3A_1174 {strides = array<i32>} : memref<32x128xf32, #tpu.memory_space<vmem>>, vector<32x128xf32>,
          %get3A_1178 = arith.constant 0 : index
          %get3A_1179 = memref.load %arg10[%get3A_1178] : memref<1xi32, #tpu.memory_space<smem>>
          %lt3A_1180 = arith.constant 500 : i32
          %lt3A_1181 = arith.cmpi slt, %get3A_1179, %lt3A_1180 : i32
          %convert_element_type3A_1182 = arith.extui %lt3A_1181 : i1 to i32
          %cond3A_1183 = arith.constant 0 : i32
          %cond3A_1184 = arith.cmpi ne, %convert_element_type3A_1182, %cond3A_1183 : i32
          scf.if %cond3A_1184 {
            %get3A_1189 = arith.constant 0 : index
            %get3A_1190 = arith.index_cast %add3A_1038 : i32 to index
            %get3A_1191 = arith.constant 0 : index
            %get3A_1192 = vector.load %arg2[%get3A_1189, %get3A_1190, %get3A_1191] : memref<1x4096x16xf32, #tpu.memory_space<vmem>>, vector<1x1x16xf32>
            %get3A_1193 = vector.shape_cast %get3A_1192 : vector<1x1x16xf32> to vector<1x16xf32>
            %swap3A_1194 = arith.constant 0 : index
            %swap3A_1195 = arith.index_cast %get3A_1179 : i32 to index
            %swap3A_1196 = arith.constant 0 : index
            %swap3A_1197 = vector.load %arg6[%swap3A_1194, %swap3A_1195, %swap3A_1196] : memref<1x512x16xf32, #tpu.memory_space<vmem>>, vector<1x1x16xf32>
            %swap3A_1198 = vector.shape_cast %swap3A_1197 : vector<1x1x16xf32> to vector<1x16xf32>
            %swap3A_1199 = vector.shape_cast %get3A_1193 : vector<1x16xf32> to vector<1x1x16xf32>
            tpu.vector_store %arg6[%swap3A_1194, %swap3A_1195, %swap3A_1196], %swap3A_1199 {strides = array<i32>} : memref<1x512x16xf32, #tpu.memory_space<vmem>>, vector<1x1x16xf32>,
            %get3A_1200 = arith.constant 0 : index
            %get3A_1201 = arith.index_cast %add3A_1038 : i32 to index
            %get3A_1202 = arith.constant 0 : index
            %get3A_1203 = vector.load %arg5[%get3A_1200, %get3A_1201, %get3A_1202] : memref<1x4096x1xi32, #tpu.memory_space<vmem>>, vector<1x1x1xi32>
            %get3A_1204 = vector.shape_cast %get3A_1203 : vector<1x1x1xi32> to vector<1x1xi32>
            %swap3A_1205 = arith.constant 0 : index
            %swap3A_1206 = arith.index_cast %get3A_1179 : i32 to index
            %swap3A_1207 = arith.constant 0 : index
            %swap3A_1208 = vector.load %arg7[%swap3A_1205, %swap3A_1206, %swap3A_1207] : memref<1x512x1xi32, #tpu.memory_space<vmem>>, vector<1x1x1xi32>
            %swap3A_1209 = vector.shape_cast %swap3A_1208 : vector<1x1x1xi32> to vector<1x1xi32>
            %swap3A_1210 = vector.shape_cast %get3A_1204 : vector<1x1xi32> to vector<1x1x1xi32>
            tpu.vector_store %arg7[%swap3A_1205, %swap3A_1206, %swap3A_1207], %swap3A_1210 {strides = array<i32>} : memref<1x512x1xi32, #tpu.memory_space<vmem>>, vector<1x1x1xi32>,
          } else {
          }
          %add3A_1185 = arith.constant 1 : i32
          %add3A_1186 = arith.addi %get3A_1179, %add3A_1185 : i32
          %swap3A_1187 = arith.constant 0 : index
          %swap3A_1188 = memref.load %arg10[%swap3A_1187] : memref<1xi32, #tpu.memory_space<smem>>
          memref.store %add3A_1186, %arg10[%swap3A_1187] : memref<1xi32, #tpu.memory_space<smem>>
        } else {
        }
        %add3A_1082 = arith.constant 6 : i32
        %add3A_1083 = arith.addi %mul3A_119, %add3A_1082 : i32
        %eq3A_1084 = arith.constant 0 : i32
        %eq3A_1085 = arith.cmpi eq, %or3A_1060, %eq3A_1084 : i32
        %lt3A_1086 = arith.cmpi slt, %add3A_1083, %get3A_0 : i32
        %and3A_1087 = arith.andi %eq3A_1085, %lt3A_1086 : i1
        %min3A_1088 = arith.minimumf %add3A_439, %add3A_442 : f32
        %max3A_1089 = arith.maximumf %sub3A_415, %sub3A_418 : f32
        %sub3A_1090 = arith.subf %min3A_1088, %max3A_1089 : f32
        %min3A_1091 = arith.minimumf %add3A_487, %add3A_490 : f32
        %max3A_1092 = arith.maximumf %sub3A_463, %sub3A_466 : f32
        %sub3A_1093 = arith.subf %min3A_1091, %max3A_1092 : f32
        %max3A_1094 = arith.constant 0.000000e+00 : f32
        %max3A_1095 = arith.maximumf %sub3A_1090, %max3A_1094 : f32
        %max3A_1096 = arith.constant 0.000000e+00 : f32
        %max3A_1097 = arith.maximumf %sub3A_1093, %max3A_1096 : f32
        %mul3A_1098 = arith.mulf %max3A_1095, %max3A_1097 : f32
        %add3A_1099 = arith.addf %mul3A_511, %mul3A_514 : f32
        %sub3A_1100 = arith.subf %add3A_1099, %mul3A_1098 : f32
        %mul3A_1101 = arith.mulf %while3A, %sub3A_1100 : f32
        %gt3A_1102 = arith.cmpf ogt, %mul3A_1098, %mul3A_1101 : f32
        %and3A_1103 = arith.andi %and3A_1087, %gt3A_1102 : i1
        %convert_element_type3A_1104 = arith.extui %and3A_1103 : i1 to i32
        %or3A_1105 = arith.ori %or3A_1078, %convert_element_type3A_1104 : i32
        %convert_element_type3A_1106 = arith.extui %and3A_1087 : i1 to i32
        %cond3A_1107 = arith.constant 0 : i32
        %cond3A_1108 = arith.cmpi ne, %convert_element_type3A_1106, %cond3A_1107 : i32
        scf.if %cond3A_1108 {
          %get3A_1118 = arith.constant 1 : index
          %get3A_1119 = arith.constant 0 : index
          %get3A_1120 = arith.constant 0 : index
          %get3A_1121 = vector.load %arg9[%get3A_1118, %get3A_1119, %get3A_1120] : memref<5x32x128xf32, #tpu.memory_space<vmem>>, vector<1x32x128xf32>
          %get3A_1122 = vector.shape_cast %get3A_1121 : vector<1x32x128xf32> to vector<32x128xf32>
          %min3A_1123 = vector.broadcast %add3A_439 : f32 to vector<32x128xf32>
          %min3A_1124 = arith.minimumf %get3A_1122, %min3A_1123 : vector<32x128xf32>
          %get3A_1125 = arith.constant 0 : index
          %get3A_1126 = arith.constant 0 : index
          %get3A_1127 = arith.constant 0 : index
          %get3A_1128 = vector.load %arg9[%get3A_1125, %get3A_1126, %get3A_1127] : memref<5x32x128xf32, #tpu.memory_space<vmem>>, vector<1x32x128xf32>
          %get3A_1129 = vector.shape_cast %get3A_1128 : vector<1x32x128xf32> to vector<32x128xf32>
          %max3A_1130 = vector.broadcast %sub3A_415 : f32 to vector<32x128xf32>
          %max3A_1131 = arith.maximumf %get3A_1129, %max3A_1130 : vector<32x128xf32>
          %sub3A_1132 = arith.subf %min3A_1124, %max3A_1131 : vector<32x128xf32>
          %max3A_1133 = arith.constant 0.000000e+00 : f32
          %max3A_1134 = vector.broadcast %max3A_1133 : f32 to vector<32x128xf32>
          %max3A_1135 = arith.maximumf %sub3A_1132, %max3A_1134 : vector<32x128xf32>
          %get3A_1136 = arith.constant 3 : index
          %get3A_1137 = arith.constant 0 : index
          %get3A_1138 = arith.constant 0 : index
          %get3A_1139 = vector.load %arg9[%get3A_1136, %get3A_1137, %get3A_1138] : memref<5x32x128xf32, #tpu.memory_space<vmem>>, vector<1x32x128xf32>
          %get3A_1140 = vector.shape_cast %get3A_1139 : vector<1x32x128xf32> to vector<32x128xf32>
          %min3A_1141 = vector.broadcast %add3A_487 : f32 to vector<32x128xf32>
          %min3A_1142 = arith.minimumf %get3A_1140, %min3A_1141 : vector<32x128xf32>
          %get3A_1143 = arith.constant 2 : index
          %get3A_1144 = arith.constant 0 : index
          %get3A_1145 = arith.constant 0 : index
          %get3A_1146 = vector.load %arg9[%get3A_1143, %get3A_1144, %get3A_1145] : memref<5x32x128xf32, #tpu.memory_space<vmem>>, vector<1x32x128xf32>
          %get3A_1147 = vector.shape_cast %get3A_1146 : vector<1x32x128xf32> to vector<32x128xf32>
          %max3A_1148 = vector.broadcast %sub3A_463 : f32 to vector<32x128xf32>
          %max3A_1149 = arith.maximumf %get3A_1147, %max3A_1148 : vector<32x128xf32>
          %sub3A_1150 = arith.subf %min3A_1142, %max3A_1149 : vector<32x128xf32>
          %max3A_1151 = arith.constant 0.000000e+00 : f32
          %max3A_1152 = vector.broadcast %max3A_1151 : f32 to vector<32x128xf32>
          %max3A_1153 = arith.maximumf %sub3A_1150, %max3A_1152 : vector<32x128xf32>
          %mul3A_1154 = arith.mulf %max3A_1135, %max3A_1153 : vector<32x128xf32>
          %get3A_1155 = arith.constant 4 : index
          %get3A_1156 = arith.constant 0 : index
          %get3A_1157 = arith.constant 0 : index
          %get3A_1158 = vector.load %arg9[%get3A_1155, %get3A_1156, %get3A_1157] : memref<5x32x128xf32, #tpu.memory_space<vmem>>, vector<1x32x128xf32>
          %get3A_1159 = vector.shape_cast %get3A_1158 : vector<1x32x128xf32> to vector<32x128xf32>
          %add3A_1160 = vector.broadcast %mul3A_511 : f32 to vector<32x128xf32>
          %add3A_1161 = arith.addf %get3A_1159, %add3A_1160 : vector<32x128xf32>
          %sub3A_1162 = arith.subf %add3A_1161, %mul3A_1154 : vector<32x128xf32>
          %mul3A_1163 = vector.broadcast %while3A : f32 to vector<32x128xf32>
          %mul3A_1164 = arith.mulf %mul3A_1163, %sub3A_1162 : vector<32x128xf32>
          %gt3A_1165 = arith.cmpf ogt, %mul3A_1154, %mul3A_1164 : vector<32x128xf32>
          %gt3A_1166 = vector.broadcast %add3A_1083 : i32 to vector<32x128xi32>
          %gt3A_1167 = arith.cmpi sgt, %add3A_97, %gt3A_1166 : vector<32x128xi32>
          %and3A_1168 = arith.andi %gt3A_1165, %gt3A_1167 : vector<32x128xi1>
          %get3A_1169 = arith.constant 0 : index
          %get3A_1170 = arith.constant 0 : index
          %get3A_1171 = vector.load %arg8[%get3A_1169, %get3A_1170] : memref<32x128xf32, #tpu.memory_space<vmem>>, vector<32x128xf32>
          %convert_element_type3A_1172 = arith.extui %and3A_1168 : vector<32x128xi1> to vector<32x128xi32>
          %convert_element_type3A_1173 = arith.sitofp %convert_element_type3A_1172 : vector<32x128xi32> to vector<32x128xf32>
          %max3A_1174 = arith.maximumf %get3A_1171, %convert_element_type3A_1173 : vector<32x128xf32>
          %swap3A_1175 = arith.constant 0 : index
          %swap3A_1176 = arith.constant 0 : index
          %swap3A_1177 = vector.load %arg8[%swap3A_1175, %swap3A_1176] : memref<32x128xf32, #tpu.memory_space<vmem>>, vector<32x128xf32>
          tpu.vector_store %arg8[%swap3A_1175, %swap3A_1176], %max3A_1174 {strides = array<i32>} : memref<32x128xf32, #tpu.memory_space<vmem>>, vector<32x128xf32>,
          %get3A_1178 = arith.constant 0 : index
          %get3A_1179 = memref.load %arg10[%get3A_1178] : memref<1xi32, #tpu.memory_space<smem>>
          %lt3A_1180 = arith.constant 500 : i32
          %lt3A_1181 = arith.cmpi slt, %get3A_1179, %lt3A_1180 : i32
          %convert_element_type3A_1182 = arith.extui %lt3A_1181 : i1 to i32
          %cond3A_1183 = arith.constant 0 : i32
          %cond3A_1184 = arith.cmpi ne, %convert_element_type3A_1182, %cond3A_1183 : i32
          scf.if %cond3A_1184 {
            %get3A_1189 = arith.constant 0 : index
            %get3A_1190 = arith.index_cast %add3A_1083 : i32 to index
            %get3A_1191 = arith.constant 0 : index
            %get3A_1192 = vector.load %arg2[%get3A_1189, %get3A_1190, %get3A_1191] : memref<1x4096x16xf32, #tpu.memory_space<vmem>>, vector<1x1x16xf32>
            %get3A_1193 = vector.shape_cast %get3A_1192 : vector<1x1x16xf32> to vector<1x16xf32>
            %swap3A_1194 = arith.constant 0 : index
            %swap3A_1195 = arith.index_cast %get3A_1179 : i32 to index
            %swap3A_1196 = arith.constant 0 : index
            %swap3A_1197 = vector.load %arg6[%swap3A_1194, %swap3A_1195, %swap3A_1196] : memref<1x512x16xf32, #tpu.memory_space<vmem>>, vector<1x1x16xf32>
            %swap3A_1198 = vector.shape_cast %swap3A_1197 : vector<1x1x16xf32> to vector<1x16xf32>
            %swap3A_1199 = vector.shape_cast %get3A_1193 : vector<1x16xf32> to vector<1x1x16xf32>
            tpu.vector_store %arg6[%swap3A_1194, %swap3A_1195, %swap3A_1196], %swap3A_1199 {strides = array<i32>} : memref<1x512x16xf32, #tpu.memory_space<vmem>>, vector<1x1x16xf32>,
            %get3A_1200 = arith.constant 0 : index
            %get3A_1201 = arith.index_cast %add3A_1083 : i32 to index
            %get3A_1202 = arith.constant 0 : index
            %get3A_1203 = vector.load %arg5[%get3A_1200, %get3A_1201, %get3A_1202] : memref<1x4096x1xi32, #tpu.memory_space<vmem>>, vector<1x1x1xi32>
            %get3A_1204 = vector.shape_cast %get3A_1203 : vector<1x1x1xi32> to vector<1x1xi32>
            %swap3A_1205 = arith.constant 0 : index
            %swap3A_1206 = arith.index_cast %get3A_1179 : i32 to index
            %swap3A_1207 = arith.constant 0 : index
            %swap3A_1208 = vector.load %arg7[%swap3A_1205, %swap3A_1206, %swap3A_1207] : memref<1x512x1xi32, #tpu.memory_space<vmem>>, vector<1x1x1xi32>
            %swap3A_1209 = vector.shape_cast %swap3A_1208 : vector<1x1x1xi32> to vector<1x1xi32>
            %swap3A_1210 = vector.shape_cast %get3A_1204 : vector<1x1xi32> to vector<1x1x1xi32>
            tpu.vector_store %arg7[%swap3A_1205, %swap3A_1206, %swap3A_1207], %swap3A_1210 {strides = array<i32>} : memref<1x512x1xi32, #tpu.memory_space<vmem>>, vector<1x1x1xi32>,
          } else {
          }
          %add3A_1185 = arith.constant 1 : i32
          %add3A_1186 = arith.addi %get3A_1179, %add3A_1185 : i32
          %swap3A_1187 = arith.constant 0 : index
          %swap3A_1188 = memref.load %arg10[%swap3A_1187] : memref<1xi32, #tpu.memory_space<smem>>
          memref.store %add3A_1186, %arg10[%swap3A_1187] : memref<1xi32, #tpu.memory_space<smem>>
        } else {
        }
        %add3A_1109 = arith.constant 7 : i32
        %add3A_1110 = arith.addi %mul3A_119, %add3A_1109 : i32
        %eq3A_1111 = arith.constant 0 : i32
        %eq3A_1112 = arith.cmpi eq, %or3A_1105, %eq3A_1111 : i32
        %lt3A_1113 = arith.cmpi slt, %add3A_1110, %get3A_0 : i32
        %and3A_1114 = arith.andi %eq3A_1112, %lt3A_1113 : i1
        %convert_element_type3A_1115 = arith.extui %and3A_1114 : i1 to i32
        %cond3A_1116 = arith.constant 0 : i32
        %cond3A_1117 = arith.cmpi ne, %convert_element_type3A_1115, %cond3A_1116 : i32
        scf.if %cond3A_1117 {
          %get3A_1118 = arith.constant 1 : index
          %get3A_1119 = arith.constant 0 : index
          %get3A_1120 = arith.constant 0 : index
          %get3A_1121 = vector.load %arg9[%get3A_1118, %get3A_1119, %get3A_1120] : memref<5x32x128xf32, #tpu.memory_space<vmem>>, vector<1x32x128xf32>
          %get3A_1122 = vector.shape_cast %get3A_1121 : vector<1x32x128xf32> to vector<32x128xf32>
          %min3A_1123 = vector.broadcast %add3A_442 : f32 to vector<32x128xf32>
          %min3A_1124 = arith.minimumf %get3A_1122, %min3A_1123 : vector<32x128xf32>
          %get3A_1125 = arith.constant 0 : index
          %get3A_1126 = arith.constant 0 : index
          %get3A_1127 = arith.constant 0 : index
          %get3A_1128 = vector.load %arg9[%get3A_1125, %get3A_1126, %get3A_1127] : memref<5x32x128xf32, #tpu.memory_space<vmem>>, vector<1x32x128xf32>
          %get3A_1129 = vector.shape_cast %get3A_1128 : vector<1x32x128xf32> to vector<32x128xf32>
          %max3A_1130 = vector.broadcast %sub3A_418 : f32 to vector<32x128xf32>
          %max3A_1131 = arith.maximumf %get3A_1129, %max3A_1130 : vector<32x128xf32>
          %sub3A_1132 = arith.subf %min3A_1124, %max3A_1131 : vector<32x128xf32>
          %max3A_1133 = arith.constant 0.000000e+00 : f32
          %max3A_1134 = vector.broadcast %max3A_1133 : f32 to vector<32x128xf32>
          %max3A_1135 = arith.maximumf %sub3A_1132, %max3A_1134 : vector<32x128xf32>
          %get3A_1136 = arith.constant 3 : index
          %get3A_1137 = arith.constant 0 : index
          %get3A_1138 = arith.constant 0 : index
          %get3A_1139 = vector.load %arg9[%get3A_1136, %get3A_1137, %get3A_1138] : memref<5x32x128xf32, #tpu.memory_space<vmem>>, vector<1x32x128xf32>
          %get3A_1140 = vector.shape_cast %get3A_1139 : vector<1x32x128xf32> to vector<32x128xf32>
          %min3A_1141 = vector.broadcast %add3A_490 : f32 to vector<32x128xf32>
          %min3A_1142 = arith.minimumf %get3A_1140, %min3A_1141 : vector<32x128xf32>
          %get3A_1143 = arith.constant 2 : index
          %get3A_1144 = arith.constant 0 : index
          %get3A_1145 = arith.constant 0 : index
          %get3A_1146 = vector.load %arg9[%get3A_1143, %get3A_1144, %get3A_1145] : memref<5x32x128xf32, #tpu.memory_space<vmem>>, vector<1x32x128xf32>
          %get3A_1147 = vector.shape_cast %get3A_1146 : vector<1x32x128xf32> to vector<32x128xf32>
          %max3A_1148 = vector.broadcast %sub3A_466 : f32 to vector<32x128xf32>
          %max3A_1149 = arith.maximumf %get3A_1147, %max3A_1148 : vector<32x128xf32>
          %sub3A_1150 = arith.subf %min3A_1142, %max3A_1149 : vector<32x128xf32>
          %max3A_1151 = arith.constant 0.000000e+00 : f32
          %max3A_1152 = vector.broadcast %max3A_1151 : f32 to vector<32x128xf32>
          %max3A_1153 = arith.maximumf %sub3A_1150, %max3A_1152 : vector<32x128xf32>
          %mul3A_1154 = arith.mulf %max3A_1135, %max3A_1153 : vector<32x128xf32>
          %get3A_1155 = arith.constant 4 : index
          %get3A_1156 = arith.constant 0 : index
          %get3A_1157 = arith.constant 0 : index
          %get3A_1158 = vector.load %arg9[%get3A_1155, %get3A_1156, %get3A_1157] : memref<5x32x128xf32, #tpu.memory_space<vmem>>, vector<1x32x128xf32>
          %get3A_1159 = vector.shape_cast %get3A_1158 : vector<1x32x128xf32> to vector<32x128xf32>
          %add3A_1160 = vector.broadcast %mul3A_514 : f32 to vector<32x128xf32>
          %add3A_1161 = arith.addf %get3A_1159, %add3A_1160 : vector<32x128xf32>
          %sub3A_1162 = arith.subf %add3A_1161, %mul3A_1154 : vector<32x128xf32>
          %mul3A_1163 = vector.broadcast %while3A : f32 to vector<32x128xf32>
          %mul3A_1164 = arith.mulf %mul3A_1163, %sub3A_1162 : vector<32x128xf32>
          %gt3A_1165 = arith.cmpf ogt, %mul3A_1154, %mul3A_1164 : vector<32x128xf32>
          %gt3A_1166 = vector.broadcast %add3A_1110 : i32 to vector<32x128xi32>
          %gt3A_1167 = arith.cmpi sgt, %add3A_97, %gt3A_1166 : vector<32x128xi32>
          %and3A_1168 = arith.andi %gt3A_1165, %gt3A_1167 : vector<32x128xi1>
          %get3A_1169 = arith.constant 0 : index
          %get3A_1170 = arith.constant 0 : index
          %get3A_1171 = vector.load %arg8[%get3A_1169, %get3A_1170] : memref<32x128xf32, #tpu.memory_space<vmem>>, vector<32x128xf32>
          %convert_element_type3A_1172 = arith.extui %and3A_1168 : vector<32x128xi1> to vector<32x128xi32>
          %convert_element_type3A_1173 = arith.sitofp %convert_element_type3A_1172 : vector<32x128xi32> to vector<32x128xf32>
          %max3A_1174 = arith.maximumf %get3A_1171, %convert_element_type3A_1173 : vector<32x128xf32>
          %swap3A_1175 = arith.constant 0 : index
          %swap3A_1176 = arith.constant 0 : index
          %swap3A_1177 = vector.load %arg8[%swap3A_1175, %swap3A_1176] : memref<32x128xf32, #tpu.memory_space<vmem>>, vector<32x128xf32>
          tpu.vector_store %arg8[%swap3A_1175, %swap3A_1176], %max3A_1174 {strides = array<i32>} : memref<32x128xf32, #tpu.memory_space<vmem>>, vector<32x128xf32>,
          %get3A_1178 = arith.constant 0 : index
          %get3A_1179 = memref.load %arg10[%get3A_1178] : memref<1xi32, #tpu.memory_space<smem>>
          %lt3A_1180 = arith.constant 500 : i32
          %lt3A_1181 = arith.cmpi slt, %get3A_1179, %lt3A_1180 : i32
          %convert_element_type3A_1182 = arith.extui %lt3A_1181 : i1 to i32
          %cond3A_1183 = arith.constant 0 : i32
          %cond3A_1184 = arith.cmpi ne, %convert_element_type3A_1182, %cond3A_1183 : i32
          scf.if %cond3A_1184 {
            %get3A_1189 = arith.constant 0 : index
            %get3A_1190 = arith.index_cast %add3A_1110 : i32 to index
            %get3A_1191 = arith.constant 0 : index
            %get3A_1192 = vector.load %arg2[%get3A_1189, %get3A_1190, %get3A_1191] : memref<1x4096x16xf32, #tpu.memory_space<vmem>>, vector<1x1x16xf32>
            %get3A_1193 = vector.shape_cast %get3A_1192 : vector<1x1x16xf32> to vector<1x16xf32>
            %swap3A_1194 = arith.constant 0 : index
            %swap3A_1195 = arith.index_cast %get3A_1179 : i32 to index
            %swap3A_1196 = arith.constant 0 : index
            %swap3A_1197 = vector.load %arg6[%swap3A_1194, %swap3A_1195, %swap3A_1196] : memref<1x512x16xf32, #tpu.memory_space<vmem>>, vector<1x1x16xf32>
            %swap3A_1198 = vector.shape_cast %swap3A_1197 : vector<1x1x16xf32> to vector<1x16xf32>
            %swap3A_1199 = vector.shape_cast %get3A_1193 : vector<1x16xf32> to vector<1x1x16xf32>
            tpu.vector_store %arg6[%swap3A_1194, %swap3A_1195, %swap3A_1196], %swap3A_1199 {strides = array<i32>} : memref<1x512x16xf32, #tpu.memory_space<vmem>>, vector<1x1x16xf32>,
            %get3A_1200 = arith.constant 0 : index
            %get3A_1201 = arith.index_cast %add3A_1110 : i32 to index
            %get3A_1202 = arith.constant 0 : index
            %get3A_1203 = vector.load %arg5[%get3A_1200, %get3A_1201, %get3A_1202] : memref<1x4096x1xi32, #tpu.memory_space<vmem>>, vector<1x1x1xi32>
            %get3A_1204 = vector.shape_cast %get3A_1203 : vector<1x1x1xi32> to vector<1x1xi32>
            %swap3A_1205 = arith.constant 0 : index
            %swap3A_1206 = arith.index_cast %get3A_1179 : i32 to index
            %swap3A_1207 = arith.constant 0 : index
            %swap3A_1208 = vector.load %arg7[%swap3A_1205, %swap3A_1206, %swap3A_1207] : memref<1x512x1xi32, #tpu.memory_space<vmem>>, vector<1x1x1xi32>
            %swap3A_1209 = vector.shape_cast %swap3A_1208 : vector<1x1x1xi32> to vector<1x1xi32>
            %swap3A_1210 = vector.shape_cast %get3A_1204 : vector<1x1xi32> to vector<1x1x1xi32>
            tpu.vector_store %arg7[%swap3A_1205, %swap3A_1206, %swap3A_1207], %swap3A_1210 {strides = array<i32>} : memref<1x512x1xi32, #tpu.memory_space<vmem>>, vector<1x1x1xi32>,
          } else {
          }
          %add3A_1185 = arith.constant 1 : i32
          %add3A_1186 = arith.addi %get3A_1179, %add3A_1185 : i32
          %swap3A_1187 = arith.constant 0 : index
          %swap3A_1188 = memref.load %arg10[%swap3A_1187] : memref<1xi32, #tpu.memory_space<smem>>
          memref.store %add3A_1186, %arg10[%swap3A_1187] : memref<1xi32, #tpu.memory_space<smem>>
        } else {
        }
      } else {
      }
    }
    return
  }
  func.func @transform_0(%arg0: i32) -> i32 {
    %c0_i32 = arith.constant 0 : i32
    %c0_i32_0 = arith.constant 0 : i32
    return %c0_i32 : i32
  }
  func.func @transform_1(%arg0: i32) -> (i32, i32, i32) {
    %c0_i32 = arith.constant 0 : i32
    %c0_i32_0 = arith.constant 0 : i32
    %c0_i32_1 = arith.constant 0 : i32
    return %arg0, %c0_i32, %c0_i32_0 : i32, i32, i32
  }
  func.func @transform_2(%arg0: i32) -> (i32, i32, i32, i32) {
    %c0_i32 = arith.constant 0 : i32
    %c0_i32_0 = arith.constant 0 : i32
    %c0_i32_1 = arith.constant 0 : i32
    %c0_i32_2 = arith.constant 0 : i32
    return %arg0, %c0_i32, %c0_i32_0, %c0_i32_1 : i32, i32, i32, i32
  }
  func.func @transform_3(%arg0: i32) -> (i32, i32, i32, i32) {
    %c0_i32 = arith.constant 0 : i32
    %c0_i32_0 = arith.constant 0 : i32
    %c0_i32_1 = arith.constant 0 : i32
    %c0_i32_2 = arith.constant 0 : i32
    return %arg0, %c0_i32, %c0_i32_0, %c0_i32_1 : i32, i32, i32, i32
  }
  func.func @transform_4(%arg0: i32) -> (i32, i32, i32) {
    %c0_i32 = arith.constant 0 : i32
    %c0_i32_0 = arith.constant 0 : i32
    %c0_i32_1 = arith.constant 0 : i32
    return %arg0, %c0_i32, %c0_i32_0 : i32, i32, i32
  }
  func.func @transform_5(%arg0: i32) -> (i32, i32, i32) {
    %c0_i32 = arith.constant 0 : i32
    %c0_i32_0 = arith.constant 0 : i32
    %c0_i32_1 = arith.constant 0 : i32
    return %arg0, %c0_i32, %c0_i32_0 : i32, i32, i32
  }
  func.func @transform_6(%arg0: i32) -> (i32, i32, i32) {
    %c0_i32 = arith.constant 0 : i32
    %c0_i32_0 = arith.constant 0 : i32
    %c0_i32_1 = arith.constant 0 : i32
    return %arg0, %c0_i32, %c0_i32_0 : i32, i32, i32
  }
}

</mosaic_0001>

<sc_bundles>
// kernel: gather_offload_async_start.1
scs
__scs_entry_jumppad:
0x0: {  	(pc) =	sbr.rel $0x88, $3  }
0x1: {  	(tag) =	ssettag $0x0;
	lr =	simm.s32 $0x1  }
0x2: {  	[smem:$0x3F9F] =	sst lr;
	_ =	strace $0xD0000000  }
0x3: {  	_ = 	snop  }
0x4: {  	_ = 	snop  }
0x5: {  	_ = 	snop  }
0x6: {  	_ = 	snop  }
0x7: {  	_ = 	snop  }
__scs_overlays_trampoline_lowered:
0x8: {  	[smem:$0x3FAE] =	sst s0  }
0x9: {  	[smem:$0x3FAF] =	sst s1  }
0xa: {  	[smem:$0x3FB0] =	sst s2  }
0xb: {  	[smem:$0x3FB1] =	sst s3  }
0xc: {  	[smem:$0x3FB2] =	sst s4  }
0xd: {  	[smem:$0x3FB3] =	sst s5  }
0xe: {  	[smem:$0x3FB4] =	sst s6  }
0xf: {  	[smem:$0x3FB5] =	sst s7  }
0x10: {  	[smem:$0x3FB6] =	sst s8  }
0x11: {  	[smem:$0x3FB7] =	sst s9;
	s0 =	simm.s32 @!p0 $0x0  }
0x12: {  	s1 =	sld [smem:$0x3F9D];
	s0 =	simm.s32 @p0 $0x1  }
0x13: {  	[smem:$0x3FB8] =	sst s0;
	s0 =	simm.s32 @!p1 $0x0  }
0x14: {  	s2 =	sld [smem:$0x3F9C];
	s0 =	simm.s32 @p1 $0x1  }
0x15: {  	[smem:$0x3FB9] =	sst s0;
	s0 =	simm.s32 @!p2 $0x0  }
0x16: {  	s3 =	sld [smem:$0x3FDB];
	s0 =	simm.s32 @p2 $0x1  }
0x17: {  	s4 =	simm.s32 $0x1BF5;
	[smem:$0x3FBB] =	sst s0  }
0x18: {  	s0 =	sld [smem:$0x3F9E];
	_ =	swait.ge [sflag:s4], $0x0  }
0x19: {  	s7 =	sld [smem:$0x3F9F]  }
0x1a: {  	s8 =	sadd.s32 $0xFFFFE003, lr  }
0x1b: {  	s9 =	sadd.s32 $0xFFFFFEF7, lr;
	s5 =	simm.s32 $0xFFFFFFFF;
	p2 =	slt.u32 s8, $0xFFFFF086  }
0x1c: {  	p1 =	slt.u32 s9, $0xF7A;
	s5 =	simm.s32 @!p2 $0x0  }
0x1d: {  	s5 =	simm.s32 @p1 $0x1;
	p0 =	seq.s32 s7, s2  }
0x1e: {  	s7 =	smul.u32 @!p0 $0xF7A, s2;
	p2 =	seq.s32 @!p0 s5, $0x0  }
0x1f: {  	s9 =	smul.u32 $0xF7A, s1;
	s8 =	simm.s32 @!p0 $0x1BF5;
	p2 =	por !p2, p0  }
0x20: {  	[sflag:s8] =	ssyncset.s32 @!p0 $0xFFFFF086;
	s6 =	sadd.s32 @!p0 s3, s7;
	s7 =	simm.s32 @!p0 $0x108  }
0x21: {  	s3 =	sadd.s32 s3, s9;
	s6 =	sadd.s32 @!p0 $0x88, s6;
	s7 =	simm.s32 @p2 $0x1082  }
0x22: {  	[simem:s7], [sflag:s8] =	dma.local @!p0 [hbm:s6], $0xF7A  }
0x23: {  	s9 =	sor.u32 $0xD0000000, s2;
	s6 =	simm.s32 $0x108;
	_ =	swait.ge @!p0 [sflag:s8], $0x0  }
0x24: {  	s3 =	sadd.s32 $0x88, s3;
	s6 =	simm.s32 @!p1 $0x1082;
	[sflag:s4] =	ssyncset.s32 $0xFFFFF086  }
0x25: {  	[simem:s6], [sflag:s4] =	dma.local [hbm:s3], $0xF7A  }
0x26: {  	[smem:$0x3F9F] =	sst s1;
	(tag) =	ssettag s2;
	_ =	strace s9  }
0x27: {  	s1 =	sld [smem:$0x3FAF]  }
0x28: {  	s2 =	sld [smem:$0x3FB0]  }
0x29: {  	s4 =	sld [smem:$0x3FB2]  }
0x2a: {  	p0 =	seq.s32 s5, $0x0;
	s5 =	sld [smem:$0x3FB3]  }
0x2b: {  	s6 =	sld [smem:$0x3FB4]  }
0x2c: {  	s7 =	sld [smem:$0x3FB5]  }
0x2d: {  	s3 =	simm.s32 $0x108;
	s8 =	sld [smem:$0x3FB6]  }
0x2e: {  	s3 =	simm.s32 @!p0 $0x1082;
	s9 =	sld [smem:$0x3FB7]  }
0x2f: {  	lr =	sadd.s32 s0, s3;
	s0 =	sld [smem:$0x3FAE]  }
0x30: {  	s3 =	sld [smem:$0x3FB1]  }
0x31: {  	[smem:$0x3FBA] =	sst s10  }
0x32: {  	s10 =	sld [smem:$0x3FB8];
	_ =	sdelay $0x3  }
0x33: {  	p0 =	seq.s32 s10, $0x1;
	s10 =	sld [smem:$0x3FBA];
	_ =	sdelay $0x3  }
0x34: {  	[smem:$0x3FBA] =	sst s10  }
0x35: {  	s10 =	sld [smem:$0x3FB9];
	_ =	sdelay $0x3  }
0x36: {  	p1 =	seq.s32 s10, $0x1;
	s10 =	sld [smem:$0x3FBA];
	_ =	sdelay $0x3  }
0x37: {  	[smem:$0x3FBA] =	sst s10  }
0x38: {  	s10 =	sld [smem:$0x3FBB]  }
0x39: {  	_ = 	snop;
	(pc) =	sbr.ind lr, $3  }
0x3a: {  	_ = 	snop  }
0x3b: {  	_ = 	snop  }
0x3c: {  	p2 =	seq.s32 s10, $0x1;
	s10 =	sld [smem:$0x3FBA]  }
0x3d: {  	_ =	shalt  }
0x3e: {  	_ =	shalt  }
0x3f: {  	_ =	shalt  }
0x40: {  	_ =	shalt  }
0x41: {  	_ =	shalt  }
0x42: {  	_ =	shalt  }
0x43: {  	_ =	shalt  }
0x44: {  	_ =	shalt  }
0x45: {  	_ =	shalt  }
0x46: {  	_ =	shalt  }
0x47: {  	_ =	shalt  }
0x48: {  	_ =	shalt  }
0x49: {  	_ =	shalt  }
0x4a: {  	_ =	shalt  }
0x4b: {  	_ =	shalt  }
0x4c: {  	_ =	shalt  }
0x4d: {  	_ =	shalt  }
0x4e: {  	_ =	shalt  }
0x4f: {  	_ =	shalt  }
0x50: {  	_ =	shalt  }
0x51: {  	_ =	shalt  }
0x52: {  	_ =	shalt  }
0x53: {  	_ =	shalt  }
0x54: {  	_ =	shalt  }
0x55: {  	_ =	shalt  }
0x56: {  	_ =	shalt  }
0x57: {  	_ =	shalt  }
0x58: {  	_ =	shalt  }
0x59: {  	_ =	shalt  }
0x5a: {  	_ =	shalt  }
0x5b: {  	_ =	shalt  }
0x5c: {  	_ =	shalt  }
0x5d: {  	_ =	shalt  }
0x5e: {  	_ =	shalt  }
0x5f: {  	_ =	shalt  }
0x60: {  	_ =	shalt  }
0x61: {  	_ =	shalt  }
0x62: {  	_ =	shalt  }
0x63: {  	_ =	shalt  }
0x64: {  	_ =	shalt  }
0x65: {  	_ =	shalt  }
0x66: {  	_ =	shalt  }
0x67: {  	_ =	shalt  }
0x68: {  	_ =	shalt  }
0x69: {  	_ =	shalt  }
0x6a: {  	_ =	shalt  }
0x6b: {  	_ =	shalt  }
0x6c: {  	_ =	shalt  }
0x6d: {  	_ =	shalt  }
0x6e: {  	_ =	shalt  }
0x6f: {  	_ =	shalt  }
0x70: {  	_ =	shalt  }
0x71: {  	_ =	shalt  }
0x72: {  	_ =	shalt  }
0x73: {  	_ =	shalt  }
0x74: {  	_ =	shalt  }
0x75: {  	_ =	shalt  }
0x76: {  	_ =	shalt  }
0x77: {  	_ =	shalt  }
0x78: {  	_ =	shalt  }
0x79: {  	_ =	shalt  }
0x7a: {  	_ =	shalt  }
0x7b: {  	_ =	shalt  }
0x7c: {  	_ =	shalt  }
0x7d: {  	_ =	shalt  }
0x7e: {  	_ =	shalt  }
0x7f: {  	_ =	shalt  }
0x80: {  	_ =	shalt  }
0x81: {  	_ =	shalt  }
0x82: {  	_ =	shalt  }
0x83: {  	_ =	shalt  }
0x84: {  	_ =	shalt  }
0x85: {  	_ =	shalt  }
0x86: {  	_ =	shalt  }
0x87: {  	_ =	shalt  }
.Lfunc_end0:
.L_simem_size_0:
called_computation.1_lowered:
.L_overlay_start_0:
0x88: {  	s2 =	sld [smem:$0x3FD9]  }
0x89: {  	s3 =	sld [smem:$0x3FFE];
	_ =	sdelay $0x1  }
0x8a: {  	s1 =	srdreg.scid  }
0x8b: {  	s0 =	sand.u32 $0x1, s1  }
0x8c: {  	s14 =	sshll.u32 s0, $0xA;
	s2 =	sadd.s32 s3, s2  }
0x8d: {  	s2 =	sadd.s32 s2, s14  }
0x8e: {  	[smem:$0x3FC6] =	sst s2  }
0x8f: {  	_ = 	snop  }
0x90: {  	s2 =	sld [smem:$0x3FD0];
	_ =	sdelay $0x2  }
0x91: {  	s15 =	simm.s32 $0xA;
	s4 =	simm.s32 $0x10  }
0x92: {  	[smem:s4], [sflag:s15] =	dma.local [hbm:s2], $0x1  }
0x93: {  	_ =	swait.eq [sflag:s15], $0x1  }
0x94: {  	[sflag:s15] =	ssyncset.done $0x0  }
0x95: {  	[sflag:s15] =	ssyncadd.s32 $0xFFFFFFFF  }
0x96: {  	s16 =	sld [smem:$0x10];
	(tm) =	ssettm $0x1  }
0x97: {  	s17 =	sld [smem:$0x3FFB];
	_ =	sdelay $0x3  }
0x98: {  	_ =	strace s17  }
0x99: {  	s3 =	sld [smem:$0x3FFC];
	_ =	sdelay $0x3  }
0x9a: {  	_ =	strace s3  }
0x9b: {  	s3 =	sld [smem:$0x3FFD];
	_ =	sdelay $0x3  }
0x9c: {  	_ =	strace s3  }
0x9d: {  	_ =	strace $0x8FFFFFFF  }
0x9e: {  	s18 =	sld [smem:$0x3FDB];
	_ =	sdelay $0x1  }
0x9f: {  	s19 =	simm.s32 $_scs_section_size  }
0xa0: {  	s5 =	simm.s32 $_size__tile_overlayer_lowered;
	s6 =	simm.s32 $_tile_overlayer_lowered  }
0xa1: {  	s22 =	simm.s32 $0x1BFF;
	s21 =	sshll.u32 s6, $0x1;
	s3 =	sadd.s32 s19, s18  }
0xa2: {  	s7 =	simm.s32 $0x0;
	s20 =	sshll.u32 s5, $0x1;
	s5 =	sadd.s32 s21, s3  }
0xa3: {  	[timem:s7], [sflag:s22] =	dma.local [hbm:s5], s20  }
0xa4: {  	_ =	swait.ge [sflag:s22], s20  }
0xa5: {  	s4 =	ssub.s32 $0x0, s20;
	[sflag:s22] =	ssyncset.done $0x0  }
0xa6: {  	[sflag:s22] =	ssyncadd.s32 s4;
	_ =	sdelay $0x1  }
0xa7: {  	s23 =	simm.s32 $0x1B8B  }
0xa8: {  	_ =	swait.ge [sflag:s23], $0x1  }
0xa9: {  	[sflag:s23] =	ssyncset.done $0x0  }
0xaa: {  	s25 =	simm.s32 $0x1B8E;
	s24 =	sld [smem:$0x3FFE];
	[sflag:s23] =	ssyncadd.s32 $0xFFFFFFFF  }
0xab: {  	s26 =	simm.s32 $execute0_lowered;
	[smem:$0x3FD2] =	sst s25  }
0xac: {  	s5 =	sshll.u32 s26, $0x1;
	_ =	strace $0x80000046;
	[dreg:$0x1] =	wrdreg $0xFFFFFFFF  }
0xad: {  	s28 =	simm.s32 $_size_execute0_lowered;
	s3 =	sadd.s32 s3, s5;
	[dreg:$0x0] =	wrdreg $0x0  }
0xae: {  	s5 =	sshll.u32 s28, $0x1;
	[dreg:$0x2] =	wrdreg s3  }
0xaf: {  	[dreg:$0x3] =	wrdreg s5  }
0xb0: {  	[dreg:$0x4] =	wrdreg $0xC0  }
0xb1: {  	_ =	task [dreg:s7], $0x5FFFF  }
0xb2: {  	[dreg:$0x1] =	wrdreg $0xFFFFFFFF  }
0xb3: {  	[dreg:$0x0] =	wrdreg $0x60  }
0xb4: {  	[dreg:$0x2] =	wrdreg s24  }
0xb5: {  	[dreg:$0x3] =	wrdreg s16  }
0xb6: {  	[dreg:$0x4] =	wrdreg $0x9  }
0xb7: {  	_ =	task.clear_ibuf [dreg:s7], $0x5FFFF;
	_ =	strace $0x90000046  }
0xb8: {  	s29 =	simm.s32 $0x9;
	_ =	strace $0x80000048  }
0xb9: {  	_ =	swait.ge [sflag:s29], $0x1  }
0xba: {  	[sflag:s29] =	ssyncadd.s32 $0xFFFFFFFF  }
0xbb: {  	_ =	strace $0x90000048  }
0xbc: {  	_ =	sfence  }
0xbd: {  	s30 =	sld [smem:$0x0];
	_ =	sdelay $0x2  }
0xbe: {  	s31 =	sshll.u32 s1, $0xD;
	s1 =	sshrl.u32 s1, $0x2  }
0xbf: {  	s3 =	sand.u32 $0x4000, s31;
	s1 =	sadd.s32 s1, s30  }
0xc0: {  	s0 =	sor.u32 s3, s0;
	s1 =	sshll.u32 s1, $0x11  }
0xc1: {  	s0 =	sor.u32 s1, s0  }
0xc2: {  	s0 =	sadd.s32 $0x8F2B, s0  }
0xc3: {  	[sflag:s0] =	ssyncadd.remote.s32 $0x1  }
0xc4: {  	_ =	sfence.sel $0xFFFF  }
0xc5: {  	[dreg:$0x0] =	wrdreg $0xFFFFFFFF;
	(pc) =	sbr.abs _section_cstart, $3  }
0xc6: {  	[dreg:$0x1] =	wrdreg $0xFFFFFFFF  }
0xc7: {  	_ =	task.clear_ibuf [dreg:s7], $0x2FFFF;
	_ =	strace $0x9FFFFFFF  }
0xc8: {  	(tm) =	ssettm $0x7FFFFFFF  }
0xc9: {  	_ =	shalt  }
tec
execute0_lowered:
.L_overlay_start_1:
0x0: {  	(tag) =	ssettag $0x1  }
0x1: {  	s1 =	srdreg.scid;
	s2 =	rddreg [dreg:$0x0]  }
0x2: {  	s0 =	stileid.u32;
	s3 =	rddreg [dreg:$0x1]  }
0x3: {  	s6 =	simm.s32 $0x1;
	s9 =	simm.s32 $0x1;
	s1 =	sshll.u32 s1, $0x7  }
0x4: {  	s10 =	simm.s32 $0x3;
	s4 =	sshll.u32 s0, $0x8;
	s5 =	sand.u32 $0x80, s1  }
0x5: {  	s13 =	simm.s32 $0x0;
	s12 =	simm.s32 $0x0;
	s4 =	sor.u32 s4, s5  }
0x6: {  	s1 =	rddreg [dreg:$0x2];
	_ =	strace $0x80000047;
	s8 =	ssub.s32 $0x2000, s4  }
.Ltmp0:
0x7: {  	s5 =	sadd.s32 $0x9D800, s2;
	s7 =	sand.u32 $0xF80, s8;
	(pc) =	sbr.rel .LBB2_1-.Ltmp0, $4  }
0x8: {  	[sflag:s6] =	ssyncpa.u1 $0x0;
	s11 =	smov.u32 s4;
	p0 =	sne.s32 s7, $0x0  }
0x9: {  	s8 =	sshrl.u32 s8, $0xC;
	s7 =	simm.s32 $0x2;
	s9 =	simm.s32 @!p0 $0x0  }
0xa: {  	[sflag:s7] =	ssyncpa.u1 $0x0;
	p0 =	por $0x0, $0x0;
	s8 =	sadd.s32 s9, s8  }
0xb: {  	vm0 =	vmmov $0xffff;
	[sflag:s10] =	ssyncpa.u1 $0x0;
	s10 =	simm.s32 $0x0;
	s9 =	sadd.s32 $0x1, s8  }
.LBB2_4:
0xc: {  	vm1 =	veq.s32 v4, $0x80000000;
	v56 =	vand.u32 $0x1, v4;
	v6 =	vand.u32 $0x7FFF, v6  }
0xd: {  	v2 =	vor.u32 v2, v5;
	v59 =	vshrl.u32 v1, $0x1;
	v60 =	vand.u32 $0x1, v1  }
0xe: {  	v4 =	vsel vm1, $0xFFFFFFFF, v56;
	v6 =	vsel vm1, $0xFFFFFFFF, v6;
	v2 =	vor.u32 v3, v2  }
0xf: {  	vm1 =	veq.s32 v1, $0x80000000;
	v5 =	vand.u32 $0x7FFF, v59;
	v7 =	vshrl.u32 v4, $0x1  }
0x10: {  	v57 =	vshll.u32 v6, $0x1;
	v4 =	vshll.u32 v4, $0x7;
	v1 =	vsel vm1, $0xFFFFFFFF, v60  }
0x11: {  	v5 =	vsel vm1, $0xFFFFFFFF, v5;
	v6 =	vand.u32 $0x7F, v6;
	v7 =	vmul.u32 $0x9D00, v7  }
0x12: {  	v58 =	vand.u32 $0xFFFFFF00, v57;
	v4 =	vand.u32 $0x80, v4;
	v61 =	vshrl.u32 v1, $0x1  }
0x13: {  	v62 =	vshll.u32 v5, $0x1;
	v3 =	vadd.s32 v7, v58;
	v7 =	vmul.u32 $0x9D00, v61  }
0x14: {  	v1 =	vshll.u32 v1, $0x7;
	v3 =	vor.u32 v4, v3;
	v4 =	vand.u32 $0xFFFFFF00, v62  }
0x15: {  	v1 =	vand.u32 $0x80, v1;
	v3 =	vor.u32 v6, v3;
	v4 =	vadd.s32 v7, v4  }
0x16: {  	[tilespmem:s16], [sflag:$0x1] =	stream.indirect_vreg.gather [hbm4b:s2+s10], $0x1, v0, vm0, $0x4038;
	v63 =	vand.u32 $0x7F, v5;
	v1 =	vor.u32 v1, v4;
	[tilespmem:$0x200] =	vst v63  }
0x17: {  	s15 =	sadd.s32 $0x10, s15;
	(ifvalue) =	ssetifvalue $0x7FFFFFFF;
	v0 =	vor.u32 v63, v1  }
0x18: {  	[tilespmem:s15], [sflag:$0x1] =	stream.indirect_vreg.gather [hbm4b:s2+s10], $0x1, v2, vm0, $0x4038;
	[tilespmem:$0x200] =	vst v63  }
0x19: {  	s15 =	sadd.s32 $0x10, s15;
	(ifvalue) =	ssetifvalue $0x7FFFFFFF  }
0x1a: {  	[tilespmem:s15], [sflag:$0x1] =	stream.indirect_vreg.gather [hbm4b:s2+s10], $0x1, v3, vm0, $0x4038;
	[tilespmem:$0x200] =	vst v63  }
0x1b: {  	s15 =	sadd.s32 $0x10, s15;
	(ifvalue) =	ssetifvalue $0x7FFFFFFF  }
0x1c: {  	[tilespmem:s15], [sflag:$0x1] =	stream.indirect_vreg.gather [hbm4b:s2+s10], $0x1, v0, vm0, $0x4038;
	[tilespmem:$0x200] =	vst v63  }
0x1d: {  	_ =	swait.ge [sflag:s6], $0x80  }
0x1e: {  	s30 =	sshrl.u32 s13, $0x3;
	[sflag:s6] =	ssyncset.done $0x0  }
0x1f: {  	s31 =	sand.u32 $0x7, s13;
	s15 =	sadd.s32 s5, s30;
	[sflag:s6] =	ssyncadd.s32 $0xFFFFFF80  }
0x20: {  	[hbm4b:s15+s31] =	stream.linear.scatter [tilespmem:s14], [sflag:$0x3], $0x80, $0x38;
	[tilespmem:$0x200] =	vst v63  }
.LBB2_5:
0x21: {  	s15 =	sadd.s32 $0x1000, s11  }
0x22: {  	p2 =	sgt.s32 s15, $0x1FFF  }
0x23: {  	s15 =	smov.u32 @p2 s4;
	p2 =	sne.s32 s12, s9  }
.Ltmp1:
0x24: {  	p1 =	slt.u32 s12, $0x2;
	(pc) =	sbr.rel @!p2 .LBB2_6-.Ltmp1, $4  }
0x25: {  	s14 =	simm.s32 @!p1 $0x3  }
0x26: {  	s16 =	sadd.s32 $0x1, s12;
	_ =	swait.ge @!p1 [sflag:s14], $0x80  }
0x27: {  	s13 =	smov.u32 s11;
	p0 =	por !p0, !p0;
	[sflag:s14] =	ssyncset.done @!p1 $0x0  }
0x28: {  	s12 =	smov.u32 s16;
	s11 =	smov.u32 s15;
	[sflag:s14] =	ssyncadd.s32 @!p1 $0xFFFFFF80  }
.LBB2_1:
0x29: {  	p1 =	sge.u32 s12, s8  }
0x2a: {  	s14 =	sxor.u32 @!p1 $0xFFFFFFFF, s12  }
0x2b: {  	s31 =	sadd.s32 $0xFFFFFFFF, s12;
	s15 =	sshrl.u32 @!p1 s11, $0x3;
	s14 =	sshll.u32 @!p1 s14, $0x7  }
0x2c: {  	s16 =	sand.u32 @!p1 $0x7, s11;
	s15 =	sadd.s32 @!p1 s3, s15;
	s14 =	sand.u32 @!p1 $0x80, s14  }
0x2d: {  	[tilespmem:s14], [sflag:$0x2] =	stream.linear.gather @!p1 [hbm4b:s15+s16], $0x80, $0x38;
	[tilespmem:$0x200] =	vst v63  }
0x2e: {  	p1 =	sge.u32 s31, s8  }
.Ltmp2:
0x2f: {  	_ = 	snop;
	(pc) =	sbr.rel @p1 .LBB2_5-.Ltmp2, $1  }
0x30: {  	_ =	sdelay $0x3  }
0x31: {  	s14 =	simm.s32 $0x1  }
0x32: {  	_ =	swait.ge [sflag:s7], $0x80;
	s14 =	simm.s32 @!p0 $0x0  }
0x33: {  	[sflag:s7] =	ssyncset.done $0x0;
	s14 =	sshll.u32 s14, $0x7  }
0x34: {  	[sflag:s7] =	ssyncadd.s32 $0xFFFFFF80;
	(ifvalue) =	ssetifvalue $0x7FFFFFFF;
	v0 =	vld.msk [tilespmem:s14+$0x0 ss:$0x1], $0xffff  }
0x35: {  	s15 =	sadd.s32 $0x10, s14  }
0x36: {  	v1 =	vld.msk [tilespmem:s15+$0x0 ss:$0x1], $0xffff;
	_ =	sdelay $0x2  }
0x37: {  	v2 =	vshrl.u32 v0, $0x1  }
0x38: {  	vm1 =	veq.s32 v0, $0x80000000;
	v0 =	vand.u32 $0x1, v0;
	v2 =	vand.u32 $0x7FFF, v2  }
0x39: {  	v0 =	vsel vm1, $0xFFFFFFFF, v0;
	v6 =	vshrl.u32 v1, $0x1;
	v2 =	vsel vm1, $0xFFFFFFFF, v2  }
0x3a: {  	v3 =	vshrl.u32 v0, $0x1;
	v0 =	vshll.u32 v0, $0x7;
	vm1 =	veq.s32 v1, $0x80000000  }
0x3b: {  	s15 =	sadd.s32 $0x10, s15;
	v1 =	vand.u32 $0x1, v1;
	v4 =	vshll.u32 v2, $0x1;
	v3 =	vmul.u32 $0x9D00, v3  }
0x3c: {  	v0 =	vand.u32 $0x80, v0;
	v7 =	vand.u32 $0x7F, v2;
	v5 =	vand.u32 $0xFFFFFF00, v4;
	v4 =	vld.msk [tilespmem:s15+$0x0 ss:$0x1], $0xffff  }
0x3d: {  	v1 =	vsel vm1, $0xFFFFFFFF, v1;
	v2 =	vadd.s32 v3, v5;
	v3 =	vand.u32 $0x7FFF, v6  }
0x3e: {  	v3 =	vsel vm1, $0xFFFFFFFF, v3;
	v0 =	vor.u32 v0, v2;
	v2 =	vshrl.u32 v1, $0x1  }
0x3f: {  	s16 =	sshll.u32 s12, $0x7;
	s18 =	simm.s32 $0x30;
	v1 =	vshll.u32 v1, $0x7;
	v5 =	vshll.u32 v3, $0x1;
	v8 =	vmul.u32 $0x9D00, v2  }
0x40: {  	s31 =	sand.u32 $0x80, s16;
	s17 =	sadd.s32 $0x10, s15;
	s15 =	sor.u32 $0x100, s14;
	v2 =	vand.u32 $0x80, v1;
	v0 =	vor.u32 v7, v0;
	v5 =	vand.u32 $0xFFFFFF00, v5  }
0x41: {  	s14 =	sor.u32 $0x100, s31;
	s16 =	smov.u32 s15;
	v1 =	vld.msk [tilespmem:s17+$0x0 ss:$0x1], $0xffff;
	v3 =	vand.u32 $0x7F, v3;
	(ifvalue) =	ssetifvalue $0x7FFFFFFF;
	v6 =	vshrl.u32 v4, $0x1;
	v5 =	vadd.s32 v8, v5  }
.LBB2_3:
0x42: {  	s18 =	sadd.s32 $0x10, s18  }
0x43: {  	vm1 =	veq.s32 v4, $0x80000000;
	v4 =	vand.u32 $0x1, v4;
	v6 =	vand.u32 $0x7FFF, v6;
	s15 =	sadd.s32 $0x10, s15;
	p1 =	slt.u32 s18, $0x70  }
.Ltmp3:
0x44: {  	v5 =	vor.u32 v2, v5;
	v4 =	vsel vm1, $0xFFFFFFFF, v4;
	v7 =	vsel vm1, $0xFFFFFFFF, v6;
	(pc) =	sbr.rel @p1 .LBB2_3-.Ltmp3, $4  }
0x45: {  	v2 =	vshrl.u32 v4, $0x1;
	v6 =	vshll.u32 v7, $0x1;
	v4 =	vshll.u32 v4, $0x7;
	[tilespmem:s16], [sflag:$0x1] =	stream.indirect_vreg.gather [hbm4b:s2+s10], $0x1, v0, vm0, $0x4038;
	[tilespmem:$0x200] =	vst v63  }
0x46: {  	v0 =	vor.u32 v3, v5;
	s16 =	smov.u32 s15;
	v8 =	vmul.u32 $0x9D00, v2;
	v2 =	vand.u32 $0x80, v4  }
0x47: {  	s17 =	sadd.s32 $0x10, s17;
	v9 =	vand.u32 $0xFFFFFF00, v6  }
0x48: {  	v3 =	vand.u32 $0x7F, v7;
	v6 =	vshrl.u32 v1, $0x1;
	v5 =	vadd.s32 v8, v9;
	(ifvalue) =	ssetifvalue $0x7FFFFFFF;
	v4 =	vmovc v1;
	v1 =	vld.msk [tilespmem:s17+$0x0 ss:$0x1], $0xffff  }
.Ltmp4:
0x49: {  	_ = 	snop;
	(pc) =	sbr.rel .LBB2_4-.Ltmp4, $1  }
0x4a: {  	_ =	sdelay $0x3  }
.LBB2_6:
0x4b: {  	_ =	sfence.sel $0x180000  }
0x4c: {  	s2 =	simm.s32 $0x2;
	[bflag:$0x0] =	sbarrier.arrive $0xFFFF  }
0x4d: {  	s30 =	simm.s32 $0x3;
	[sflag:s2] =	ssyncpa.u1 $0x1  }
0x4e: {  	s31 =	simm.s32 $0x1;
	[sflag:s30] =	ssyncpa.u1 $0x1  }
0x4f: {  	[sflag:s31] =	ssyncpa.u1 $0x1  }
0x50: {  	p0 =	sne.s32 s0, $0x0;
	_ =	strace $0x90000047  }
0x51: {  	s0 =	sadd.s32 @!p0 $0x100000, s1;
	[bflag:$0x2] =	sbarrier.arrive $0xFFFF  }
0x52: {  	[sflag:s0] =	ssyncadd.tile.s32 @!p0 $0x1;
	_ =	shalt  }
.Lfunc_end2:
_tile_overlayer_lowered:
.L_overlay_start_2:
0x53: {  	(tag) =	ssettag $0x2  }
0x54: {  	s0 =	rddreg [dreg:$0x0];
	s2 =	stileid.u32  }
0x55: {  	s1 =	rddreg [dreg:$0x1];
	p0 =	sne.s32 s2, $0x0  }
0x56: {  	s3 =	rddreg [dreg:$0x2];
	[bflag:$0x3] =	sbarrier.arrive $0xFFFF;
	s2 =	simm.s32 @!p0 $0x1C01  }
0x57: {  	[timem:s3], [sflag:s2] =	dma.local @!p0 [hbm:s0], s1  }
0x58: {  	s0 =	simm.s32 @!p0 $0x1  }
0x59: {  	_ =	swait.ge @!p0 [sflag:s0], s1  }
0x5a: {  	s1 =	ssub.s32 @!p0 $0x0, s1;
	[sflag:s0] =	ssyncset.done @!p0 $0x0  }
0x5b: {  	[sflag:s0] =	ssyncadd.s32 @!p0 s1  }
0x5c: {  	[bflag:$0x3] =	sbarrier.arrive $0xFFFF  }
0x5d: {  	_ =	shalt  }

// kernel: gather_offload_async_start
scs
__scs_entry_jumppad:
0x0: {  	(pc) =	sbr.rel $0x88, $3  }
0x1: {  	(tag) =	ssettag $0x0;
	lr =	simm.s32 $0x1  }
0x2: {  	[smem:$0x3F9F] =	sst lr;
	_ =	strace $0xD0000000  }
0x3: {  	_ = 	snop  }
0x4: {  	_ = 	snop  }
0x5: {  	_ = 	snop  }
0x6: {  	_ = 	snop  }
0x7: {  	_ = 	snop  }
__scs_overlays_trampoline_lowered:
0x8: {  	[smem:$0x3FAE] =	sst s0  }
0x9: {  	[smem:$0x3FAF] =	sst s1  }
0xa: {  	[smem:$0x3FB0] =	sst s2  }
0xb: {  	[smem:$0x3FB1] =	sst s3  }
0xc: {  	[smem:$0x3FB2] =	sst s4  }
0xd: {  	[smem:$0x3FB3] =	sst s5  }
0xe: {  	[smem:$0x3FB4] =	sst s6  }
0xf: {  	[smem:$0x3FB5] =	sst s7  }
0x10: {  	[smem:$0x3FB6] =	sst s8  }
0x11: {  	[smem:$0x3FB7] =	sst s9;
	s0 =	simm.s32 @!p0 $0x0  }
0x12: {  	s1 =	sld [smem:$0x3F9D];
	s0 =	simm.s32 @p0 $0x1  }
0x13: {  	[smem:$0x3FB8] =	sst s0;
	s0 =	simm.s32 @!p1 $0x0  }
0x14: {  	s2 =	sld [smem:$0x3F9C];
	s0 =	simm.s32 @p1 $0x1  }
0x15: {  	[smem:$0x3FB9] =	sst s0;
	s0 =	simm.s32 @!p2 $0x0  }
0x16: {  	s3 =	sld [smem:$0x3FDB];
	s0 =	simm.s32 @p2 $0x1  }
0x17: {  	s4 =	simm.s32 $0x1BF5;
	[smem:$0x3FBB] =	sst s0  }
0x18: {  	s0 =	sld [smem:$0x3F9E];
	_ =	swait.ge [sflag:s4], $0x0  }
0x19: {  	s7 =	sld [smem:$0x3F9F]  }
0x1a: {  	s8 =	sadd.s32 $0xFFFFE003, lr  }
0x1b: {  	s9 =	sadd.s32 $0xFFFFFEF7, lr;
	s5 =	simm.s32 $0xFFFFFFFF;
	p2 =	slt.u32 s8, $0xFFFFF086  }
0x1c: {  	p1 =	slt.u32 s9, $0xF7A;
	s5 =	simm.s32 @!p2 $0x0  }
0x1d: {  	s5 =	simm.s32 @p1 $0x1;
	p0 =	seq.s32 s7, s2  }
0x1e: {  	s7 =	smul.u32 @!p0 $0xF7A, s2;
	p2 =	seq.s32 @!p0 s5, $0x0  }
0x1f: {  	s9 =	smul.u32 $0xF7A, s1;
	s8 =	simm.s32 @!p0 $0x1BF5;
	p2 =	por !p2, p0  }
0x20: {  	[sflag:s8] =	ssyncset.s32 @!p0 $0xFFFFF086;
	s6 =	sadd.s32 @!p0 s3, s7;
	s7 =	simm.s32 @!p0 $0x108  }
0x21: {  	s3 =	sadd.s32 s3, s9;
	s6 =	sadd.s32 @!p0 $0x88, s6;
	s7 =	simm.s32 @p2 $0x1082  }
0x22: {  	[simem:s7], [sflag:s8] =	dma.local @!p0 [hbm:s6], $0xF7A  }
0x23: {  	s9 =	sor.u32 $0xD0000000, s2;
	s6 =	simm.s32 $0x108;
	_ =	swait.ge @!p0 [sflag:s8], $0x0  }
0x24: {  	s3 =	sadd.s32 $0x88, s3;
	s6 =	simm.s32 @!p1 $0x1082;
	[sflag:s4] =	ssyncset.s32 $0xFFFFF086  }
0x25: {  	[simem:s6], [sflag:s4] =	dma.local [hbm:s3], $0xF7A  }
0x26: {  	[smem:$0x3F9F] =	sst s1;
	(tag) =	ssettag s2;
	_ =	strace s9  }
0x27: {  	s1 =	sld [smem:$0x3FAF]  }
0x28: {  	s2 =	sld [smem:$0x3FB0]  }
0x29: {  	s4 =	sld [smem:$0x3FB2]  }
0x2a: {  	p0 =	seq.s32 s5, $0x0;
	s5 =	sld [smem:$0x3FB3]  }
0x2b: {  	s6 =	sld [smem:$0x3FB4]  }
0x2c: {  	s7 =	sld [smem:$0x3FB5]  }
0x2d: {  	s3 =	simm.s32 $0x108;
	s8 =	sld [smem:$0x3FB6]  }
0x2e: {  	s3 =	simm.s32 @!p0 $0x1082;
	s9 =	sld [smem:$0x3FB7]  }
0x2f: {  	lr =	sadd.s32 s0, s3;
	s0 =	sld [smem:$0x3FAE]  }
0x30: {  	s3 =	sld [smem:$0x3FB1]  }
0x31: {  	[smem:$0x3FBA] =	sst s10  }
0x32: {  	s10 =	sld [smem:$0x3FB8];
	_ =	sdelay $0x3  }
0x33: {  	p0 =	seq.s32 s10, $0x1;
	s10 =	sld [smem:$0x3FBA];
	_ =	sdelay $0x3  }
0x34: {  	[smem:$0x3FBA] =	sst s10  }
0x35: {  	s10 =	sld [smem:$0x3FB9];
	_ =	sdelay $0x3  }
0x36: {  	p1 =	seq.s32 s10, $0x1;
	s10 =	sld [smem:$0x3FBA];
	_ =	sdelay $0x3  }
0x37: {  	[smem:$0x3FBA] =	sst s10  }
0x38: {  	s10 =	sld [smem:$0x3FBB]  }
0x39: {  	_ = 	snop;
	(pc) =	sbr.ind lr, $3  }
0x3a: {  	_ = 	snop  }
0x3b: {  	_ = 	snop  }
0x3c: {  	p2 =	seq.s32 s10, $0x1;
	s10 =	sld [smem:$0x3FBA]  }
0x3d: {  	_ =	shalt  }
0x3e: {  	_ =	shalt  }
0x3f: {  	_ =	shalt  }
0x40: {  	_ =	shalt  }
0x41: {  	_ =	shalt  }
0x42: {  	_ =	shalt  }
0x43: {  	_ =	shalt  }
0x44: {  	_ =	shalt  }
0x45: {  	_ =	shalt  }
0x46: {  	_ =	shalt  }
0x47: {  	_ =	shalt  }
0x48: {  	_ =	shalt  }
0x49: {  	_ =	shalt  }
0x4a: {  	_ =	shalt  }
0x4b: {  	_ =	shalt  }
0x4c: {  	_ =	shalt  }
0x4d: {  	_ =	shalt  }
0x4e: {  	_ =	shalt  }
0x4f: {  	_ =	shalt  }
0x50: {  	_ =	shalt  }
0x51: {  	_ =	shalt  }
0x52: {  	_ =	shalt  }
0x53: {  	_ =	shalt  }
0x54: {  	_ =	shalt  }
0x55: {  	_ =	shalt  }
0x56: {  	_ =	shalt  }
0x57: {  	_ =	shalt  }
0x58: {  	_ =	shalt  }
0x59: {  	_ =	shalt  }
0x5a: {  	_ =	shalt  }
0x5b: {  	_ =	shalt  }
0x5c: {  	_ =	shalt  }
0x5d: {  	_ =	shalt  }
0x5e: {  	_ =	shalt  }
0x5f: {  	_ =	shalt  }
0x60: {  	_ =	shalt  }
0x61: {  	_ =	shalt  }
0x62: {  	_ =	shalt  }
0x63: {  	_ =	shalt  }
0x64: {  	_ =	shalt  }
0x65: {  	_ =	shalt  }
0x66: {  	_ =	shalt  }
0x67: {  	_ =	shalt  }
0x68: {  	_ =	shalt  }
0x69: {  	_ =	shalt  }
0x6a: {  	_ =	shalt  }
0x6b: {  	_ =	shalt  }
0x6c: {  	_ =	shalt  }
0x6d: {  	_ =	shalt  }
0x6e: {  	_ =	shalt  }
0x6f: {  	_ =	shalt  }
0x70: {  	_ =	shalt  }
0x71: {  	_ =	shalt  }
0x72: {  	_ =	shalt  }
0x73: {  	_ =	shalt  }
0x74: {  	_ =	shalt  }
0x75: {  	_ =	shalt  }
0x76: {  	_ =	shalt  }
0x77: {  	_ =	shalt  }
0x78: {  	_ =	shalt  }
0x79: {  	_ =	shalt  }
0x7a: {  	_ =	shalt  }
0x7b: {  	_ =	shalt  }
0x7c: {  	_ =	shalt  }
0x7d: {  	_ =	shalt  }
0x7e: {  	_ =	shalt  }
0x7f: {  	_ =	shalt  }
0x80: {  	_ =	shalt  }
0x81: {  	_ =	shalt  }
0x82: {  	_ =	shalt  }
0x83: {  	_ =	shalt  }
0x84: {  	_ =	shalt  }
0x85: {  	_ =	shalt  }
0x86: {  	_ =	shalt  }
0x87: {  	_ =	shalt  }
.Lfunc_end0:
.L_simem_size_0:
called_computation_lowered:
.L_overlay_start_0:
0x88: {  	s2 =	sld [smem:$0x3FD9]  }
0x89: {  	s3 =	sld [smem:$0x3FFE];
	_ =	sdelay $0x1  }
0x8a: {  	s1 =	srdreg.scid  }
0x8b: {  	s0 =	sand.u32 $0x1, s1  }
0x8c: {  	s14 =	sshll.u32 s0, $0xA;
	s2 =	sadd.s32 s3, s2  }
0x8d: {  	s2 =	sadd.s32 s2, s14  }
0x8e: {  	[smem:$0x3FC6] =	sst s2  }
0x8f: {  	_ = 	snop  }
0x90: {  	s2 =	sld [smem:$0x3FD0];
	_ =	sdelay $0x2  }
0x91: {  	s15 =	simm.s32 $0xA;
	s4 =	simm.s32 $0x10  }
0x92: {  	[smem:s4], [sflag:s15] =	dma.local [hbm:s2], $0x1  }
0x93: {  	_ =	swait.eq [sflag:s15], $0x1  }
0x94: {  	[sflag:s15] =	ssyncset.done $0x0  }
0x95: {  	[sflag:s15] =	ssyncadd.s32 $0xFFFFFFFF  }
0x96: {  	s16 =	sld [smem:$0x10];
	(tm) =	ssettm $0x1  }
0x97: {  	s17 =	sld [smem:$0x3FFB];
	_ =	sdelay $0x3  }
0x98: {  	_ =	strace s17  }
0x99: {  	s3 =	sld [smem:$0x3FFC];
	_ =	sdelay $0x3  }
0x9a: {  	_ =	strace s3  }
0x9b: {  	s3 =	sld [smem:$0x3FFD];
	_ =	sdelay $0x3  }
0x9c: {  	_ =	strace s3  }
0x9d: {  	_ =	strace $0x8FFFFFFF  }
0x9e: {  	s18 =	sld [smem:$0x3FDB];
	_ =	sdelay $0x1  }
0x9f: {  	s19 =	simm.s32 $_scs_section_size  }
0xa0: {  	s5 =	simm.s32 $_size__tile_overlayer_lowered;
	s6 =	simm.s32 $_tile_overlayer_lowered  }
0xa1: {  	s22 =	simm.s32 $0x1BFF;
	s21 =	sshll.u32 s6, $0x1;
	s3 =	sadd.s32 s19, s18  }
0xa2: {  	s7 =	simm.s32 $0x0;
	s20 =	sshll.u32 s5, $0x1;
	s5 =	sadd.s32 s21, s3  }
0xa3: {  	[timem:s7], [sflag:s22] =	dma.local [hbm:s5], s20  }
0xa4: {  	_ =	swait.ge [sflag:s22], s20  }
0xa5: {  	s4 =	ssub.s32 $0x0, s20;
	[sflag:s22] =	ssyncset.done $0x0  }
0xa6: {  	[sflag:s22] =	ssyncadd.s32 s4;
	_ =	sdelay $0x1  }
0xa7: {  	s23 =	simm.s32 $0x1B8B  }
0xa8: {  	_ =	swait.ge [sflag:s23], $0x1  }
0xa9: {  	[sflag:s23] =	ssyncset.done $0x0  }
0xaa: {  	s25 =	simm.s32 $0x1B8E;
	s24 =	sld [smem:$0x3FFE];
	[sflag:s23] =	ssyncadd.s32 $0xFFFFFFFF  }
0xab: {  	s26 =	simm.s32 $execute0_lowered;
	[smem:$0x3FD2] =	sst s25  }
0xac: {  	s5 =	sshll.u32 s26, $0x1;
	_ =	strace $0x80000049;
	[dreg:$0x1] =	wrdreg $0xFFFFFFFF  }
0xad: {  	s28 =	simm.s32 $_size_execute0_lowered;
	s3 =	sadd.s32 s3, s5;
	[dreg:$0x0] =	wrdreg $0x0  }
0xae: {  	s5 =	sshll.u32 s28, $0x1;
	[dreg:$0x2] =	wrdreg s3  }
0xaf: {  	[dreg:$0x3] =	wrdreg s5  }
0xb0: {  	[dreg:$0x4] =	wrdreg $0xC0  }
0xb1: {  	_ =	task [dreg:s7], $0x5FFFF  }
0xb2: {  	[dreg:$0x1] =	wrdreg $0xFFFFFFFF  }
0xb3: {  	[dreg:$0x0] =	wrdreg $0x60  }
0xb4: {  	[dreg:$0x2] =	wrdreg s24  }
0xb5: {  	[dreg:$0x3] =	wrdreg s16  }
0xb6: {  	[dreg:$0x4] =	wrdreg $0x9  }
0xb7: {  	_ =	task.clear_ibuf [dreg:s7], $0x5FFFF;
	_ =	strace $0x90000049  }
0xb8: {  	s29 =	simm.s32 $0x9;
	_ =	strace $0x8000004B  }
0xb9: {  	_ =	swait.ge [sflag:s29], $0x1  }
0xba: {  	[sflag:s29] =	ssyncadd.s32 $0xFFFFFFFF  }
0xbb: {  	_ =	strace $0x9000004B  }
0xbc: {  	_ =	sfence  }
0xbd: {  	s30 =	sld [smem:$0x0];
	_ =	sdelay $0x2  }
0xbe: {  	s31 =	sshll.u32 s1, $0xD;
	s1 =	sshrl.u32 s1, $0x2  }
0xbf: {  	s3 =	sand.u32 $0x4000, s31;
	s1 =	sadd.s32 s1, s30  }
0xc0: {  	s0 =	sor.u32 s3, s0;
	s1 =	sshll.u32 s1, $0x11  }
0xc1: {  	s0 =	sor.u32 s1, s0  }
0xc2: {  	s0 =	sadd.s32 $0x8F2B, s0  }
0xc3: {  	[sflag:s0] =	ssyncadd.remote.s32 $0x1  }
0xc4: {  	_ =	sfence.sel $0xFFFF  }
0xc5: {  	[dreg:$0x0] =	wrdreg $0xFFFFFFFF;
	(pc) =	sbr.abs _section_cstart, $3  }
0xc6: {  	[dreg:$0x1] =	wrdreg $0xFFFFFFFF  }
0xc7: {  	_ =	task.clear_ibuf [dreg:s7], $0x2FFFF;
	_ =	strace $0x9FFFFFFF  }
0xc8: {  	(tm) =	ssettm $0x7FFFFFFF  }
0xc9: {  	_ =	shalt  }
tec
execute0_lowered:
.L_overlay_start_1:
0x0: {  	(tag) =	ssettag $0x1  }
0x1: {  	s7 =	rddreg [dreg:$0x0]  }
0x2: {  	s2 =	rddreg [dreg:$0x1]  }
0x3: {  	s0 =	rddreg [dreg:$0x2]  }
0x4: {  	s1 =	srdreg.scid;
	_ =	strace $0x8000004A;
	s4 =	simm.s32 $0x1  }
0x5: {  	s9 =	simm.s32 $0x3;
	s12 =	simm.s32 $0x0;
	s5 =	sshll.u32 s1, $0x4  }
.Ltmp0:
0x6: {  	s1 =	stileid.u32;
	s5 =	sand.u32 $0x10, s5;
	(pc) =	sbr.rel .LBB2_1-.Ltmp0, $4  }
0x7: {  	s10 =	simm.s32 $0x0;
	s3 =	sadd.s32 $0x1400, s7;
	s6 =	sor.u32 s1, s5  }
0x8: {  	[sflag:s4] =	ssyncpa.u1 $0x0;
	s5 =	simm.s32 $0x2;
	s6 =	sshll.u32 s6, $0x8  }
0x9: {  	s7 =	sadd.s32 $0x9D800, s7;
	[sflag:s5] =	ssyncpa.u1 $0x0;
	s8 =	sadd.s32 $0x100, s6  }
0xa: {  	v0 =	vimm.s32 $0x0;
	vm0 =	vmmov $0xff;
	vm1 =	vcmask $0x3F20;
	[sflag:s9] =	ssyncpa.u1 $0x0;
	s9 =	simm.s32 $0x100;
	s11 =	smov.u32 s6  }
.LBB2_9:
0xb: {  	p0 =	seq.s32 s10, $0x2  }
.Ltmp1:
0xc: {  	_ = 	snop;
	(pc) =	sbr.rel @p0 .LBB2_11-.Ltmp1, $1  }
0xd: {  	_ =	sdelay $0x3  }
.LBB2_10:
0xe: {  	s12 =	sadd.s32 $0x100, s11  }
0xf: {  	s13 =	smov.u32 s6;
	p0 =	slt.s32 s12, s8  }
0x10: {  	s13 =	smov.u32 @p0 s12  }
0x11: {  	s10 =	sadd.s32 $0x1, s10;
	s12 =	smov.u32 s11;
	s11 =	smov.u32 s13  }
.LBB2_1:
0x12: {  	p0 =	sne.s32 s10, $0x0  }
.Ltmp2:
0x13: {  	_ = 	snop;
	(pc) =	sbr.rel @!p0 .LBB2_2-.Ltmp2, $1  }
0x14: {  	_ =	sdelay $0x3  }
0x15: {  	s13 =	sand.u32 $0x1, s10  }
0x16: {  	p0 =	seq.s32 s13, $0x0  }
.Ltmp3:
0x17: {  	_ = 	snop;
	(pc) =	sbr.rel @p0 .LBB2_9-.Ltmp3, $1  }
0x18: {  	_ =	sdelay $0x3  }
0x19: {  	_ =	swait.ge [sflag:s5], $0x100  }
0x1a: {  	[sflag:s5] =	ssyncset.done $0x0  }
0x1b: {  	s13 =	simm.s32 $0x0;
	[sflag:s5] =	ssyncadd.s32 $0xFFFFFF00  }
0x1c: {  	v1 =	vld.msk [tilespmem:s13+$0x100 ss:$0x1], $0xffff;
	_ =	sdelay $0x4  }
0x1d: {  	v2 =	vand.u32 $0x1, v1;
	v3 =	vshll.u32 v1, $0x6  }
0x1e: {  	vm2 =	veq.s32 v1, $0x80000000;
	vm3 =	veq.s32 v2, $0x1;
	v1 =	vand.u32 $0x3FFF80, v3  }
0x1f: {  	v2 =	vsel vm3, $0x271000, v0;
	v1 =	vsel vm2, $0xFFFFFF80, v1  }
0x20: {  	v2 =	vsel vm2, $0xFFD8F000, v2;
	v3 =	vand.u32 $0xFFFFFC00, v1  }
0x21: {  	v1 =	vand.u32 $0x380, v1;
	v2 =	vadd.s32 v2, v3  }
0x22: {  	v1 =	vor.u32 v1, v2  }
0x23: {  	v1 =	vshrl.u32 v1, $0x3;
	_ =	sdelay $0x3  }
0x24: {  	s13 =	simm.s32 $0x8200  }
0x25: {  	[tilespmem:s13], [sflag:$0x1] =	stream.indirect_vreg.gather [hbm:s3], $0x80, v1, vm0, $0x38;
	[tilespmem:$0x10200] =	vst v63  }
0x26: {  	s14 =	simm.s32 $0x8600;
	s31 =	simm.s32 $0x10  }
0x27: {  	[tilespmem:s14], [sflag:$0x1] =	stream.indirect_vreg.gather [hbm:s3], $0x80, v1, vm1, $0x38;
	[tilespmem:$0x10200] =	vst v63  }
0x28: {  	s14 =	simm.s32 $0x80;
	v1 =	vld.msk [tilespmem:s31+$0x100 ss:$0x1], $0xffff  }
.LBB2_5:
0x29: {  	p0 =	sne.s32 s14, $0x3C0;
	_ =	sdelay $0x4  }
0x2a: {  	v2 =	vand.u32 $0x1, v1;
	v3 =	vshll.u32 v1, $0x6  }
0x2b: {  	vm2 =	veq.s32 v1, $0x80000000;
	vm3 =	veq.s32 v2, $0x1;
	v1 =	vand.u32 $0x3FFF80, v3  }
0x2c: {  	v2 =	vsel vm3, $0x271000, v0;
	v1 =	vsel vm2, $0xFFFFFF80, v1  }
0x2d: {  	v2 =	vsel vm2, $0xFFD8F000, v2;
	v3 =	vand.u32 $0xFFFFFC00, v1  }
0x2e: {  	v1 =	vand.u32 $0x380, v1;
	v2 =	vadd.s32 v2, v3  }
0x2f: {  	v1 =	vor.u32 v1, v2  }
0x30: {  	v1 =	vshrl.u32 v1, $0x3;
	_ =	sdelay $0x3  }
.Ltmp4:
0x31: {  	s13 =	sadd.s32 $0x800, s13;
	(pc) =	sbr.rel @p0 .LBB2_5-.Ltmp4, $4  }
0x32: {  	[tilespmem:s13], [sflag:$0x1] =	stream.indirect_vreg.gather [hbm:s3], $0x80, v1, vm0, $0x38;
	[tilespmem:$0x10200] =	vst v63  }
0x33: {  	s15 =	sshra.s32 s14, $0x2;
	s16 =	sadd.s32 $0x400, s13  }
0x34: {  	[tilespmem:s16], [sflag:$0x1] =	stream.indirect_vreg.gather [hbm:s3], $0x80, v1, vm1, $0x38;
	[tilespmem:$0x10200] =	vst v63  }
0x35: {  	s14 =	sadd.s32 $0x40, s14;
	v1 =	vld.msk [tilespmem:s15+$0x100 ss:$0x1], $0xffff  }
0x36: {  	_ =	sdelay $0x3  }
0x37: {  	v2 =	vand.u32 $0x1, v1;
	v3 =	vshll.u32 v1, $0x6  }
0x38: {  	vm2 =	veq.s32 v1, $0x80000000;
	vm3 =	veq.s32 v2, $0x1;
	v1 =	vand.u32 $0x3FFF80, v3  }
0x39: {  	v2 =	vsel vm3, $0x271000, v0;
	v1 =	vsel vm2, $0xFFFFFF80, v1  }
0x3a: {  	v2 =	vsel vm2, $0xFFD8F000, v2;
	v3 =	vand.u32 $0xFFFFFC00, v1  }
0x3b: {  	v1 =	vand.u32 $0x380, v1;
	v2 =	vadd.s32 v2, v3  }
0x3c: {  	v1 =	vor.u32 v1, v2  }
0x3d: {  	v1 =	vshrl.u32 v1, $0x3;
	_ =	sdelay $0x3  }
0x3e: {  	s13 =	sadd.s32 $0x800, s13  }
0x3f: {  	[tilespmem:s13], [sflag:$0x1] =	stream.indirect_vreg.gather [hbm:s3], $0x80, v1, vm0, $0x38;
	[tilespmem:$0x10200] =	vst v63  }
0x40: {  	s13 =	sadd.s32 $0x400, s13  }
0x41: {  	[tilespmem:s13], [sflag:$0x1] =	stream.indirect_vreg.gather [hbm:s3], $0x80, v1, vm1, $0x38;
	[tilespmem:$0x10200] =	vst v63  }
0x42: {  	s12 =	sshll.u32 s12, $0x4;
	s14 =	simm.s32 $0x80;
	_ =	swait.ge [sflag:s4], $0x8000  }
0x43: {  	s15 =	simm.s32 $0x8600;
	s12 =	sadd.s32 s12, s7;
	[sflag:s4] =	ssyncset.done $0x0  }
0x44: {  	s16 =	sadd.s32 $0x0, s12;
	s13 =	simm.s32 $0x8200;
	[sflag:s4] =	ssyncadd.s32 $0xFFFF8000  }
.LBB2_7:
0x45: {  	[hbm:s16] =	stream.linear.scatter [tilespmem:s13], [sflag:$0x3], $0x400, $0x38;
	[tilespmem:$0x10200] =	vst v63  }
0x46: {  	s16 =	smov.u32 s14;
	s13 =	smov.u32 s15;
	p0 =	sne.s32 s14, $0xF80  }
.Ltmp5:
0x47: {  	s14 =	sadd.s32 $0x80, s14;
	(pc) =	sbr.rel @p0 .LBB2_7-.Ltmp5, $2  }
0x48: {  	_ =	sdelay $0x2  }
0x49: {  	s15 =	sadd.s32 $0x400, s15;
	s16 =	sadd.s32 s16, s12  }
.Ltmp6:
0x4a: {  	(pc) =	sbr.rel .LBB2_9-.Ltmp6, $2  }
0x4b: {  	_ =	sdelay $0x2  }
0x4c: {  	[hbm:s16] =	stream.linear.scatter [tilespmem:s13], [sflag:$0x3], $0x400, $0x38;
	[tilespmem:$0x10200] =	vst v63  }
.LBB2_2:
.Ltmp7:
0x4d: {  	(pc) =	sbr.rel .LBB2_10-.Ltmp7, $4  }
0x4e: {  	_ = 	snop  }
0x4f: {  	s12 =	sshrl.u32 s11, $0x3  }
0x50: {  	s13 =	sand.u32 $0x7, s11;
	s12 =	sadd.s32 s2, s12  }
0x51: {  	[tilespmem:s9], [sflag:$0x2] =	stream.linear.gather [hbm4b:s12+s13], $0x100, $0x38;
	[tilespmem:$0x10200] =	vst v63  }
.LBB2_11:
0x52: {  	s2 =	simm.s32 $0x3  }
0x53: {  	_ =	swait.ge [sflag:s2], $0x8000  }
0x54: {  	[sflag:s2] =	ssyncset.done $0x0  }
0x55: {  	[sflag:s2] =	ssyncadd.s32 $0xFFFF8000  }
0x56: {  	_ =	sfence.sel $0x180000  }
0x57: {  	s3 =	simm.s32 $0x2;
	[bflag:$0x0] =	sbarrier.arrive $0xFFFF  }
0x58: {  	[sflag:s3] =	ssyncpa.u1 $0x1  }
0x59: {  	s31 =	simm.s32 $0x1;
	[sflag:s2] =	ssyncpa.u1 $0x1  }
0x5a: {  	[sflag:s31] =	ssyncpa.u1 $0x1  }
0x5b: {  	p0 =	sne.s32 s1, $0x0;
	_ =	strace $0x9000004A  }
0x5c: {  	s0 =	sadd.s32 @!p0 $0x100000, s0;
	[bflag:$0x2] =	sbarrier.arrive $0xFFFF  }
0x5d: {  	[sflag:s0] =	ssyncadd.tile.s32 @!p0 $0x1;
	_ =	shalt  }
.Lfunc_end2:
_tile_overlayer_lowered:
.L_overlay_start_2:
0x5e: {  	(tag) =	ssettag $0x2  }
0x5f: {  	s0 =	rddreg [dreg:$0x0];
	s2 =	stileid.u32  }
0x60: {  	s1 =	rddreg [dreg:$0x1];
	p0 =	sne.s32 s2, $0x0  }
0x61: {  	s3 =	rddreg [dreg:$0x2];
	[bflag:$0x3] =	sbarrier.arrive $0xFFFF;
	s2 =	simm.s32 @!p0 $0x1C01  }
0x62: {  	[timem:s3], [sflag:s2] =	dma.local @!p0 [hbm:s0], s1  }
0x63: {  	s0 =	simm.s32 @!p0 $0x1  }
0x64: {  	_ =	swait.ge @!p0 [sflag:s0], s1  }
0x65: {  	s1 =	ssub.s32 @!p0 $0x0, s1;
	[sflag:s0] =	ssyncset.done @!p0 $0x0  }
0x66: {  	[sflag:s0] =	ssyncadd.s32 @!p0 s1  }
0x67: {  	[bflag:$0x3] =	sbarrier.arrive $0xFFFF  }
0x68: {  	_ =	shalt  }

</sc_bundles>
